<compile_context>
chip_gen: v7x
topology: tpu7x:2x2x1
jax: 0.10.2.dev20260603
libtpu: 0.0.44.dev20260713+nightly
codegen_flags: <defaults>
</compile_context>

<pallas_src>
import functools

import jax
import jax.numpy as jnp
from jax import lax
from jax.experimental import pallas as pl
from jax.experimental.pallas import tpu as pltpu
from jax.experimental.pallas import tpu_sc as plsc

N = 10000
D = 512
B = 256
NS = 256
ES = 2048
THRESHOLD = 0.1
DW = D // 2
NPAD = 10240
KBLK = 2048
RB = 512
NC = 2
NSUB = 16
NW = NC * NSUB
NPW = B // NW
GCH = 64
IOFF = 16
NCHUNK = 1
MN = 16


def _norm_body(f_ref, t_ref, v_ref, local_ref, dtab_ref):
    i = pl.program_id(0)
    f = f_ref[...]
    t = t_ref[...]
    v = v_ref[...]
    eps = 1e-12
    fn = f / jnp.maximum(jnp.sqrt(jnp.sum(f * f, axis=1, keepdims=True)), eps)
    en = t / jnp.maximum(jnp.sqrt(jnp.sum(t * t, axis=1, keepdims=True)), eps)
    lc = en - v
    lcn = lc / jnp.maximum(jnp.sqrt(jnp.sum(lc * lc, axis=1, keepdims=True)), eps)
    lcb = lcn.astype(jnp.bfloat16)
    lo = lax.bitcast_convert_type(lcb[:, :DW], jnp.uint16).astype(jnp.uint32)
    hi = lax.bitcast_convert_type(lcb[:, DW:], jnp.uint16).astype(jnp.uint32)
    local_ref[...] = (lo | (hi << 16)).astype(jnp.int32)
    rid = i * RB + lax.broadcasted_iota(jnp.int32, (RB, 1), 0)
    dtab_ref[...] = jnp.where(rid < N, fn - en, 0.0)


def _normalize(feature, text_embedding, virtual):
    grid = NPAD // RB
    return pl.pallas_call(
        _norm_body,
        grid=(grid,),
        in_specs=[
            pl.BlockSpec((RB, D), lambda i: (i, 0)),
            pl.BlockSpec((RB, D), lambda i: (i, 0)),
            pl.BlockSpec((1, D), lambda i: (0, 0)),
        ],
        out_specs=[
            pl.BlockSpec((RB, DW), lambda i: (i, 0)),
            pl.BlockSpec((RB, D), lambda i: (i, 0)),
        ],
        out_shape=[
            jax.ShapeDtypeStruct((N, DW), jnp.int32),
            jax.ShapeDtypeStruct((NPAD, D), jnp.float32),
        ],
    )(feature, text_embedding, virtual)


def _sc_body(b0, npw, local_hbm, nidx_hbm, ee_hbm,
             teb_hbm, adj_hbm, cnt_hbm,
             idx_v, rows_v, rows_v2, er_v, ec_v, adjbuf, cb1, cb2,
             sem, sem2):
    wid = lax.axis_index("s") * NC + lax.axis_index("c")

    z16f = jnp.zeros((16,), jnp.float32)
    one16f = jnp.ones((16,), jnp.float32)
    io16f = lax.iota(jnp.int32, 16).astype(jnp.float32)

    def _z_adj(r, _):
        for cc in range(NS // 16):
            adjbuf[r, pl.ds(cc * 16, 16)] = z16f
        return _
    lax.fori_loop(0, NS, _z_adj, None)

    def _z_cb(i, _):
        cb1[pl.ds(i * 16, 16)] = z16f
        cb2[pl.ds(i * 16, 16)] = z16f
        return _
    lax.fori_loop(0, NPAD // 16, _z_cb, None)

    def _node(j, _):
        bl = wid * npw + j
        b = b0 + bl

        idx_v[pl.ds(0, 16)] = jnp.full((16,), -1, jnp.int32)
        idx_v[pl.ds(IOFF + NS, 16)] = jnp.full((16,), 0x40000000, jnp.int32)
        pltpu.sync_copy(nidx_hbm.at[pl.ds(b * NS, NS)],
                        idx_v.at[pl.ds(IOFF, NS)])
        pltpu.sync_copy(ee_hbm.at[pl.ds((2 * b) * ES, ES)], er_v)
        pltpu.sync_copy(ee_hbm.at[pl.ds((2 * b + 1) * ES, ES)], ec_v)

        def _adj_set(k, _):
            er = er_v[pl.ds(k * 16, 16)]
            ec = ec_v[pl.ds(k * 16, 16)]
            plsc.store_scatter(adjbuf, [er, ec], one16f)
            return _
        lax.fori_loop(0, ES // 16, _adj_set, None)
        adj_dma = pltpu.async_copy(
            adjbuf, adj_hbm.at[pl.ds(bl * NS, NS)], sem2)

        bufs = [rows_v, rows_v2]
        g = pltpu.async_copy(
            local_hbm.at[idx_v.at[pl.ds(IOFF, GCH)]], bufs[0], sem)
        for kk in range(NS // GCH):
            g.wait()
            if kk + 1 < NS // GCH:
                g = pltpu.async_copy(
                    local_hbm.at[idx_v.at[pl.ds(IOFF + (kk + 1) * GCH, GCH)]],
                    bufs[(kk + 1) % 2], sem)
            pltpu.sync_copy(bufs[kk % 2],
                            teb_hbm.at[pl.ds(bl * NS + kk * GCH, GCH)])

        def _runs(k, _):
            v = idx_v[pl.ds(IOFF + k * 16, 16)]
            vp = idx_v[pl.ds(IOFF - 1 + k * 16, 16)]
            vn = idx_v[pl.ds(IOFF + 1 + k * 16, 16)]
            first = v != vp
            last = v != vn
            gp = k.astype(jnp.float32) * 16.0 + io16f
            plsc.store_scatter(cb2, [v], gp, mask=first)
            plsc.store_scatter(cb1, [v], gp + 1.0, mask=last)
            return _
        lax.fori_loop(0, NS // 16, _runs, None)

        def _counts(k, _):
            v = idx_v[pl.ds(IOFF + k * 16, 16)]
            vn = idx_v[pl.ds(IOFF + 1 + k * 16, 16)]
            last = v != vn
            gp = k.astype(jnp.float32) * 16.0 + io16f
            firstpos = plsc.load_gather(cb2, [v])
            plsc.store_scatter(cb1, [v], gp + 1.0 - firstpos, mask=last)
            return _
        lax.fori_loop(0, NS // 16, _counts, None)

        pltpu.sync_copy(cb1, cnt_hbm.at[pl.ds(bl * NPAD, NPAD)])

        def _restore(k, _):
            v = idx_v[pl.ds(IOFF + k * 16, 16)]
            plsc.store_scatter(cb1, [v], z16f)
            plsc.store_scatter(cb2, [v], z16f)
            return _
        lax.fori_loop(0, NS // 16, _restore, None)

        adj_dma.wait()

        def _adj_clr(k, _):
            er = er_v[pl.ds(k * 16, 16)]
            ec = ec_v[pl.ds(k * 16, 16)]
            plsc.store_scatter(adjbuf, [er, ec], z16f)
            return _
        lax.fori_loop(0, ES // 16, _adj_clr, None)
        return _

    lax.fori_loop(0, npw, _node, None)


def _sc_gather_scatter(local, nidx_flat, ee_flat, b0, hb):
    mesh = plsc.VectorSubcoreMesh(
        core_axis_name="c", subcore_axis_name="s",
        num_cores=NC, num_subcores=NSUB)
    fn = functools.partial(
        pl.kernel, functools.partial(_sc_body, b0, hb // NW),
        out_type=[
            jax.ShapeDtypeStruct((hb * NS, DW), jnp.int32),
            jax.ShapeDtypeStruct((hb * NS, NS), jnp.float32),
            jax.ShapeDtypeStruct((hb * NPAD,), jnp.float32),
        ],
        mesh=mesh,
        compiler_params=pltpu.CompilerParams(needs_layout_passes=False),
        scratch_types=[
            pltpu.VMEM((IOFF + NS + 16,), jnp.int32),
            pltpu.VMEM((GCH, DW), jnp.int32),
            pltpu.VMEM((GCH, DW), jnp.int32),
            pltpu.VMEM((ES,), jnp.int32),
            pltpu.VMEM((ES,), jnp.int32),
            pltpu.VMEM((NS, NS), jnp.float32),
            pltpu.VMEM((NPAD,), jnp.float32),
            pltpu.VMEM((NPAD,), jnp.float32),
            pltpu.SemaphoreType.DMA,
            pltpu.SemaphoreType.DMA,
        ],
    )()
    return fn(local, nidx_flat, ee_flat)


def _fdiff_body(c_ref, d_ref, out_ref, acc):
    k = pl.program_id(0)

    @pl.when(k == 0)
    def _():
        acc[...] = jnp.zeros_like(acc)

    acc[...] += lax.dot_general(
        c_ref[...], d_ref[...], (((1,), (0,)), ((), ())),
        preferred_element_type=jnp.float32,
        precision=lax.Precision.HIGHEST)

    @pl.when(k == pl.num_programs(0) - 1)
    def _():
        s = acc[...]
        fd = jnp.sqrt(jnp.sum(s * s, axis=1, keepdims=True)) / NS
        out_ref[...] = jnp.broadcast_to(fd, (out_ref.shape[0], 128))


def _fdiff(cnt, dtab):
    hb = cnt.shape[0]
    return pl.pallas_call(
        _fdiff_body,
        grid=(NPAD // KBLK,),
        in_specs=[
            pl.BlockSpec((hb, KBLK), lambda k: (0, k)),
            pl.BlockSpec((KBLK, D), lambda k: (k, 0)),
        ],
        out_specs=pl.BlockSpec((hb, 128), lambda k: (0, 0)),
        out_shape=jax.ShapeDtypeStruct((hb, 128), jnp.float32),
        scratch_shapes=[pltpu.VMEM((hb, D), jnp.float32)],
    )(cnt, dtab)


def _sdiff_body(teb_ref, adj_ref, u_ref, out_ref):
    dn = (((1,), (1,)), ((), ()))
    for mn in range(MN):
        tw = teb_ref[pl.ds(mn * NS, NS), :]
        lo = lax.bitcast_convert_type(
            (tw & 0xFFFF).astype(jnp.uint16), jnp.bfloat16)
        hi = lax.bitcast_convert_type(
            (lax.shift_right_logical(tw, 16)).astype(jnp.uint16), jnp.bfloat16)
        sim = (lax.dot_general(lo, lo, dn, preferred_element_type=jnp.float32)
               + lax.dot_general(hi, hi, dn, preferred_element_type=jnp.float32))
        u = u_ref[mn]
        g = -jnp.log(-jnp.log(u + 1e-9) + 1e-9)
        z = sim - THRESHOLD + g
        e = jnp.exp(z)
        p = e / jnp.sum(e, axis=1, keepdims=True)
        df = adj_ref[pl.ds(mn * NS, NS), :] - p
        sr = jnp.sqrt(jnp.sum(df * df, axis=1, keepdims=True))
        sdiff = jnp.sum(sr) / NS
        out_ref[pl.ds(mn, 1)] = jnp.full((1, 1, 128), sdiff, jnp.float32)


def _sdiff(teb, adj2, gumbel):
    hb = teb.shape[0] // NS
    return pl.pallas_call(
        _sdiff_body,
        grid=(hb // MN,),
        in_specs=[
            pl.BlockSpec((MN * NS, DW), lambda i: (i, 0)),
            pl.BlockSpec((MN * NS, NS), lambda i: (i, 0)),
            pl.BlockSpec((MN, NS, NS), lambda i: (i, 0, 0)),
        ],
        out_specs=pl.BlockSpec((MN, 1, 128), lambda i: (i, 0, 0)),
        out_shape=jax.ShapeDtypeStruct((hb, 1, 128), jnp.float32),
    )(teb, adj2, gumbel)


def _final_body(sd_ref, fd_ref, y_ref, score_ref, loss_ref):
    sraw = sd_ref[...] + fd_ref[...]
    mn = jnp.min(sraw)
    mx = jnp.max(sraw)
    sc = (sraw - mn) / (mx - mn)
    y = y_ref[...]
    logp = jnp.maximum(jnp.log(sc), -100.0)
    log1mp = jnp.maximum(jnp.log(1.0 - sc), -100.0)
    bce = -jnp.mean(y * logp + (1.0 - y) * log1mp)
    score_ref[...] = sc
    loss_ref[...] = jnp.full((8, 128), bce / B, jnp.float32)


def _finalize(sdcol, fdcol, ytab):
    return pl.pallas_call(
        _final_body,
        out_shape=[
            jax.ShapeDtypeStruct((B, 128), jnp.float32),
            jax.ShapeDtypeStruct((8, 128), jnp.float32),
        ],
    )(sdcol, fdcol, ytab)


def kernel(feature, text_embedding, virtual, gumbel_noise, train_nodes,
           neighbor_idx, ego_edges, train_label):
    local, dtab = _normalize(feature, text_embedding, virtual)
    nidx_flat = neighbor_idx.reshape(B * NS)
    ee_flat = ego_edges.reshape(B * 2 * ES)
    hb = B // NCHUNK
    sds, fds = [], []
    for c in range(NCHUNK):
        teb, adjf, cnt = _sc_gather_scatter(
            local, nidx_flat, ee_flat, c * hb, hb)
        sd3 = _sdiff(teb, adjf, gumbel_noise[c * hb:(c + 1) * hb])
        fds.append(_fdiff(cnt.reshape(hb, NPAD), dtab))
        sds.append(sd3.reshape(hb, 128))
    sdcol = jnp.concatenate(sds, axis=0)
    fdcol = jnp.concatenate(fds, axis=0)
    ytab = jnp.broadcast_to(
        train_label.astype(jnp.float32)[:, None], (B, 128))
    scoreb, lossb = _finalize(sdcol, fdcol, ytab)
    return scoreb[:, 0], lossb[0, 0]

# --- scband reference (transcript-rebuilt; emitter-appended) ---
"""Pipeline reference for scband-pg-few-63831803953155 (READ-ONLY COPY).

The authoritative reference and input builder live on the scoring server;
editing this copy changes nothing except your own understanding.
"""

import jax, jax.numpy as jnp
import numpy as np

N = 10000
D = 512
B = 256
NS = 256
ES = 2048
THRESHOLD = 0.1
ALPHA = 1.0


def _l2norm(x, axis=-1, eps=1e-12):
    n = jnp.sqrt(jnp.sum(x * x, axis=axis, keepdims=True))
    return x / jnp.maximum(n, eps)


def setup_inputs(seed: int = 0) -> dict:
    key = jax.random.key(seed)
    ks = jax.random.split(key, 8)
    feature = jax.random.normal(ks[0], (N, D), dtype=jnp.float32)
    text_embedding = jax.random.normal(ks[1], (N, D), dtype=jnp.float32)
    virtual = jax.random.normal(ks[2], (1, D), dtype=jnp.float32)
    gumbel_noise = jax.random.uniform(ks[3], (B, NS, NS), dtype=jnp.float32)
    train_nodes = jax.random.randint(ks[4], (B,), 0, N, dtype=jnp.int32)
    neighbor_idx = jnp.sort(jax.random.randint(ks[5], (B, NS), 0, N, dtype=jnp.int32), axis=-1)
    ego_edges = jax.random.randint(ks[6], (B, 2, ES), 0, NS, dtype=jnp.int32)
    train_label = jax.random.randint(ks[7], (B,), 0, 2, dtype=jnp.int32)
    return {
        'feature': feature,
        'text_embedding': text_embedding,
        'virtual': virtual,
        'gumbel_noise': gumbel_noise,
        'train_nodes': train_nodes,
        'neighbor_idx': neighbor_idx,
        'ego_edges': ego_edges,
        'train_label': train_label,
    }


def reference(feature, text_embedding, virtual, gumbel_noise, train_nodes, neighbor_idx, ego_edges, train_label):
    # __init__ normalization
    feat_n = _l2norm(feature)
    emb_n = _l2norm(text_embedding)
    # forward: virtual prototype subtraction + renormalize
    local = _l2norm(emb_n - virtual)

    def per_node(idx_b, edges, u):
        # gather ego-net text embeddings (idx_batch sorted, precomputed fanout)
        teb = local[idx_b]                      # [NS, D]
        sim = teb @ teb.T - THRESHOLD           # [NS, NS]
        # gumbel_softmax (soft, tau=1) with externally supplied uniform noise
        g = -jnp.log(-jnp.log(u + 1e-9) + 1e-9)
        sim_sub = jax.nn.softmax(sim + g, axis=-1)
        # dense ego adjacency via scatter-overwrite
        adj = jnp.zeros((NS, NS), dtype=jnp.float32).at[edges[0], edges[1]].set(1.0)
        # s_diff: mean row-wise L2 norm of (adj - sim_sub)
        s_diff = jnp.mean(jnp.sqrt(jnp.sum((adj - sim_sub) ** 2, axis=1)))
        # f_diff
        emb_out = jnp.sum(feat_n[idx_b], axis=0) / NS
        emb_pg = jnp.sum(emb_n[idx_b], axis=0) / NS
        f_diff = jnp.sqrt(jnp.sum((emb_out - emb_pg) ** 2))
        return s_diff + ALPHA * f_diff

    score = jax.vmap(per_node)(neighbor_idx, ego_edges, gumbel_noise)
    score = (score - jnp.min(score)) / (jnp.max(score) - jnp.min(score))
    y = train_label.astype(jnp.float32)
    # BCELoss with PyTorch-style log clamping at -100
    logp = jnp.clip(jnp.log(score), -100.0, None)
    log1mp = jnp.clip(jnp.log(1.0 - score), -100.0, None)
    bce = -jnp.mean(y * logp + (1.0 - y) * log1mp)
    loss = bce / B
    return (score, loss)

if __name__ == "__main__":
    import jax
    _d = setup_inputs()
    print(jax.jit(kernel)(*tuple(_d.values())))

</pallas_src>

<mosaic_0001>
#map = affine_map<(d0, d1) -> (0, 0)>
#map1 = affine_map<(d0, d1) -> (0)>
module attributes {stable_mosaic.version = 14 : i64} {
  func.func @_sc_body(%arg0: i32, %arg1: i32, %arg2: memref<10000x256xi32, #tpu.memory_space<hbm>>, %arg3: memref<65536xi32, #tpu.memory_space<hbm>>, %arg4: memref<1048576xi32, #tpu.memory_space<hbm>>, %arg5: memref<65536x256xi32, #tpu.memory_space<hbm>>, %arg6: memref<65536x256xf32, #tpu.memory_space<hbm>>, %arg7: memref<2621440xf32, #tpu.memory_space<hbm>>, %arg8: memref<288xi32, #tpu.memory_space<vmem>>, %arg9: memref<64x256xi32, #tpu.memory_space<vmem>>, %arg10: memref<64x256xi32, #tpu.memory_space<vmem>>, %arg11: memref<2048xi32, #tpu.memory_space<vmem>>, %arg12: memref<2048xi32, #tpu.memory_space<vmem>>, %arg13: memref<256x256xf32, #tpu.memory_space<vmem>>, %arg14: memref<10240xf32, #tpu.memory_space<vmem>>, %arg15: memref<10240xf32, #tpu.memory_space<vmem>>, %arg16: memref<!tpu.dma_semaphore, #tpu.memory_space<semaphore_mem>>, %arg17: memref<!tpu.dma_semaphore, #tpu.memory_space<semaphore_mem>>) attributes {dimension_semantics = [#tpu.dimension_semantics<core_parallel>, #tpu.dimension_semantics<subcore_parallel>], iteration_bounds = array<i64: 2, 16>, scalar_prefetch = 0 : i64, scratch_operands = 10 : i64, tpu.core_type = #tpu.core_type<sc_vector_subcore>, window_params = [{transform_indices = #map}, {transform_indices = #map1}, {transform_indices = #map1}, {transform_indices = #map}, {transform_indices = #map}, {transform_indices = #map1}]} {
    %mul3A = arith.constant 2 : i32
    %mul3A_0 = arith.muli %arg1, %mul3A : i32
    %add3A = arith.addi %mul3A_0, %arg0 : i32
    %broadcast_in_dim3A = arith.constant 0.000000e+00 : f32
    %broadcast_in_dim3A_1 = vector.broadcast %broadcast_in_dim3A : f32 to vector<16xf32>
    %broadcast_in_dim3A_2 = arith.constant 1.000000e+00 : f32
    %broadcast_in_dim3A_3 = vector.broadcast %broadcast_in_dim3A_2 : f32 to vector<16xf32>
    %iota3A = tpu.iota {dimensions = array<i32: 0>} : vector<16xi32>
    %convert_element_type3A = arith.sitofp %iota3A : vector<16xi32> to vector<16xf32>
    %scan3A = arith.constant 0 : i32
    %scan3A_4 = arith.constant 256 : i32
    %scan3A_5 = arith.addi %scan3A, %scan3A_4 : i32
    %scan3A_6 = arith.constant 1 : i32
    scf.for %scan3A_18 = %scan3A to %scan3A_5 step %scan3A_6  : i32 {
      %swap3A = arith.index_cast %scan3A_18 : i32 to index
      %swap3A_19 = arith.constant 0 : index
      %swap3A_20 = tpu.vector_load %arg13[%swap3A, %swap3A_19] {strides = array<i32>} : memref<256x256xf32, #tpu.memory_space<vmem>>, vector<16xf32>,
      tpu.vector_store %arg13[%swap3A, %swap3A_19], %broadcast_in_dim3A_1 {strides = array<i32>} : memref<256x256xf32, #tpu.memory_space<vmem>>, vector<16xf32>,
      %swap3A_21 = arith.index_cast %scan3A_18 : i32 to index
      %swap3A_22 = arith.constant 16 : index
      %swap3A_23 = tpu.vector_load %arg13[%swap3A_21, %swap3A_22] {strides = array<i32>} : memref<256x256xf32, #tpu.memory_space<vmem>>, vector<16xf32>,
      tpu.vector_store %arg13[%swap3A_21, %swap3A_22], %broadcast_in_dim3A_1 {strides = array<i32>} : memref<256x256xf32, #tpu.memory_space<vmem>>, vector<16xf32>,
      %swap3A_24 = arith.index_cast %scan3A_18 : i32 to index
      %swap3A_25 = arith.constant 32 : index
      %swap3A_26 = tpu.vector_load %arg13[%swap3A_24, %swap3A_25] {strides = array<i32>} : memref<256x256xf32, #tpu.memory_space<vmem>>, vector<16xf32>,
      tpu.vector_store %arg13[%swap3A_24, %swap3A_25], %broadcast_in_dim3A_1 {strides = array<i32>} : memref<256x256xf32, #tpu.memory_space<vmem>>, vector<16xf32>,
      %swap3A_27 = arith.index_cast %scan3A_18 : i32 to index
      %swap3A_28 = arith.constant 48 : index
      %swap3A_29 = tpu.vector_load %arg13[%swap3A_27, %swap3A_28] {strides = array<i32>} : memref<256x256xf32, #tpu.memory_space<vmem>>, vector<16xf32>,
      tpu.vector_store %arg13[%swap3A_27, %swap3A_28], %broadcast_in_dim3A_1 {strides = array<i32>} : memref<256x256xf32, #tpu.memory_space<vmem>>, vector<16xf32>,
      %swap3A_30 = arith.index_cast %scan3A_18 : i32 to index
      %swap3A_31 = arith.constant 64 : index
      %swap3A_32 = tpu.vector_load %arg13[%swap3A_30, %swap3A_31] {strides = array<i32>} : memref<256x256xf32, #tpu.memory_space<vmem>>, vector<16xf32>,
      tpu.vector_store %arg13[%swap3A_30, %swap3A_31], %broadcast_in_dim3A_1 {strides = array<i32>} : memref<256x256xf32, #tpu.memory_space<vmem>>, vector<16xf32>,
      %swap3A_33 = arith.index_cast %scan3A_18 : i32 to index
      %swap3A_34 = arith.constant 80 : index
      %swap3A_35 = tpu.vector_load %arg13[%swap3A_33, %swap3A_34] {strides = array<i32>} : memref<256x256xf32, #tpu.memory_space<vmem>>, vector<16xf32>,
      tpu.vector_store %arg13[%swap3A_33, %swap3A_34], %broadcast_in_dim3A_1 {strides = array<i32>} : memref<256x256xf32, #tpu.memory_space<vmem>>, vector<16xf32>,
      %swap3A_36 = arith.index_cast %scan3A_18 : i32 to index
      %swap3A_37 = arith.constant 96 : index
      %swap3A_38 = tpu.vector_load %arg13[%swap3A_36, %swap3A_37] {strides = array<i32>} : memref<256x256xf32, #tpu.memory_space<vmem>>, vector<16xf32>,
      tpu.vector_store %arg13[%swap3A_36, %swap3A_37], %broadcast_in_dim3A_1 {strides = array<i32>} : memref<256x256xf32, #tpu.memory_space<vmem>>, vector<16xf32>,
      %swap3A_39 = arith.index_cast %scan3A_18 : i32 to index
      %swap3A_40 = arith.constant 112 : index
      %swap3A_41 = tpu.vector_load %arg13[%swap3A_39, %swap3A_40] {strides = array<i32>} : memref<256x256xf32, #tpu.memory_space<vmem>>, vector<16xf32>,
      tpu.vector_store %arg13[%swap3A_39, %swap3A_40], %broadcast_in_dim3A_1 {strides = array<i32>} : memref<256x256xf32, #tpu.memory_space<vmem>>, vector<16xf32>,
      %swap3A_42 = arith.index_cast %scan3A_18 : i32 to index
      %swap3A_43 = arith.constant 128 : index
      %swap3A_44 = tpu.vector_load %arg13[%swap3A_42, %swap3A_43] {strides = array<i32>} : memref<256x256xf32, #tpu.memory_space<vmem>>, vector<16xf32>,
      tpu.vector_store %arg13[%swap3A_42, %swap3A_43], %broadcast_in_dim3A_1 {strides = array<i32>} : memref<256x256xf32, #tpu.memory_space<vmem>>, vector<16xf32>,
      %swap3A_45 = arith.index_cast %scan3A_18 : i32 to index
      %swap3A_46 = arith.constant 144 : index
      %swap3A_47 = tpu.vector_load %arg13[%swap3A_45, %swap3A_46] {strides = array<i32>} : memref<256x256xf32, #tpu.memory_space<vmem>>, vector<16xf32>,
      tpu.vector_store %arg13[%swap3A_45, %swap3A_46], %broadcast_in_dim3A_1 {strides = array<i32>} : memref<256x256xf32, #tpu.memory_space<vmem>>, vector<16xf32>,
      %swap3A_48 = arith.index_cast %scan3A_18 : i32 to index
      %swap3A_49 = arith.constant 160 : index
      %swap3A_50 = tpu.vector_load %arg13[%swap3A_48, %swap3A_49] {strides = array<i32>} : memref<256x256xf32, #tpu.memory_space<vmem>>, vector<16xf32>,
      tpu.vector_store %arg13[%swap3A_48, %swap3A_49], %broadcast_in_dim3A_1 {strides = array<i32>} : memref<256x256xf32, #tpu.memory_space<vmem>>, vector<16xf32>,
      %swap3A_51 = arith.index_cast %scan3A_18 : i32 to index
      %swap3A_52 = arith.constant 176 : index
      %swap3A_53 = tpu.vector_load %arg13[%swap3A_51, %swap3A_52] {strides = array<i32>} : memref<256x256xf32, #tpu.memory_space<vmem>>, vector<16xf32>,
      tpu.vector_store %arg13[%swap3A_51, %swap3A_52], %broadcast_in_dim3A_1 {strides = array<i32>} : memref<256x256xf32, #tpu.memory_space<vmem>>, vector<16xf32>,
      %swap3A_54 = arith.index_cast %scan3A_18 : i32 to index
      %swap3A_55 = arith.constant 192 : index
      %swap3A_56 = tpu.vector_load %arg13[%swap3A_54, %swap3A_55] {strides = array<i32>} : memref<256x256xf32, #tpu.memory_space<vmem>>, vector<16xf32>,
      tpu.vector_store %arg13[%swap3A_54, %swap3A_55], %broadcast_in_dim3A_1 {strides = array<i32>} : memref<256x256xf32, #tpu.memory_space<vmem>>, vector<16xf32>,
      %swap3A_57 = arith.index_cast %scan3A_18 : i32 to index
      %swap3A_58 = arith.constant 208 : index
      %swap3A_59 = tpu.vector_load %arg13[%swap3A_57, %swap3A_58] {strides = array<i32>} : memref<256x256xf32, #tpu.memory_space<vmem>>, vector<16xf32>,
      tpu.vector_store %arg13[%swap3A_57, %swap3A_58], %broadcast_in_dim3A_1 {strides = array<i32>} : memref<256x256xf32, #tpu.memory_space<vmem>>, vector<16xf32>,
      %swap3A_60 = arith.index_cast %scan3A_18 : i32 to index
      %swap3A_61 = arith.constant 224 : index
      %swap3A_62 = tpu.vector_load %arg13[%swap3A_60, %swap3A_61] {strides = array<i32>} : memref<256x256xf32, #tpu.memory_space<vmem>>, vector<16xf32>,
      tpu.vector_store %arg13[%swap3A_60, %swap3A_61], %broadcast_in_dim3A_1 {strides = array<i32>} : memref<256x256xf32, #tpu.memory_space<vmem>>, vector<16xf32>,
      %swap3A_63 = arith.index_cast %scan3A_18 : i32 to index
      %swap3A_64 = arith.constant 240 : index
      %swap3A_65 = tpu.vector_load %arg13[%swap3A_63, %swap3A_64] {strides = array<i32>} : memref<256x256xf32, #tpu.memory_space<vmem>>, vector<16xf32>,
      tpu.vector_store %arg13[%swap3A_63, %swap3A_64], %broadcast_in_dim3A_1 {strides = array<i32>} : memref<256x256xf32, #tpu.memory_space<vmem>>, vector<16xf32>,
    }
    %scan3A_7 = arith.constant 256 : i32
    %scan3A_8 = arith.constant 0 : i32
    %scan3A_9 = arith.constant 640 : i32
    %scan3A_10 = arith.addi %scan3A_8, %scan3A_9 : i32
    %scan3A_11 = arith.constant 1 : i32
    scf.for %scan3A_18 = %scan3A_8 to %scan3A_10 step %scan3A_11  : i32 {
      %mul3A_19 = arith.constant 16 : i32
      %mul3A_20 = arith.muli %scan3A_18, %mul3A_19 : i32
      %swap3A = arith.index_cast %mul3A_20 : i32 to index
      %swap3A_21 = tpu.vector_load %arg14[%swap3A] {strides = array<i32>} : memref<10240xf32, #tpu.memory_space<vmem>>, vector<16xf32>,
      tpu.vector_store %arg14[%swap3A], %broadcast_in_dim3A_1 {strides = array<i32>} : memref<10240xf32, #tpu.memory_space<vmem>>, vector<16xf32>,
      %mul3A_22 = arith.constant 16 : i32
      %mul3A_23 = arith.muli %scan3A_18, %mul3A_22 : i32
      %swap3A_24 = arith.index_cast %mul3A_23 : i32 to index
      %swap3A_25 = tpu.vector_load %arg15[%swap3A_24] {strides = array<i32>} : memref<10240xf32, #tpu.memory_space<vmem>>, vector<16xf32>,
      tpu.vector_store %arg15[%swap3A_24], %broadcast_in_dim3A_1 {strides = array<i32>} : memref<10240xf32, #tpu.memory_space<vmem>>, vector<16xf32>,
    }
    %scan3A_12 = arith.constant 640 : i32
    %scan3A_13 = arith.constant 0 : i32
    %scan3A_14 = arith.constant 8 : i32
    %scan3A_15 = arith.addi %scan3A_13, %scan3A_14 : i32
    %scan3A_16 = arith.constant 1 : i32
    scf.for %scan3A_18 = %scan3A_13 to %scan3A_15 step %scan3A_16  : i32 {
      %mul3A_19 = arith.constant 8 : i32
      %mul3A_20 = arith.muli %add3A, %mul3A_19 : i32
      %add3A_21 = arith.addi %mul3A_20, %scan3A_18 : i32
      %add3A_22 = arith.constant 0 : i32
      %add3A_23 = arith.addi %add3A_22, %add3A_21 : i32
      %broadcast_in_dim3A_24 = arith.constant -1 : i32
      %broadcast_in_dim3A_25 = vector.broadcast %broadcast_in_dim3A_24 : i32 to vector<16xi32>
      %swap3A = arith.constant 0 : index
      %swap3A_26 = tpu.vector_load %arg8[%swap3A] {strides = array<i32>} : memref<288xi32, #tpu.memory_space<vmem>>, vector<16xi32>,
      tpu.vector_store %arg8[%swap3A], %broadcast_in_dim3A_25 {strides = array<i32>} : memref<288xi32, #tpu.memory_space<vmem>>, vector<16xi32>,
      %broadcast_in_dim3A_27 = arith.constant 1073741824 : i32
      %broadcast_in_dim3A_28 = vector.broadcast %broadcast_in_dim3A_27 : i32 to vector<16xi32>
      %swap3A_29 = arith.constant 272 : index
      %swap3A_30 = tpu.vector_load %arg8[%swap3A_29] {strides = array<i32>} : memref<288xi32, #tpu.memory_space<vmem>>, vector<16xi32>,
      tpu.vector_store %arg8[%swap3A_29], %broadcast_in_dim3A_28 {strides = array<i32>} : memref<288xi32, #tpu.memory_space<vmem>>, vector<16xi32>,
      %mul3A_31 = arith.constant 256 : i32
      %mul3A_32 = arith.muli %add3A_23, %mul3A_31 : i32
      "tpu.region"() ({
        %run_scoped3A = tpu.sem_alloc : memref<!tpu.dma_semaphore, #tpu.memory_space<semaphore_mem>>
        %dma_start3A_134 = arith.constant 16 : i32
        %dma_start3A_135 = tpu.memref_slice %arg8[%dma_start3A_134] : memref<288xi32, #tpu.memory_space<vmem>> -> memref<256xi32, #tpu.memory_space<vmem>>
        %dma_start3A_136 = tpu.memref_slice %arg3[%mul3A_32] : memref<65536xi32, #tpu.memory_space<hbm>> -> memref<256xi32, #tpu.memory_space<hbm>>
        %dma_start3A_137 = arith.constant 16 : i32
        %dma_start3A_138 = tpu.memref_slice %arg8[%dma_start3A_137] : memref<288xi32, #tpu.memory_space<vmem>> -> memref<256xi32, #tpu.memory_space<vmem>>
        %dma_start3A_139 = tpu.memref_slice %arg3[%mul3A_32] : memref<65536xi32, #tpu.memory_space<hbm>> -> memref<256xi32, #tpu.memory_space<hbm>>
        tpu.enqueue_dma source(%dma_start3A_139 : memref<256xi32, #tpu.memory_space<hbm>>) target(%dma_start3A_138 : memref<256xi32, #tpu.memory_space<vmem>>) target_semaphore(%run_scoped3A : memref<!tpu.dma_semaphore, #tpu.memory_space<semaphore_mem>>)
        %dma_wait3A_140 = arith.constant 16 : i32
        %dma_wait3A_141 = tpu.memref_slice %arg8[%dma_wait3A_140] : memref<288xi32, #tpu.memory_space<vmem>> -> memref<256xi32, #tpu.memory_space<vmem>>
        %dma_wait3A_142 = tpu.memref_slice %arg3[%mul3A_32] : memref<65536xi32, #tpu.memory_space<hbm>> -> memref<256xi32, #tpu.memory_space<hbm>>
        %dma_wait3A_143 = arith.constant 16 : i32
        %dma_wait3A_144 = tpu.memref_slice %arg8[%dma_wait3A_143] : memref<288xi32, #tpu.memory_space<vmem>> -> memref<256xi32, #tpu.memory_space<vmem>>
        %dma_wait3A_145 = tpu.memref_slice %arg3[%mul3A_32] : memref<65536xi32, #tpu.memory_space<hbm>> -> memref<256xi32, #tpu.memory_space<hbm>>
        tpu.wait_dma2 semaphore(%run_scoped3A : memref<!tpu.dma_semaphore, #tpu.memory_space<semaphore_mem>>) src(%dma_wait3A_145 : memref<256xi32, #tpu.memory_space<hbm>>) dst(%dma_wait3A_144 : memref<256xi32, #tpu.memory_space<vmem>>)
        tpu.yield
      }) : () -> ()
      %mul3A_33 = arith.constant 2 : i32
      %mul3A_34 = arith.muli %mul3A_33, %add3A_23 : i32
      %mul3A_35 = arith.constant 2048 : i32
      %mul3A_36 = arith.muli %mul3A_34, %mul3A_35 : i32
      "tpu.region"() ({
        %run_scoped3A = tpu.sem_alloc : memref<!tpu.dma_semaphore, #tpu.memory_space<semaphore_mem>>
        %dma_start3A_134 = tpu.memref_slice %arg4[%mul3A_36] : memref<1048576xi32, #tpu.memory_space<hbm>> -> memref<2048xi32, #tpu.memory_space<hbm>>
        %dma_start3A_135 = tpu.memref_slice %arg4[%mul3A_36] : memref<1048576xi32, #tpu.memory_space<hbm>> -> memref<2048xi32, #tpu.memory_space<hbm>>
        tpu.enqueue_dma source(%dma_start3A_135 : memref<2048xi32, #tpu.memory_space<hbm>>) target(%arg11 : memref<2048xi32, #tpu.memory_space<vmem>>) target_semaphore(%run_scoped3A : memref<!tpu.dma_semaphore, #tpu.memory_space<semaphore_mem>>)
        %dma_wait3A_136 = tpu.memref_slice %arg4[%mul3A_36] : memref<1048576xi32, #tpu.memory_space<hbm>> -> memref<2048xi32, #tpu.memory_space<hbm>>
        %dma_wait3A_137 = tpu.memref_slice %arg4[%mul3A_36] : memref<1048576xi32, #tpu.memory_space<hbm>> -> memref<2048xi32, #tpu.memory_space<hbm>>
        tpu.wait_dma2 semaphore(%run_scoped3A : memref<!tpu.dma_semaphore, #tpu.memory_space<semaphore_mem>>) src(%dma_wait3A_137 : memref<2048xi32, #tpu.memory_space<hbm>>) dst(%arg11 : memref<2048xi32, #tpu.memory_space<vmem>>)
        tpu.yield
      }) : () -> ()
      %mul3A_37 = arith.constant 2 : i32
      %mul3A_38 = arith.muli %mul3A_37, %add3A_23 : i32
      %add3A_39 = arith.constant 1 : i32
      %add3A_40 = arith.addi %mul3A_38, %add3A_39 : i32
      %mul3A_41 = arith.constant 2048 : i32
      %mul3A_42 = arith.muli %add3A_40, %mul3A_41 : i32
      "tpu.region"() ({
        %run_scoped3A = tpu.sem_alloc : memref<!tpu.dma_semaphore, #tpu.memory_space<semaphore_mem>>
        %dma_start3A_134 = tpu.memref_slice %arg4[%mul3A_42] : memref<1048576xi32, #tpu.memory_space<hbm>> -> memref<2048xi32, #tpu.memory_space<hbm>>
        %dma_start3A_135 = tpu.memref_slice %arg4[%mul3A_42] : memref<1048576xi32, #tpu.memory_space<hbm>> -> memref<2048xi32, #tpu.memory_space<hbm>>
        tpu.enqueue_dma source(%dma_start3A_135 : memref<2048xi32, #tpu.memory_space<hbm>>) target(%arg12 : memref<2048xi32, #tpu.memory_space<vmem>>) target_semaphore(%run_scoped3A : memref<!tpu.dma_semaphore, #tpu.memory_space<semaphore_mem>>)
        %dma_wait3A_136 = tpu.memref_slice %arg4[%mul3A_42] : memref<1048576xi32, #tpu.memory_space<hbm>> -> memref<2048xi32, #tpu.memory_space<hbm>>
        %dma_wait3A_137 = tpu.memref_slice %arg4[%mul3A_42] : memref<1048576xi32, #tpu.memory_space<hbm>> -> memref<2048xi32, #tpu.memory_space<hbm>>
        tpu.wait_dma2 semaphore(%run_scoped3A : memref<!tpu.dma_semaphore, #tpu.memory_space<semaphore_mem>>) src(%dma_wait3A_137 : memref<2048xi32, #tpu.memory_space<hbm>>) dst(%arg12 : memref<2048xi32, #tpu.memory_space<vmem>>)
        tpu.yield
      }) : () -> ()
      %scan3A_43 = arith.constant 0 : i32
      %scan3A_44 = arith.constant 128 : i32
      %scan3A_45 = arith.addi %scan3A_43, %scan3A_44 : i32
      %scan3A_46 = arith.constant 1 : i32
      scf.for %scan3A_134 = %scan3A_43 to %scan3A_45 step %scan3A_46  : i32 {
        %mul3A_135 = arith.constant 16 : i32
        %mul3A_136 = arith.muli %scan3A_134, %mul3A_135 : i32
        %get3A = arith.index_cast %mul3A_136 : i32 to index
        %get3A_137 = tpu.vector_load %arg11[%get3A] {strides = array<i32>} : memref<2048xi32, #tpu.memory_space<vmem>>, vector<16xi32>,
        %mul3A_138 = arith.constant 16 : i32
        %mul3A_139 = arith.muli %scan3A_134, %mul3A_138 : i32
        %get3A_140 = arith.index_cast %mul3A_139 : i32 to index
        %get3A_141 = tpu.vector_load %arg12[%get3A_140] {strides = array<i32>} : memref<2048xi32, #tpu.memory_space<vmem>>, vector<16xi32>,
        tpu.vector_store_idx %arg13[%get3A_137, %get3A_141], %broadcast_in_dim3A_3 : memref<256x256xf32, #tpu.memory_space<vmem>>[vector<16xi32>, vector<16xi32>], vector<16xf32>,
      }
      %scan3A_47 = arith.constant 128 : i32
      %mul3A_48 = arith.constant 256 : i32
      %mul3A_49 = arith.muli %add3A_21, %mul3A_48 : i32
      %dma_start3A = arith.constant 0 : i32
      %dma_start3A_50 = tpu.memref_slice %arg6[%mul3A_49, %dma_start3A] : memref<65536x256xf32, #tpu.memory_space<hbm>> -> memref<256x256xf32, #tpu.memory_space<hbm>>
      %dma_start3A_51 = arith.constant 0 : i32
      %dma_start3A_52 = tpu.memref_slice %arg6[%mul3A_49, %dma_start3A_51] : memref<65536x256xf32, #tpu.memory_space<hbm>> -> memref<256x256xf32, #tpu.memory_space<hbm>>
      tpu.enqueue_dma source(%arg13 : memref<256x256xf32, #tpu.memory_space<vmem>>) target(%dma_start3A_52 : memref<256x256xf32, #tpu.memory_space<hbm>>) target_semaphore(%arg17 : memref<!tpu.dma_semaphore, #tpu.memory_space<semaphore_mem>>)
      %dma_start3A_53 = arith.constant 16 : i32
      %dma_start3A_54 = tpu.memref_slice %arg8[%dma_start3A_53] : memref<288xi32, #tpu.memory_space<vmem>> -> memref<64xi32, #tpu.memory_space<vmem>>
      %dma_start3A_55 = arith.constant 0 : i32
      %dma_start3A_56 = arith.constant 0 : i32
      %dma_start3A_57 = tpu.memref_slice %arg2[%dma_start3A_55, %dma_start3A_56] : memref<10000x256xi32, #tpu.memory_space<hbm>> -> memref<10000x256xi32, #tpu.memory_space<hbm>>
      tpu.enqueue_indirect_dma source(%dma_start3A_57 : memref<10000x256xi32, #tpu.memory_space<hbm>>) target(%arg9 : memref<64x256xi32, #tpu.memory_space<vmem>>) offsets(%dma_start3A_54 : memref<64xi32, #tpu.memory_space<vmem>>) semaphore(%arg16 : memref<!tpu.dma_semaphore, #tpu.memory_space<semaphore_mem>>)
      %dma_wait3A = arith.constant 16 : i32
      %dma_wait3A_58 = tpu.memref_slice %arg8[%dma_wait3A] : memref<288xi32, #tpu.memory_space<vmem>> -> memref<64xi32, #tpu.memory_space<vmem>>
      %dma_wait3A_59 = arith.constant 0 : i32
      %dma_wait3A_60 = arith.constant 0 : i32
      %dma_wait3A_61 = tpu.memref_slice %arg2[%dma_wait3A_59, %dma_wait3A_60] : memref<10000x256xi32, #tpu.memory_space<hbm>> -> memref<10000x256xi32, #tpu.memory_space<hbm>>
      tpu.wait_indirect_dma semaphore(%arg16 : memref<!tpu.dma_semaphore, #tpu.memory_space<semaphore_mem>>) src(%dma_wait3A_61 : memref<10000x256xi32, #tpu.memory_space<hbm>>) dst(%arg9 : memref<64x256xi32, #tpu.memory_space<vmem>>)
      %dma_start3A_62 = arith.constant 80 : i32
      %dma_start3A_63 = tpu.memref_slice %arg8[%dma_start3A_62] : memref<288xi32, #tpu.memory_space<vmem>> -> memref<64xi32, #tpu.memory_space<vmem>>
      %dma_start3A_64 = arith.constant 0 : i32
      %dma_start3A_65 = arith.constant 0 : i32
      %dma_start3A_66 = tpu.memref_slice %arg2[%dma_start3A_64, %dma_start3A_65] : memref<10000x256xi32, #tpu.memory_space<hbm>> -> memref<10000x256xi32, #tpu.memory_space<hbm>>
      tpu.enqueue_indirect_dma source(%dma_start3A_66 : memref<10000x256xi32, #tpu.memory_space<hbm>>) target(%arg10 : memref<64x256xi32, #tpu.memory_space<vmem>>) offsets(%dma_start3A_63 : memref<64xi32, #tpu.memory_space<vmem>>) semaphore(%arg16 : memref<!tpu.dma_semaphore, #tpu.memory_space<semaphore_mem>>)
      %mul3A_67 = arith.constant 256 : i32
      %mul3A_68 = arith.muli %add3A_21, %mul3A_67 : i32
      %add3A_69 = arith.constant 0 : i32
      %add3A_70 = arith.addi %mul3A_68, %add3A_69 : i32
      "tpu.region"() ({
        %run_scoped3A = tpu.sem_alloc : memref<!tpu.dma_semaphore, #tpu.memory_space<semaphore_mem>>
        %dma_start3A_134 = arith.constant 0 : i32
        %dma_start3A_135 = tpu.memref_slice %arg5[%add3A_70, %dma_start3A_134] : memref<65536x256xi32, #tpu.memory_space<hbm>> -> memref<64x256xi32, #tpu.memory_space<hbm>>
        %dma_start3A_136 = arith.constant 0 : i32
        %dma_start3A_137 = tpu.memref_slice %arg5[%add3A_70, %dma_start3A_136] : memref<65536x256xi32, #tpu.memory_space<hbm>> -> memref<64x256xi32, #tpu.memory_space<hbm>>
        tpu.enqueue_dma source(%arg9 : memref<64x256xi32, #tpu.memory_space<vmem>>) target(%dma_start3A_137 : memref<64x256xi32, #tpu.memory_space<hbm>>) target_semaphore(%run_scoped3A : memref<!tpu.dma_semaphore, #tpu.memory_space<semaphore_mem>>)
        %dma_wait3A_138 = arith.constant 0 : i32
        %dma_wait3A_139 = tpu.memref_slice %arg5[%add3A_70, %dma_wait3A_138] : memref<65536x256xi32, #tpu.memory_space<hbm>> -> memref<64x256xi32, #tpu.memory_space<hbm>>
        %dma_wait3A_140 = arith.constant 0 : i32
        %dma_wait3A_141 = tpu.memref_slice %arg5[%add3A_70, %dma_wait3A_140] : memref<65536x256xi32, #tpu.memory_space<hbm>> -> memref<64x256xi32, #tpu.memory_space<hbm>>
        tpu.wait_dma2 semaphore(%run_scoped3A : memref<!tpu.dma_semaphore, #tpu.memory_space<semaphore_mem>>) src(%arg9 : memref<64x256xi32, #tpu.memory_space<vmem>>) dst(%dma_wait3A_141 : memref<64x256xi32, #tpu.memory_space<hbm>>)
        tpu.yield
      }) : () -> ()
      %dma_wait3A_71 = arith.constant 80 : i32
      %dma_wait3A_72 = tpu.memref_slice %arg8[%dma_wait3A_71] : memref<288xi32, #tpu.memory_space<vmem>> -> memref<64xi32, #tpu.memory_space<vmem>>
      %dma_wait3A_73 = arith.constant 0 : i32
      %dma_wait3A_74 = arith.constant 0 : i32
      %dma_wait3A_75 = tpu.memref_slice %arg2[%dma_wait3A_73, %dma_wait3A_74] : memref<10000x256xi32, #tpu.memory_space<hbm>> -> memref<10000x256xi32, #tpu.memory_space<hbm>>
      tpu.wait_indirect_dma semaphore(%arg16 : memref<!tpu.dma_semaphore, #tpu.memory_space<semaphore_mem>>) src(%dma_wait3A_75 : memref<10000x256xi32, #tpu.memory_space<hbm>>) dst(%arg10 : memref<64x256xi32, #tpu.memory_space<vmem>>)
      %dma_start3A_76 = arith.constant 144 : i32
      %dma_start3A_77 = tpu.memref_slice %arg8[%dma_start3A_76] : memref<288xi32, #tpu.memory_space<vmem>> -> memref<64xi32, #tpu.memory_space<vmem>>
      %dma_start3A_78 = arith.constant 0 : i32
      %dma_start3A_79 = arith.constant 0 : i32
      %dma_start3A_80 = tpu.memref_slice %arg2[%dma_start3A_78, %dma_start3A_79] : memref<10000x256xi32, #tpu.memory_space<hbm>> -> memref<10000x256xi32, #tpu.memory_space<hbm>>
      tpu.enqueue_indirect_dma source(%dma_start3A_80 : memref<10000x256xi32, #tpu.memory_space<hbm>>) target(%arg9 : memref<64x256xi32, #tpu.memory_space<vmem>>) offsets(%dma_start3A_77 : memref<64xi32, #tpu.memory_space<vmem>>) semaphore(%arg16 : memref<!tpu.dma_semaphore, #tpu.memory_space<semaphore_mem>>)
      %mul3A_81 = arith.constant 256 : i32
      %mul3A_82 = arith.muli %add3A_21, %mul3A_81 : i32
      %add3A_83 = arith.constant 64 : i32
      %add3A_84 = arith.addi %mul3A_82, %add3A_83 : i32
      "tpu.region"() ({
        %run_scoped3A = tpu.sem_alloc : memref<!tpu.dma_semaphore, #tpu.memory_space<semaphore_mem>>
        %dma_start3A_134 = arith.constant 0 : i32
        %dma_start3A_135 = tpu.memref_slice %arg5[%add3A_84, %dma_start3A_134] : memref<65536x256xi32, #tpu.memory_space<hbm>> -> memref<64x256xi32, #tpu.memory_space<hbm>>
        %dma_start3A_136 = arith.constant 0 : i32
        %dma_start3A_137 = tpu.memref_slice %arg5[%add3A_84, %dma_start3A_136] : memref<65536x256xi32, #tpu.memory_space<hbm>> -> memref<64x256xi32, #tpu.memory_space<hbm>>
        tpu.enqueue_dma source(%arg10 : memref<64x256xi32, #tpu.memory_space<vmem>>) target(%dma_start3A_137 : memref<64x256xi32, #tpu.memory_space<hbm>>) target_semaphore(%run_scoped3A : memref<!tpu.dma_semaphore, #tpu.memory_space<semaphore_mem>>)
        %dma_wait3A_138 = arith.constant 0 : i32
        %dma_wait3A_139 = tpu.memref_slice %arg5[%add3A_84, %dma_wait3A_138] : memref<65536x256xi32, #tpu.memory_space<hbm>> -> memref<64x256xi32, #tpu.memory_space<hbm>>
        %dma_wait3A_140 = arith.constant 0 : i32
        %dma_wait3A_141 = tpu.memref_slice %arg5[%add3A_84, %dma_wait3A_140] : memref<65536x256xi32, #tpu.memory_space<hbm>> -> memref<64x256xi32, #tpu.memory_space<hbm>>
        tpu.wait_dma2 semaphore(%run_scoped3A : memref<!tpu.dma_semaphore, #tpu.memory_space<semaphore_mem>>) src(%arg10 : memref<64x256xi32, #tpu.memory_space<vmem>>) dst(%dma_wait3A_141 : memref<64x256xi32, #tpu.memory_space<hbm>>)
        tpu.yield
      }) : () -> ()
      %dma_wait3A_85 = arith.constant 144 : i32
      %dma_wait3A_86 = tpu.memref_slice %arg8[%dma_wait3A_85] : memref<288xi32, #tpu.memory_space<vmem>> -> memref<64xi32, #tpu.memory_space<vmem>>
      %dma_wait3A_87 = arith.constant 0 : i32
      %dma_wait3A_88 = arith.constant 0 : i32
      %dma_wait3A_89 = tpu.memref_slice %arg2[%dma_wait3A_87, %dma_wait3A_88] : memref<10000x256xi32, #tpu.memory_space<hbm>> -> memref<10000x256xi32, #tpu.memory_space<hbm>>
      tpu.wait_indirect_dma semaphore(%arg16 : memref<!tpu.dma_semaphore, #tpu.memory_space<semaphore_mem>>) src(%dma_wait3A_89 : memref<10000x256xi32, #tpu.memory_space<hbm>>) dst(%arg9 : memref<64x256xi32, #tpu.memory_space<vmem>>)
      %dma_start3A_90 = arith.constant 208 : i32
      %dma_start3A_91 = tpu.memref_slice %arg8[%dma_start3A_90] : memref<288xi32, #tpu.memory_space<vmem>> -> memref<64xi32, #tpu.memory_space<vmem>>
      %dma_start3A_92 = arith.constant 0 : i32
      %dma_start3A_93 = arith.constant 0 : i32
      %dma_start3A_94 = tpu.memref_slice %arg2[%dma_start3A_92, %dma_start3A_93] : memref<10000x256xi32, #tpu.memory_space<hbm>> -> memref<10000x256xi32, #tpu.memory_space<hbm>>
      tpu.enqueue_indirect_dma source(%dma_start3A_94 : memref<10000x256xi32, #tpu.memory_space<hbm>>) target(%arg10 : memref<64x256xi32, #tpu.memory_space<vmem>>) offsets(%dma_start3A_91 : memref<64xi32, #tpu.memory_space<vmem>>) semaphore(%arg16 : memref<!tpu.dma_semaphore, #tpu.memory_space<semaphore_mem>>)
      %mul3A_95 = arith.constant 256 : i32
      %mul3A_96 = arith.muli %add3A_21, %mul3A_95 : i32
      %add3A_97 = arith.constant 128 : i32
      %add3A_98 = arith.addi %mul3A_96, %add3A_97 : i32
      "tpu.region"() ({
        %run_scoped3A = tpu.sem_alloc : memref<!tpu.dma_semaphore, #tpu.memory_space<semaphore_mem>>
        %dma_start3A_134 = arith.constant 0 : i32
        %dma_start3A_135 = tpu.memref_slice %arg5[%add3A_98, %dma_start3A_134] : memref<65536x256xi32, #tpu.memory_space<hbm>> -> memref<64x256xi32, #tpu.memory_space<hbm>>
        %dma_start3A_136 = arith.constant 0 : i32
        %dma_start3A_137 = tpu.memref_slice %arg5[%add3A_98, %dma_start3A_136] : memref<65536x256xi32, #tpu.memory_space<hbm>> -> memref<64x256xi32, #tpu.memory_space<hbm>>
        tpu.enqueue_dma source(%arg9 : memref<64x256xi32, #tpu.memory_space<vmem>>) target(%dma_start3A_137 : memref<64x256xi32, #tpu.memory_space<hbm>>) target_semaphore(%run_scoped3A : memref<!tpu.dma_semaphore, #tpu.memory_space<semaphore_mem>>)
        %dma_wait3A_138 = arith.constant 0 : i32
        %dma_wait3A_139 = tpu.memref_slice %arg5[%add3A_98, %dma_wait3A_138] : memref<65536x256xi32, #tpu.memory_space<hbm>> -> memref<64x256xi32, #tpu.memory_space<hbm>>
        %dma_wait3A_140 = arith.constant 0 : i32
        %dma_wait3A_141 = tpu.memref_slice %arg5[%add3A_98, %dma_wait3A_140] : memref<65536x256xi32, #tpu.memory_space<hbm>> -> memref<64x256xi32, #tpu.memory_space<hbm>>
        tpu.wait_dma2 semaphore(%run_scoped3A : memref<!tpu.dma_semaphore, #tpu.memory_space<semaphore_mem>>) src(%arg9 : memref<64x256xi32, #tpu.memory_space<vmem>>) dst(%dma_wait3A_141 : memref<64x256xi32, #tpu.memory_space<hbm>>)
        tpu.yield
      }) : () -> ()
      %dma_wait3A_99 = arith.constant 208 : i32
      %dma_wait3A_100 = tpu.memref_slice %arg8[%dma_wait3A_99] : memref<288xi32, #tpu.memory_space<vmem>> -> memref<64xi32, #tpu.memory_space<vmem>>
      %dma_wait3A_101 = arith.constant 0 : i32
      %dma_wait3A_102 = arith.constant 0 : i32
      %dma_wait3A_103 = tpu.memref_slice %arg2[%dma_wait3A_101, %dma_wait3A_102] : memref<10000x256xi32, #tpu.memory_space<hbm>> -> memref<10000x256xi32, #tpu.memory_space<hbm>>
      tpu.wait_indirect_dma semaphore(%arg16 : memref<!tpu.dma_semaphore, #tpu.memory_space<semaphore_mem>>) src(%dma_wait3A_103 : memref<10000x256xi32, #tpu.memory_space<hbm>>) dst(%arg10 : memref<64x256xi32, #tpu.memory_space<vmem>>)
      %mul3A_104 = arith.constant 256 : i32
      %mul3A_105 = arith.muli %add3A_21, %mul3A_104 : i32
      %add3A_106 = arith.constant 192 : i32
      %add3A_107 = arith.addi %mul3A_105, %add3A_106 : i32
      "tpu.region"() ({
        %run_scoped3A = tpu.sem_alloc : memref<!tpu.dma_semaphore, #tpu.memory_space<semaphore_mem>>
        %dma_start3A_134 = arith.constant 0 : i32
        %dma_start3A_135 = tpu.memref_slice %arg5[%add3A_107, %dma_start3A_134] : memref<65536x256xi32, #tpu.memory_space<hbm>> -> memref<64x256xi32, #tpu.memory_space<hbm>>
        %dma_start3A_136 = arith.constant 0 : i32
        %dma_start3A_137 = tpu.memref_slice %arg5[%add3A_107, %dma_start3A_136] : memref<65536x256xi32, #tpu.memory_space<hbm>> -> memref<64x256xi32, #tpu.memory_space<hbm>>
        tpu.enqueue_dma source(%arg10 : memref<64x256xi32, #tpu.memory_space<vmem>>) target(%dma_start3A_137 : memref<64x256xi32, #tpu.memory_space<hbm>>) target_semaphore(%run_scoped3A : memref<!tpu.dma_semaphore, #tpu.memory_space<semaphore_mem>>)
        %dma_wait3A_138 = arith.constant 0 : i32
        %dma_wait3A_139 = tpu.memref_slice %arg5[%add3A_107, %dma_wait3A_138] : memref<65536x256xi32, #tpu.memory_space<hbm>> -> memref<64x256xi32, #tpu.memory_space<hbm>>
        %dma_wait3A_140 = arith.constant 0 : i32
        %dma_wait3A_141 = tpu.memref_slice %arg5[%add3A_107, %dma_wait3A_140] : memref<65536x256xi32, #tpu.memory_space<hbm>> -> memref<64x256xi32, #tpu.memory_space<hbm>>
        tpu.wait_dma2 semaphore(%run_scoped3A : memref<!tpu.dma_semaphore, #tpu.memory_space<semaphore_mem>>) src(%arg10 : memref<64x256xi32, #tpu.memory_space<vmem>>) dst(%dma_wait3A_141 : memref<64x256xi32, #tpu.memory_space<hbm>>)
        tpu.yield
      }) : () -> ()
      %scan3A_108 = arith.constant 0 : i32
      %scan3A_109 = arith.constant 16 : i32
      %scan3A_110 = arith.addi %scan3A_108, %scan3A_109 : i32
      %scan3A_111 = arith.constant 1 : i32
      scf.for %scan3A_134 = %scan3A_108 to %scan3A_110 step %scan3A_111  : i32 {
        %mul3A_135 = arith.constant 16 : i32
        %mul3A_136 = arith.muli %scan3A_134, %mul3A_135 : i32
        %add3A_137 = arith.constant 16 : i32
        %add3A_138 = arith.addi %add3A_137, %mul3A_136 : i32
        %get3A = arith.index_cast %add3A_138 : i32 to index
        %get3A_139 = tpu.vector_load %arg8[%get3A] {strides = array<i32>} : memref<288xi32, #tpu.memory_space<vmem>>, vector<16xi32>,
        %mul3A_140 = arith.constant 16 : i32
        %mul3A_141 = arith.muli %scan3A_134, %mul3A_140 : i32
        %add3A_142 = arith.constant 15 : i32
        %add3A_143 = arith.addi %add3A_142, %mul3A_141 : i32
        %get3A_144 = arith.index_cast %add3A_143 : i32 to index
        %get3A_145 = tpu.vector_load %arg8[%get3A_144] {strides = array<i32>} : memref<288xi32, #tpu.memory_space<vmem>>, vector<16xi32>,
        %mul3A_146 = arith.constant 16 : i32
        %mul3A_147 = arith.muli %scan3A_134, %mul3A_146 : i32
        %add3A_148 = arith.constant 17 : i32
        %add3A_149 = arith.addi %add3A_148, %mul3A_147 : i32
        %get3A_150 = arith.index_cast %add3A_149 : i32 to index
        %get3A_151 = tpu.vector_load %arg8[%get3A_150] {strides = array<i32>} : memref<288xi32, #tpu.memory_space<vmem>>, vector<16xi32>,
        %ne3A = arith.cmpi ne, %get3A_139, %get3A_145 : vector<16xi32>
        %ne3A_152 = arith.cmpi ne, %get3A_139, %get3A_151 : vector<16xi32>
        %convert_element_type3A_153 = arith.sitofp %scan3A_134 : i32 to f32
        %mul3A_154 = arith.constant 1.600000e+01 : f32
        %mul3A_155 = arith.mulf %convert_element_type3A_153, %mul3A_154 : f32
        %add3A_156 = vector.broadcast %mul3A_155 : f32 to vector<16xf32>
        %add3A_157 = arith.addf %add3A_156, %convert_element_type3A : vector<16xf32>
        tpu.vector_store_idx %arg15[%get3A_139], %add3A_157 masked %ne3A : memref<10240xf32, #tpu.memory_space<vmem>>[vector<16xi32>], vector<16xf32>, vector<16xi1>
        %add3A_158 = arith.constant 1.000000e+00 : f32
        %add3A_159 = vector.broadcast %add3A_158 : f32 to vector<16xf32>
        %add3A_160 = arith.addf %add3A_157, %add3A_159 : vector<16xf32>
        tpu.vector_store_idx %arg14[%get3A_139], %add3A_160 masked %ne3A_152 : memref<10240xf32, #tpu.memory_space<vmem>>[vector<16xi32>], vector<16xf32>, vector<16xi1>
      }
      %scan3A_112 = arith.constant 16 : i32
      %scan3A_113 = arith.constant 0 : i32
      %scan3A_114 = arith.constant 16 : i32
      %scan3A_115 = arith.addi %scan3A_113, %scan3A_114 : i32
      %scan3A_116 = arith.constant 1 : i32
      scf.for %scan3A_134 = %scan3A_113 to %scan3A_115 step %scan3A_116  : i32 {
        %mul3A_135 = arith.constant 16 : i32
        %mul3A_136 = arith.muli %scan3A_134, %mul3A_135 : i32
        %add3A_137 = arith.constant 16 : i32
        %add3A_138 = arith.addi %add3A_137, %mul3A_136 : i32
        %get3A = arith.index_cast %add3A_138 : i32 to index
        %get3A_139 = tpu.vector_load %arg8[%get3A] {strides = array<i32>} : memref<288xi32, #tpu.memory_space<vmem>>, vector<16xi32>,
        %mul3A_140 = arith.constant 16 : i32
        %mul3A_141 = arith.muli %scan3A_134, %mul3A_140 : i32
        %add3A_142 = arith.constant 17 : i32
        %add3A_143 = arith.addi %add3A_142, %mul3A_141 : i32
        %get3A_144 = arith.index_cast %add3A_143 : i32 to index
        %get3A_145 = tpu.vector_load %arg8[%get3A_144] {strides = array<i32>} : memref<288xi32, #tpu.memory_space<vmem>>, vector<16xi32>,
        %ne3A = arith.cmpi ne, %get3A_139, %get3A_145 : vector<16xi32>
        %convert_element_type3A_146 = arith.sitofp %scan3A_134 : i32 to f32
        %mul3A_147 = arith.constant 1.600000e+01 : f32
        %mul3A_148 = arith.mulf %convert_element_type3A_146, %mul3A_147 : f32
        %add3A_149 = vector.broadcast %mul3A_148 : f32 to vector<16xf32>
        %add3A_150 = arith.addf %add3A_149, %convert_element_type3A : vector<16xf32>
        %gather3A = tpu.vector_load_idx %arg15[%get3A_139] : memref<10240xf32, #tpu.memory_space<vmem>>[vector<16xi32>], vector<16xf32>,
        %add3A_151 = arith.constant 1.000000e+00 : f32
        %add3A_152 = vector.broadcast %add3A_151 : f32 to vector<16xf32>
        %add3A_153 = arith.addf %add3A_150, %add3A_152 : vector<16xf32>
        %sub3A = arith.subf %add3A_153, %gather3A : vector<16xf32>
        tpu.vector_store_idx %arg14[%get3A_139], %sub3A masked %ne3A : memref<10240xf32, #tpu.memory_space<vmem>>[vector<16xi32>], vector<16xf32>, vector<16xi1>
      }
      %scan3A_117 = arith.constant 16 : i32
      %mul3A_118 = arith.constant 10240 : i32
      %mul3A_119 = arith.muli %add3A_21, %mul3A_118 : i32
      "tpu.region"() ({
        %run_scoped3A = tpu.sem_alloc : memref<!tpu.dma_semaphore, #tpu.memory_space<semaphore_mem>>
        %dma_start3A_134 = tpu.memref_slice %arg7[%mul3A_119] : memref<2621440xf32, #tpu.memory_space<hbm>> -> memref<10240xf32, #tpu.memory_space<hbm>>
        %dma_start3A_135 = tpu.memref_slice %arg7[%mul3A_119] : memref<2621440xf32, #tpu.memory_space<hbm>> -> memref<10240xf32, #tpu.memory_space<hbm>>
        tpu.enqueue_dma source(%arg14 : memref<10240xf32, #tpu.memory_space<vmem>>) target(%dma_start3A_135 : memref<10240xf32, #tpu.memory_space<hbm>>) target_semaphore(%run_scoped3A : memref<!tpu.dma_semaphore, #tpu.memory_space<semaphore_mem>>)
        %dma_wait3A_136 = tpu.memref_slice %arg7[%mul3A_119] : memref<2621440xf32, #tpu.memory_space<hbm>> -> memref<10240xf32, #tpu.memory_space<hbm>>
        %dma_wait3A_137 = tpu.memref_slice %arg7[%mul3A_119] : memref<2621440xf32, #tpu.memory_space<hbm>> -> memref<10240xf32, #tpu.memory_space<hbm>>
        tpu.wait_dma2 semaphore(%run_scoped3A : memref<!tpu.dma_semaphore, #tpu.memory_space<semaphore_mem>>) src(%arg14 : memref<10240xf32, #tpu.memory_space<vmem>>) dst(%dma_wait3A_137 : memref<10240xf32, #tpu.memory_space<hbm>>)
        tpu.yield
      }) : () -> ()
      %scan3A_120 = arith.constant 0 : i32
      %scan3A_121 = arith.constant 16 : i32
      %scan3A_122 = arith.addi %scan3A_120, %scan3A_121 : i32
      %scan3A_123 = arith.constant 1 : i32
      scf.for %scan3A_134 = %scan3A_120 to %scan3A_122 step %scan3A_123  : i32 {
        %mul3A_135 = arith.constant 16 : i32
        %mul3A_136 = arith.muli %scan3A_134, %mul3A_135 : i32
        %add3A_137 = arith.constant 16 : i32
        %add3A_138 = arith.addi %add3A_137, %mul3A_136 : i32
        %get3A = arith.index_cast %add3A_138 : i32 to index
        %get3A_139 = tpu.vector_load %arg8[%get3A] {strides = array<i32>} : memref<288xi32, #tpu.memory_space<vmem>>, vector<16xi32>,
        tpu.vector_store_idx %arg14[%get3A_139], %broadcast_in_dim3A_1 : memref<10240xf32, #tpu.memory_space<vmem>>[vector<16xi32>], vector<16xf32>,
        tpu.vector_store_idx %arg15[%get3A_139], %broadcast_in_dim3A_1 : memref<10240xf32, #tpu.memory_space<vmem>>[vector<16xi32>], vector<16xf32>,
      }
      %scan3A_124 = arith.constant 16 : i32
      %dma_wait3A_125 = arith.constant 0 : i32
      %dma_wait3A_126 = tpu.memref_slice %arg6[%mul3A_49, %dma_wait3A_125] : memref<65536x256xf32, #tpu.memory_space<hbm>> -> memref<256x256xf32, #tpu.memory_space<hbm>>
      %dma_wait3A_127 = arith.constant 0 : i32
      %dma_wait3A_128 = tpu.memref_slice %arg6[%mul3A_49, %dma_wait3A_127] : memref<65536x256xf32, #tpu.memory_space<hbm>> -> memref<256x256xf32, #tpu.memory_space<hbm>>
      tpu.wait_dma2 semaphore(%arg17 : memref<!tpu.dma_semaphore, #tpu.memory_space<semaphore_mem>>) src(%arg13 : memref<256x256xf32, #tpu.memory_space<vmem>>) dst(%dma_wait3A_128 : memref<256x256xf32, #tpu.memory_space<hbm>>)
      %scan3A_129 = arith.constant 0 : i32
      %scan3A_130 = arith.constant 128 : i32
      %scan3A_131 = arith.addi %scan3A_129, %scan3A_130 : i32
      %scan3A_132 = arith.constant 1 : i32
      scf.for %scan3A_134 = %scan3A_129 to %scan3A_131 step %scan3A_132  : i32 {
        %mul3A_135 = arith.constant 16 : i32
        %mul3A_136 = arith.muli %scan3A_134, %mul3A_135 : i32
        %get3A = arith.index_cast %mul3A_136 : i32 to index
        %get3A_137 = tpu.vector_load %arg11[%get3A] {strides = array<i32>} : memref<2048xi32, #tpu.memory_space<vmem>>, vector<16xi32>,
        %mul3A_138 = arith.constant 16 : i32
        %mul3A_139 = arith.muli %scan3A_134, %mul3A_138 : i32
        %get3A_140 = arith.index_cast %mul3A_139 : i32 to index
        %get3A_141 = tpu.vector_load %arg12[%get3A_140] {strides = array<i32>} : memref<2048xi32, #tpu.memory_space<vmem>>, vector<16xi32>,
        tpu.vector_store_idx %arg13[%get3A_137, %get3A_141], %broadcast_in_dim3A_1 : memref<256x256xf32, #tpu.memory_space<vmem>>[vector<16xi32>, vector<16xi32>], vector<16xf32>,
      }
      %scan3A_133 = arith.constant 128 : i32
    }
    %scan3A_17 = arith.constant 8 : i32
    return
  }
}

module attributes {stable_mosaic.version = 14 : i64} {
  func.func @_norm_body(%arg0: i32, %arg1: memref<512x512xf32, #tpu.memory_space<vmem>>, %arg2: memref<512x512xf32, #tpu.memory_space<vmem>>, %arg3: memref<1x512xf32, #tpu.memory_space<vmem>>, %arg4: memref<512x256xi32, #tpu.memory_space<vmem>>, %arg5: memref<512x512xf32, #tpu.memory_space<vmem>>) attributes {dimension_semantics = [#tpu.dimension_semantics<arbitrary>], iteration_bounds = array<i64: 20>, scalar_prefetch = 0 : i64, scratch_operands = 0 : i64, tpu.core_type = #tpu.core_type<tc>, window_params = [{transform_indices = @transform_0, window_bounds = array<i64: 512, 512>}, {transform_indices = @transform_1, window_bounds = array<i64: 512, 512>}, {pipeline_mode = #tpu.pipeline_mode<synchronous>, transform_indices = @transform_2, window_bounds = array<i64: 1, 512>}, {transform_indices = @transform_3, window_bounds = array<i64: 512, 256>}, {transform_indices = @transform_4, window_bounds = array<i64: 512, 512>}]} {
    %get3A = arith.constant 0 : index
    %get3A_0 = arith.constant 0 : index
    %get3A_1 = vector.load %arg1[%get3A, %get3A_0] : memref<512x512xf32, #tpu.memory_space<vmem>>, vector<512x512xf32>
    %get3A_2 = arith.constant 0 : index
    %get3A_3 = arith.constant 0 : index
    %get3A_4 = vector.load %arg2[%get3A_2, %get3A_3] : memref<512x512xf32, #tpu.memory_space<vmem>>, vector<512x512xf32>
    %get3A_5 = arith.constant 0 : index
    %get3A_6 = arith.constant 0 : index
    %get3A_7 = vector.load %arg3[%get3A_5, %get3A_6] : memref<1x512xf32, #tpu.memory_space<vmem>>, vector<1x512xf32>
    %mul3A = arith.mulf %get3A_1, %get3A_1 : vector<512x512xf32>
    %reduce_sum3A = arith.constant dense<0.000000e+00> : vector<512xf32>
    %reduce_sum3A_8 = vector.multi_reduction <add>, %mul3A, %reduce_sum3A [1] : vector<512x512xf32> to vector<512xf32>
    %broadcast_in_dim3A = vector.shape_cast %reduce_sum3A_8 : vector<512xf32> to vector<512x1xf32>
    %sqrt3A = math.sqrt %broadcast_in_dim3A : vector<512x1xf32>
    %max3A = arith.constant 9.99999996E-13 : f32
    %max3A_9 = vector.broadcast %max3A : f32 to vector<512x1xf32>
    %max3A_10 = arith.maximumf %sqrt3A, %max3A_9 : vector<512x1xf32>
    %div3A = vector.broadcast %max3A_10 : vector<512x1xf32> to vector<512x512xf32>
    %div3A_11 = arith.divf %get3A_1, %div3A : vector<512x512xf32>
    %mul3A_12 = arith.mulf %get3A_4, %get3A_4 : vector<512x512xf32>
    %reduce_sum3A_13 = arith.constant dense<0.000000e+00> : vector<512xf32>
    %reduce_sum3A_14 = vector.multi_reduction <add>, %mul3A_12, %reduce_sum3A_13 [1] : vector<512x512xf32> to vector<512xf32>
    %broadcast_in_dim3A_15 = vector.shape_cast %reduce_sum3A_14 : vector<512xf32> to vector<512x1xf32>
    %sqrt3A_16 = math.sqrt %broadcast_in_dim3A_15 : vector<512x1xf32>
    %max3A_17 = arith.constant 9.99999996E-13 : f32
    %max3A_18 = vector.broadcast %max3A_17 : f32 to vector<512x1xf32>
    %max3A_19 = arith.maximumf %sqrt3A_16, %max3A_18 : vector<512x1xf32>
    %div3A_20 = vector.broadcast %max3A_19 : vector<512x1xf32> to vector<512x512xf32>
    %div3A_21 = arith.divf %get3A_4, %div3A_20 : vector<512x512xf32>
    %sub3A = vector.broadcast %get3A_7 : vector<1x512xf32> to vector<512x512xf32>
    %sub3A_22 = arith.subf %div3A_21, %sub3A : vector<512x512xf32>
    %mul3A_23 = arith.mulf %sub3A_22, %sub3A_22 : vector<512x512xf32>
    %reduce_sum3A_24 = arith.constant dense<0.000000e+00> : vector<512xf32>
    %reduce_sum3A_25 = vector.multi_reduction <add>, %mul3A_23, %reduce_sum3A_24 [1] : vector<512x512xf32> to vector<512xf32>
    %broadcast_in_dim3A_26 = vector.shape_cast %reduce_sum3A_25 : vector<512xf32> to vector<512x1xf32>
    %sqrt3A_27 = math.sqrt %broadcast_in_dim3A_26 : vector<512x1xf32>
    %max3A_28 = arith.constant 9.99999996E-13 : f32
    %max3A_29 = vector.broadcast %max3A_28 : f32 to vector<512x1xf32>
    %max3A_30 = arith.maximumf %sqrt3A_27, %max3A_29 : vector<512x1xf32>
    %div3A_31 = vector.broadcast %max3A_30 : vector<512x1xf32> to vector<512x512xf32>
    %div3A_32 = arith.divf %sub3A_22, %div3A_31 : vector<512x512xf32>
    %convert_element_type3A = arith.truncf %div3A_32 : vector<512x512xf32> to vector<512x512xbf16>
    %slice3A = vector.extract_strided_slice %convert_element_type3A {offsets = [0, 0], sizes = [512, 256], strides = [1, 1]} : vector<512x512xbf16> to vector<512x256xbf16>
    %bitcast_convert_type3A = tpu.bitcast %slice3A : vector<512x256xbf16> -> vector<512x256xi16>
    %convert_element_type3A_33 = arith.extui %bitcast_convert_type3A : vector<512x256xi16> to vector<512x256xi32>
    %slice3A_34 = vector.extract_strided_slice %convert_element_type3A {offsets = [0, 256], sizes = [512, 256], strides = [1, 1]} : vector<512x512xbf16> to vector<512x256xbf16>
    %bitcast_convert_type3A_35 = tpu.bitcast %slice3A_34 : vector<512x256xbf16> -> vector<512x256xi16>
    %convert_element_type3A_36 = arith.extui %bitcast_convert_type3A_35 : vector<512x256xi16> to vector<512x256xi32>
    %shift_left3A = arith.constant 16 : i32
    %shift_left3A_37 = vector.broadcast %shift_left3A : i32 to vector<512x256xi32>
    %shift_left3A_38 = arith.shli %convert_element_type3A_36, %shift_left3A_37 : vector<512x256xi32>
    %or3A = arith.ori %convert_element_type3A_33, %shift_left3A_38 : vector<512x256xi32>
    %swap3A = arith.constant 0 : index
    %swap3A_39 = arith.constant 0 : index
    %swap3A_40 = vector.load %arg4[%swap3A, %swap3A_39] : memref<512x256xi32, #tpu.memory_space<vmem>>, vector<512x256xi32>
    tpu.vector_store %arg4[%swap3A, %swap3A_39], %or3A {strides = array<i32>} : memref<512x256xi32, #tpu.memory_space<vmem>>, vector<512x256xi32>,
    %mul3A_41 = arith.constant 512 : i32
    %mul3A_42 = arith.muli %arg0, %mul3A_41 : i32
    %iota3A = tpu.iota {dimensions = array<i32: 0>} : vector<512x1xi32>
    %add3A = vector.broadcast %mul3A_42 : i32 to vector<512x1xi32>
    %add3A_43 = arith.addi %add3A, %iota3A : vector<512x1xi32>
    %lt3A = arith.constant 10000 : i32
    %lt3A_44 = vector.broadcast %lt3A : i32 to vector<512x1xi32>
    %lt3A_45 = arith.cmpi slt, %add3A_43, %lt3A_44 : vector<512x1xi32>
    %sub3A_46 = arith.subf %div3A_11, %div3A_21 : vector<512x512xf32>
    %jit3A = arith.constant 0.000000e+00 : f32
    %broadcast_in_dim3A_47 = vector.shape_cast %lt3A_45 : vector<512x1xi1> to vector<512x1xi1>
    %broadcast_in_dim3A_48 = vector.broadcast %broadcast_in_dim3A_47 : vector<512x1xi1> to vector<512x512xi1>
    %broadcast_in_dim3A_49 = vector.broadcast %jit3A : f32 to vector<512x512xf32>
    %select_n3A = arith.select %broadcast_in_dim3A_48, %sub3A_46, %broadcast_in_dim3A_49 : vector<512x512xi1>, vector<512x512xf32>
    %swap3A_50 = arith.constant 0 : index
    %swap3A_51 = arith.constant 0 : index
    %swap3A_52 = vector.load %arg5[%swap3A_50, %swap3A_51] : memref<512x512xf32, #tpu.memory_space<vmem>>, vector<512x512xf32>
    tpu.vector_store %arg5[%swap3A_50, %swap3A_51], %select_n3A {strides = array<i32>} : memref<512x512xf32, #tpu.memory_space<vmem>>, vector<512x512xf32>,
    return
  }
  func.func @transform_0(%arg0: i32) -> (i32, i32) {
    %c0_i32 = arith.constant 0 : i32
    %c0_i32_0 = arith.constant 0 : i32
    return %arg0, %c0_i32 : i32, i32
  }
  func.func @transform_1(%arg0: i32) -> (i32, i32) {
    %c0_i32 = arith.constant 0 : i32
    %c0_i32_0 = arith.constant 0 : i32
    return %arg0, %c0_i32 : i32, i32
  }
  func.func @transform_2(%arg0: i32) -> (i32, i32) {
    %c0_i32 = arith.constant 0 : i32
    %c0_i32_0 = arith.constant 0 : i32
    %c0_i32_1 = arith.constant 0 : i32
    return %c0_i32, %c0_i32_0 : i32, i32
  }
  func.func @transform_3(%arg0: i32) -> (i32, i32) {
    %c0_i32 = arith.constant 0 : i32
    %c0_i32_0 = arith.constant 0 : i32
    return %arg0, %c0_i32 : i32, i32
  }
  func.func @transform_4(%arg0: i32) -> (i32, i32) {
    %c0_i32 = arith.constant 0 : i32
    %c0_i32_0 = arith.constant 0 : i32
    return %arg0, %c0_i32 : i32, i32
  }
}

module attributes {stable_mosaic.version = 14 : i64} {
  func.func @_fdiff_body(%arg0: i32, %arg1: memref<256x2048xf32, #tpu.memory_space<vmem>>, %arg2: memref<2048x512xf32, #tpu.memory_space<vmem>>, %arg3: memref<256x128xf32, #tpu.memory_space<vmem>>, %arg4: memref<256x512xf32, #tpu.memory_space<vmem>>) attributes {dimension_semantics = [#tpu.dimension_semantics<arbitrary>], iteration_bounds = array<i64: 5>, scalar_prefetch = 0 : i64, scratch_operands = 1 : i64, tpu.core_type = #tpu.core_type<tc>, window_params = [{transform_indices = @transform_0, window_bounds = array<i64: 256, 2048>}, {transform_indices = @transform_1, window_bounds = array<i64: 2048, 512>}, {pipeline_mode = #tpu.pipeline_mode<synchronous>, transform_indices = @transform_2, window_bounds = array<i64: 256, 128>}]} {
    %eq3A = arith.constant 0 : i32
    %eq3A_0 = arith.cmpi eq, %arg0, %eq3A : i32
    %convert_element_type3A = arith.extui %eq3A_0 : i1 to i32
    %cond3A = arith.constant 0 : i32
    %cond3A_1 = arith.cmpi ne, %convert_element_type3A, %cond3A : i32
    scf.if %cond3A_1 {
      %broadcast_in_dim3A = arith.constant 0.000000e+00 : f32
      %broadcast_in_dim3A_18 = vector.broadcast %broadcast_in_dim3A : f32 to vector<256x512xf32>
      %swap3A_19 = arith.constant 0 : index
      %swap3A_20 = arith.constant 0 : index
      %swap3A_21 = vector.load %arg4[%swap3A_19, %swap3A_20] : memref<256x512xf32, #tpu.memory_space<vmem>>, vector<256x512xf32>
      tpu.vector_store %arg4[%swap3A_19, %swap3A_20], %broadcast_in_dim3A_18 {strides = array<i32>} : memref<256x512xf32, #tpu.memory_space<vmem>>, vector<256x512xf32>,
    } else {
    }
    %get3A = arith.constant 0 : index
    %get3A_2 = arith.constant 0 : index
    %get3A_3 = vector.load %arg4[%get3A, %get3A_2] : memref<256x512xf32, #tpu.memory_space<vmem>>, vector<256x512xf32>
    %get3A_4 = arith.constant 0 : index
    %get3A_5 = arith.constant 0 : index
    %get3A_6 = vector.load %arg1[%get3A_4, %get3A_5] : memref<256x2048xf32, #tpu.memory_space<vmem>>, vector<256x2048xf32>
    %get3A_7 = arith.constant 0 : index
    %get3A_8 = arith.constant 0 : index
    %get3A_9 = vector.load %arg2[%get3A_7, %get3A_8] : memref<2048x512xf32, #tpu.memory_space<vmem>>, vector<2048x512xf32>
    %dot_general3A = arith.constant dense<0.000000e+00> : vector<256x512xf32>
    %dot_general3A_10 = tpu.matmul %get3A_6, %get3A_9, %dot_general3A {dimension_numbers = #tpu.dot_dimension_numbers<[1], [0], [0], [1], [0, 0, 1, 1], [], []>, precision = #tpu.contract_precision<fp32>, transpose_lhs_hint = false} : vector<256x2048xf32>, vector<2048x512xf32>, vector<256x512xf32> -> vector<256x512xf32>
    %add3A = arith.addf %get3A_3, %dot_general3A_10 : vector<256x512xf32>
    %swap3A = arith.constant 0 : index
    %swap3A_11 = arith.constant 0 : index
    %swap3A_12 = vector.load %arg4[%swap3A, %swap3A_11] : memref<256x512xf32, #tpu.memory_space<vmem>>, vector<256x512xf32>
    tpu.vector_store %arg4[%swap3A, %swap3A_11], %add3A {strides = array<i32>} : memref<256x512xf32, #tpu.memory_space<vmem>>, vector<256x512xf32>,
    %eq3A_13 = arith.constant 4 : i32
    %eq3A_14 = arith.cmpi eq, %arg0, %eq3A_13 : i32
    %convert_element_type3A_15 = arith.extui %eq3A_14 : i1 to i32
    %cond3A_16 = arith.constant 0 : i32
    %cond3A_17 = arith.cmpi ne, %convert_element_type3A_15, %cond3A_16 : i32
    scf.if %cond3A_17 {
      %get3A_18 = arith.constant 0 : index
      %get3A_19 = arith.constant 0 : index
      %get3A_20 = vector.load %arg4[%get3A_18, %get3A_19] : memref<256x512xf32, #tpu.memory_space<vmem>>, vector<256x512xf32>
      %mul3A = arith.mulf %get3A_20, %get3A_20 : vector<256x512xf32>
      %reduce_sum3A = arith.constant dense<0.000000e+00> : vector<256xf32>
      %reduce_sum3A_21 = vector.multi_reduction <add>, %mul3A, %reduce_sum3A [1] : vector<256x512xf32> to vector<256xf32>
      %broadcast_in_dim3A = vector.shape_cast %reduce_sum3A_21 : vector<256xf32> to vector<256x1xf32>
      %sqrt3A = math.sqrt %broadcast_in_dim3A : vector<256x1xf32>
      %div3A = arith.constant 2.560000e+02 : f32
      %div3A_22 = vector.broadcast %div3A : f32 to vector<256x1xf32>
      %div3A_23 = arith.divf %sqrt3A, %div3A_22 : vector<256x1xf32>
      %broadcast_in_dim3A_24 = vector.shape_cast %div3A_23 : vector<256x1xf32> to vector<256x1xf32>
      %broadcast_in_dim3A_25 = vector.broadcast %broadcast_in_dim3A_24 : vector<256x1xf32> to vector<256x128xf32>
      %swap3A_26 = arith.constant 0 : index
      %swap3A_27 = arith.constant 0 : index
      %swap3A_28 = vector.load %arg3[%swap3A_26, %swap3A_27] : memref<256x128xf32, #tpu.memory_space<vmem>>, vector<256x128xf32>
      tpu.vector_store %arg3[%swap3A_26, %swap3A_27], %broadcast_in_dim3A_25 {strides = array<i32>} : memref<256x128xf32, #tpu.memory_space<vmem>>, vector<256x128xf32>,
    } else {
    }
    return
  }
  func.func @transform_0(%arg0: i32) -> (i32, i32) {
    %c0_i32 = arith.constant 0 : i32
    %c0_i32_0 = arith.constant 0 : i32
    return %c0_i32, %arg0 : i32, i32
  }
  func.func @transform_1(%arg0: i32) -> (i32, i32) {
    %c0_i32 = arith.constant 0 : i32
    %c0_i32_0 = arith.constant 0 : i32
    return %arg0, %c0_i32 : i32, i32
  }
  func.func @transform_2(%arg0: i32) -> (i32, i32) {
    %c0_i32 = arith.constant 0 : i32
    %c0_i32_0 = arith.constant 0 : i32
    %c0_i32_1 = arith.constant 0 : i32
    return %c0_i32, %c0_i32_0 : i32, i32
  }
}

module attributes {stable_mosaic.version = 14 : i64} {
  func.func @_sdiff_body(%arg0: i32, %arg1: memref<4096x256xi32, #tpu.memory_space<vmem>>, %arg2: memref<4096x256xf32, #tpu.memory_space<vmem>>, %arg3: memref<16x256x256xf32, #tpu.memory_space<vmem>>, %arg4: memref<16x1x128xf32, #tpu.memory_space<vmem>>) attributes {dimension_semantics = [#tpu.dimension_semantics<arbitrary>], iteration_bounds = array<i64: 16>, scalar_prefetch = 0 : i64, scratch_operands = 0 : i64, tpu.core_type = #tpu.core_type<tc>, window_params = [{transform_indices = @transform_0, window_bounds = array<i64: 4096, 256>}, {transform_indices = @transform_1, window_bounds = array<i64: 4096, 256>}, {transform_indices = @transform_2, window_bounds = array<i64: 16, 256, 256>}, {transform_indices = @transform_3, window_bounds = array<i64: 16, 1, 128>}]} {
    %get3A = arith.constant 0 : index
    %get3A_0 = arith.constant 0 : index
    %get3A_1 = vector.load %arg1[%get3A, %get3A_0] : memref<4096x256xi32, #tpu.memory_space<vmem>>, vector<256x256xi32>
    %and3A = arith.constant 65535 : i32
    %and3A_2 = vector.broadcast %and3A : i32 to vector<256x256xi32>
    %and3A_3 = arith.andi %get3A_1, %and3A_2 : vector<256x256xi32>
    %convert_element_type3A = arith.trunci %and3A_3 : vector<256x256xi32> to vector<256x256xi16>
    %bitcast_convert_type3A = tpu.bitcast %convert_element_type3A : vector<256x256xi16> -> vector<256x256xbf16>
    %shift_right_logical3A = arith.constant 16 : i32
    %shift_right_logical3A_4 = vector.broadcast %shift_right_logical3A : i32 to vector<256x256xi32>
    %shift_right_logical3A_5 = arith.shrui %get3A_1, %shift_right_logical3A_4 : vector<256x256xi32>
    %convert_element_type3A_6 = arith.trunci %shift_right_logical3A_5 : vector<256x256xi32> to vector<256x256xi16>
    %bitcast_convert_type3A_7 = tpu.bitcast %convert_element_type3A_6 : vector<256x256xi16> -> vector<256x256xbf16>
    %dot_general3A = arith.constant dense<0.000000e+00> : vector<256x256xf32>
    %dot_general3A_8 = tpu.matmul %bitcast_convert_type3A, %bitcast_convert_type3A, %dot_general3A {dimension_numbers = #tpu.dot_dimension_numbers<[1], [1], [0], [0], [0, 0, 1, 0], [], []>, transpose_lhs_hint = false} : vector<256x256xbf16>, vector<256x256xbf16>, vector<256x256xf32> -> vector<256x256xf32>
    %dot_general3A_9 = arith.constant dense<0.000000e+00> : vector<256x256xf32>
    %dot_general3A_10 = tpu.matmul %bitcast_convert_type3A_7, %bitcast_convert_type3A_7, %dot_general3A_9 {dimension_numbers = #tpu.dot_dimension_numbers<[1], [1], [0], [0], [0, 0, 1, 0], [], []>, transpose_lhs_hint = false} : vector<256x256xbf16>, vector<256x256xbf16>, vector<256x256xf32> -> vector<256x256xf32>
    %add3A = arith.addf %dot_general3A_8, %dot_general3A_10 : vector<256x256xf32>
    %get3A_11 = arith.constant 0 : index
    %get3A_12 = arith.constant 0 : index
    %get3A_13 = arith.constant 0 : index
    %get3A_14 = vector.load %arg3[%get3A_11, %get3A_12, %get3A_13] : memref<16x256x256xf32, #tpu.memory_space<vmem>>, vector<1x256x256xf32>
    %get3A_15 = vector.shape_cast %get3A_14 : vector<1x256x256xf32> to vector<256x256xf32>
    %add3A_16 = arith.constant 9.99999971E-10 : f32
    %add3A_17 = vector.broadcast %add3A_16 : f32 to vector<256x256xf32>
    %add3A_18 = arith.addf %get3A_15, %add3A_17 : vector<256x256xf32>
    %log3A = math.log %add3A_18 : vector<256x256xf32>
    %neg3A = arith.constant 0.000000e+00 : f32
    %neg3A_19 = vector.broadcast %neg3A : f32 to vector<256x256xf32>
    %neg3A_20 = arith.subf %neg3A_19, %log3A : vector<256x256xf32>
    %add3A_21 = arith.constant 9.99999971E-10 : f32
    %add3A_22 = vector.broadcast %add3A_21 : f32 to vector<256x256xf32>
    %add3A_23 = arith.addf %neg3A_20, %add3A_22 : vector<256x256xf32>
    %log3A_24 = math.log %add3A_23 : vector<256x256xf32>
    %neg3A_25 = arith.constant 0.000000e+00 : f32
    %neg3A_26 = vector.broadcast %neg3A_25 : f32 to vector<256x256xf32>
    %neg3A_27 = arith.subf %neg3A_26, %log3A_24 : vector<256x256xf32>
    %sub3A = arith.constant 1.000000e-01 : f32
    %sub3A_28 = vector.broadcast %sub3A : f32 to vector<256x256xf32>
    %sub3A_29 = arith.subf %add3A, %sub3A_28 : vector<256x256xf32>
    %add3A_30 = arith.addf %sub3A_29, %neg3A_27 : vector<256x256xf32>
    %exp3A = math.exp %add3A_30 : vector<256x256xf32>
    %reduce_sum3A = arith.constant dense<0.000000e+00> : vector<256xf32>
    %reduce_sum3A_31 = vector.multi_reduction <add>, %exp3A, %reduce_sum3A [1] : vector<256x256xf32> to vector<256xf32>
    %broadcast_in_dim3A = vector.shape_cast %reduce_sum3A_31 : vector<256xf32> to vector<256x1xf32>
    %div3A = vector.broadcast %broadcast_in_dim3A : vector<256x1xf32> to vector<256x256xf32>
    %div3A_32 = arith.divf %exp3A, %div3A : vector<256x256xf32>
    %get3A_33 = arith.constant 0 : index
    %get3A_34 = arith.constant 0 : index
    %get3A_35 = vector.load %arg2[%get3A_33, %get3A_34] : memref<4096x256xf32, #tpu.memory_space<vmem>>, vector<256x256xf32>
    %sub3A_36 = arith.subf %get3A_35, %div3A_32 : vector<256x256xf32>
    %mul3A = arith.mulf %sub3A_36, %sub3A_36 : vector<256x256xf32>
    %reduce_sum3A_37 = arith.constant dense<0.000000e+00> : vector<256xf32>
    %reduce_sum3A_38 = vector.multi_reduction <add>, %mul3A, %reduce_sum3A_37 [1] : vector<256x256xf32> to vector<256xf32>
    %broadcast_in_dim3A_39 = vector.shape_cast %reduce_sum3A_38 : vector<256xf32> to vector<256x1xf32>
    %sqrt3A = math.sqrt %broadcast_in_dim3A_39 : vector<256x1xf32>
    %reduce_sum3A_40 = vector.shape_cast %sqrt3A : vector<256x1xf32> to vector<1x256x1xf32>
    %reduce_sum3A_41 = arith.constant dense<0.000000e+00> : vector<1xf32>
    %reduce_sum3A_42 = vector.multi_reduction <add>, %reduce_sum3A_40, %reduce_sum3A_41 [1, 2] : vector<1x256x1xf32> to vector<1xf32>
    %reduce_sum3A_43 = vector.shape_cast %reduce_sum3A_42 : vector<1xf32> to vector<1x1x1xf32>
    %reduce_sum3A_44 = vector.extract %reduce_sum3A_43[0, 0, 0] : f32 from vector<1x1x1xf32>
    %div3A_45 = arith.constant 2.560000e+02 : f32
    %div3A_46 = arith.divf %reduce_sum3A_44, %div3A_45 : f32
    %broadcast_in_dim3A_47 = vector.broadcast %div3A_46 : f32 to vector<1x1x128xf32>
    %swap3A = arith.constant 0 : index
    %swap3A_48 = arith.constant 0 : index
    %swap3A_49 = arith.constant 0 : index
    %swap3A_50 = vector.load %arg4[%swap3A, %swap3A_48, %swap3A_49] : memref<16x1x128xf32, #tpu.memory_space<vmem>>, vector<1x1x128xf32>
    tpu.vector_store %arg4[%swap3A, %swap3A_48, %swap3A_49], %broadcast_in_dim3A_47 {strides = array<i32>} : memref<16x1x128xf32, #tpu.memory_space<vmem>>, vector<1x1x128xf32>,
    %get3A_51 = arith.constant 256 : index
    %get3A_52 = arith.constant 0 : index
    %get3A_53 = vector.load %arg1[%get3A_51, %get3A_52] : memref<4096x256xi32, #tpu.memory_space<vmem>>, vector<256x256xi32>
    %and3A_54 = arith.constant 65535 : i32
    %and3A_55 = vector.broadcast %and3A_54 : i32 to vector<256x256xi32>
    %and3A_56 = arith.andi %get3A_53, %and3A_55 : vector<256x256xi32>
    %convert_element_type3A_57 = arith.trunci %and3A_56 : vector<256x256xi32> to vector<256x256xi16>
    %bitcast_convert_type3A_58 = tpu.bitcast %convert_element_type3A_57 : vector<256x256xi16> -> vector<256x256xbf16>
    %shift_right_logical3A_59 = arith.constant 16 : i32
    %shift_right_logical3A_60 = vector.broadcast %shift_right_logical3A_59 : i32 to vector<256x256xi32>
    %shift_right_logical3A_61 = arith.shrui %get3A_53, %shift_right_logical3A_60 : vector<256x256xi32>
    %convert_element_type3A_62 = arith.trunci %shift_right_logical3A_61 : vector<256x256xi32> to vector<256x256xi16>
    %bitcast_convert_type3A_63 = tpu.bitcast %convert_element_type3A_62 : vector<256x256xi16> -> vector<256x256xbf16>
    %dot_general3A_64 = arith.constant dense<0.000000e+00> : vector<256x256xf32>
    %dot_general3A_65 = tpu.matmul %bitcast_convert_type3A_58, %bitcast_convert_type3A_58, %dot_general3A_64 {dimension_numbers = #tpu.dot_dimension_numbers<[1], [1], [0], [0], [0, 0, 1, 0], [], []>, transpose_lhs_hint = false} : vector<256x256xbf16>, vector<256x256xbf16>, vector<256x256xf32> -> vector<256x256xf32>
    %dot_general3A_66 = arith.constant dense<0.000000e+00> : vector<256x256xf32>
    %dot_general3A_67 = tpu.matmul %bitcast_convert_type3A_63, %bitcast_convert_type3A_63, %dot_general3A_66 {dimension_numbers = #tpu.dot_dimension_numbers<[1], [1], [0], [0], [0, 0, 1, 0], [], []>, transpose_lhs_hint = false} : vector<256x256xbf16>, vector<256x256xbf16>, vector<256x256xf32> -> vector<256x256xf32>
    %add3A_68 = arith.addf %dot_general3A_65, %dot_general3A_67 : vector<256x256xf32>
    %get3A_69 = arith.constant 1 : index
    %get3A_70 = arith.constant 0 : index
    %get3A_71 = arith.constant 0 : index
    %get3A_72 = vector.load %arg3[%get3A_69, %get3A_70, %get3A_71] : memref<16x256x256xf32, #tpu.memory_space<vmem>>, vector<1x256x256xf32>
    %get3A_73 = vector.shape_cast %get3A_72 : vector<1x256x256xf32> to vector<256x256xf32>
    %add3A_74 = arith.constant 9.99999971E-10 : f32
    %add3A_75 = vector.broadcast %add3A_74 : f32 to vector<256x256xf32>
    %add3A_76 = arith.addf %get3A_73, %add3A_75 : vector<256x256xf32>
    %log3A_77 = math.log %add3A_76 : vector<256x256xf32>
    %neg3A_78 = arith.constant 0.000000e+00 : f32
    %neg3A_79 = vector.broadcast %neg3A_78 : f32 to vector<256x256xf32>
    %neg3A_80 = arith.subf %neg3A_79, %log3A_77 : vector<256x256xf32>
    %add3A_81 = arith.constant 9.99999971E-10 : f32
    %add3A_82 = vector.broadcast %add3A_81 : f32 to vector<256x256xf32>
    %add3A_83 = arith.addf %neg3A_80, %add3A_82 : vector<256x256xf32>
    %log3A_84 = math.log %add3A_83 : vector<256x256xf32>
    %neg3A_85 = arith.constant 0.000000e+00 : f32
    %neg3A_86 = vector.broadcast %neg3A_85 : f32 to vector<256x256xf32>
    %neg3A_87 = arith.subf %neg3A_86, %log3A_84 : vector<256x256xf32>
    %sub3A_88 = arith.constant 1.000000e-01 : f32
    %sub3A_89 = vector.broadcast %sub3A_88 : f32 to vector<256x256xf32>
    %sub3A_90 = arith.subf %add3A_68, %sub3A_89 : vector<256x256xf32>
    %add3A_91 = arith.addf %sub3A_90, %neg3A_87 : vector<256x256xf32>
    %exp3A_92 = math.exp %add3A_91 : vector<256x256xf32>
    %reduce_sum3A_93 = arith.constant dense<0.000000e+00> : vector<256xf32>
    %reduce_sum3A_94 = vector.multi_reduction <add>, %exp3A_92, %reduce_sum3A_93 [1] : vector<256x256xf32> to vector<256xf32>
    %broadcast_in_dim3A_95 = vector.shape_cast %reduce_sum3A_94 : vector<256xf32> to vector<256x1xf32>
    %div3A_96 = vector.broadcast %broadcast_in_dim3A_95 : vector<256x1xf32> to vector<256x256xf32>
    %div3A_97 = arith.divf %exp3A_92, %div3A_96 : vector<256x256xf32>
    %get3A_98 = arith.constant 256 : index
    %get3A_99 = arith.constant 0 : index
    %get3A_100 = vector.load %arg2[%get3A_98, %get3A_99] : memref<4096x256xf32, #tpu.memory_space<vmem>>, vector<256x256xf32>
    %sub3A_101 = arith.subf %get3A_100, %div3A_97 : vector<256x256xf32>
    %mul3A_102 = arith.mulf %sub3A_101, %sub3A_101 : vector<256x256xf32>
    %reduce_sum3A_103 = arith.constant dense<0.000000e+00> : vector<256xf32>
    %reduce_sum3A_104 = vector.multi_reduction <add>, %mul3A_102, %reduce_sum3A_103 [1] : vector<256x256xf32> to vector<256xf32>
    %broadcast_in_dim3A_105 = vector.shape_cast %reduce_sum3A_104 : vector<256xf32> to vector<256x1xf32>
    %sqrt3A_106 = math.sqrt %broadcast_in_dim3A_105 : vector<256x1xf32>
    %reduce_sum3A_107 = vector.shape_cast %sqrt3A_106 : vector<256x1xf32> to vector<1x256x1xf32>
    %reduce_sum3A_108 = arith.constant dense<0.000000e+00> : vector<1xf32>
    %reduce_sum3A_109 = vector.multi_reduction <add>, %reduce_sum3A_107, %reduce_sum3A_108 [1, 2] : vector<1x256x1xf32> to vector<1xf32>
    %reduce_sum3A_110 = vector.shape_cast %reduce_sum3A_109 : vector<1xf32> to vector<1x1x1xf32>
    %reduce_sum3A_111 = vector.extract %reduce_sum3A_110[0, 0, 0] : f32 from vector<1x1x1xf32>
    %div3A_112 = arith.constant 2.560000e+02 : f32
    %div3A_113 = arith.divf %reduce_sum3A_111, %div3A_112 : f32
    %broadcast_in_dim3A_114 = vector.broadcast %div3A_113 : f32 to vector<1x1x128xf32>
    %swap3A_115 = arith.constant 1 : index
    %swap3A_116 = arith.constant 0 : index
    %swap3A_117 = arith.constant 0 : index
    %swap3A_118 = vector.load %arg4[%swap3A_115, %swap3A_116, %swap3A_117] : memref<16x1x128xf32, #tpu.memory_space<vmem>>, vector<1x1x128xf32>
    tpu.vector_store %arg4[%swap3A_115, %swap3A_116, %swap3A_117], %broadcast_in_dim3A_114 {strides = array<i32>} : memref<16x1x128xf32, #tpu.memory_space<vmem>>, vector<1x1x128xf32>,
    %get3A_119 = arith.constant 512 : index
    %get3A_120 = arith.constant 0 : index
    %get3A_121 = vector.load %arg1[%get3A_119, %get3A_120] : memref<4096x256xi32, #tpu.memory_space<vmem>>, vector<256x256xi32>
    %and3A_122 = arith.constant 65535 : i32
    %and3A_123 = vector.broadcast %and3A_122 : i32 to vector<256x256xi32>
    %and3A_124 = arith.andi %get3A_121, %and3A_123 : vector<256x256xi32>
    %convert_element_type3A_125 = arith.trunci %and3A_124 : vector<256x256xi32> to vector<256x256xi16>
    %bitcast_convert_type3A_126 = tpu.bitcast %convert_element_type3A_125 : vector<256x256xi16> -> vector<256x256xbf16>
    %shift_right_logical3A_127 = arith.constant 16 : i32
    %shift_right_logical3A_128 = vector.broadcast %shift_right_logical3A_127 : i32 to vector<256x256xi32>
    %shift_right_logical3A_129 = arith.shrui %get3A_121, %shift_right_logical3A_128 : vector<256x256xi32>
    %convert_element_type3A_130 = arith.trunci %shift_right_logical3A_129 : vector<256x256xi32> to vector<256x256xi16>
    %bitcast_convert_type3A_131 = tpu.bitcast %convert_element_type3A_130 : vector<256x256xi16> -> vector<256x256xbf16>
    %dot_general3A_132 = arith.constant dense<0.000000e+00> : vector<256x256xf32>
    %dot_general3A_133 = tpu.matmul %bitcast_convert_type3A_126, %bitcast_convert_type3A_126, %dot_general3A_132 {dimension_numbers = #tpu.dot_dimension_numbers<[1], [1], [0], [0], [0, 0, 1, 0], [], []>, transpose_lhs_hint = false} : vector<256x256xbf16>, vector<256x256xbf16>, vector<256x256xf32> -> vector<256x256xf32>
    %dot_general3A_134 = arith.constant dense<0.000000e+00> : vector<256x256xf32>
    %dot_general3A_135 = tpu.matmul %bitcast_convert_type3A_131, %bitcast_convert_type3A_131, %dot_general3A_134 {dimension_numbers = #tpu.dot_dimension_numbers<[1], [1], [0], [0], [0, 0, 1, 0], [], []>, transpose_lhs_hint = false} : vector<256x256xbf16>, vector<256x256xbf16>, vector<256x256xf32> -> vector<256x256xf32>
    %add3A_136 = arith.addf %dot_general3A_133, %dot_general3A_135 : vector<256x256xf32>
    %get3A_137 = arith.constant 2 : index
    %get3A_138 = arith.constant 0 : index
    %get3A_139 = arith.constant 0 : index
    %get3A_140 = vector.load %arg3[%get3A_137, %get3A_138, %get3A_139] : memref<16x256x256xf32, #tpu.memory_space<vmem>>, vector<1x256x256xf32>
    %get3A_141 = vector.shape_cast %get3A_140 : vector<1x256x256xf32> to vector<256x256xf32>
    %add3A_142 = arith.constant 9.99999971E-10 : f32
    %add3A_143 = vector.broadcast %add3A_142 : f32 to vector<256x256xf32>
    %add3A_144 = arith.addf %get3A_141, %add3A_143 : vector<256x256xf32>
    %log3A_145 = math.log %add3A_144 : vector<256x256xf32>
    %neg3A_146 = arith.constant 0.000000e+00 : f32
    %neg3A_147 = vector.broadcast %neg3A_146 : f32 to vector<256x256xf32>
    %neg3A_148 = arith.subf %neg3A_147, %log3A_145 : vector<256x256xf32>
    %add3A_149 = arith.constant 9.99999971E-10 : f32
    %add3A_150 = vector.broadcast %add3A_149 : f32 to vector<256x256xf32>
    %add3A_151 = arith.addf %neg3A_148, %add3A_150 : vector<256x256xf32>
    %log3A_152 = math.log %add3A_151 : vector<256x256xf32>
    %neg3A_153 = arith.constant 0.000000e+00 : f32
    %neg3A_154 = vector.broadcast %neg3A_153 : f32 to vector<256x256xf32>
    %neg3A_155 = arith.subf %neg3A_154, %log3A_152 : vector<256x256xf32>
    %sub3A_156 = arith.constant 1.000000e-01 : f32
    %sub3A_157 = vector.broadcast %sub3A_156 : f32 to vector<256x256xf32>
    %sub3A_158 = arith.subf %add3A_136, %sub3A_157 : vector<256x256xf32>
    %add3A_159 = arith.addf %sub3A_158, %neg3A_155 : vector<256x256xf32>
    %exp3A_160 = math.exp %add3A_159 : vector<256x256xf32>
    %reduce_sum3A_161 = arith.constant dense<0.000000e+00> : vector<256xf32>
    %reduce_sum3A_162 = vector.multi_reduction <add>, %exp3A_160, %reduce_sum3A_161 [1] : vector<256x256xf32> to vector<256xf32>
    %broadcast_in_dim3A_163 = vector.shape_cast %reduce_sum3A_162 : vector<256xf32> to vector<256x1xf32>
    %div3A_164 = vector.broadcast %broadcast_in_dim3A_163 : vector<256x1xf32> to vector<256x256xf32>
    %div3A_165 = arith.divf %exp3A_160, %div3A_164 : vector<256x256xf32>
    %get3A_166 = arith.constant 512 : index
    %get3A_167 = arith.constant 0 : index
    %get3A_168 = vector.load %arg2[%get3A_166, %get3A_167] : memref<4096x256xf32, #tpu.memory_space<vmem>>, vector<256x256xf32>
    %sub3A_169 = arith.subf %get3A_168, %div3A_165 : vector<256x256xf32>
    %mul3A_170 = arith.mulf %sub3A_169, %sub3A_169 : vector<256x256xf32>
    %reduce_sum3A_171 = arith.constant dense<0.000000e+00> : vector<256xf32>
    %reduce_sum3A_172 = vector.multi_reduction <add>, %mul3A_170, %reduce_sum3A_171 [1] : vector<256x256xf32> to vector<256xf32>
    %broadcast_in_dim3A_173 = vector.shape_cast %reduce_sum3A_172 : vector<256xf32> to vector<256x1xf32>
    %sqrt3A_174 = math.sqrt %broadcast_in_dim3A_173 : vector<256x1xf32>
    %reduce_sum3A_175 = vector.shape_cast %sqrt3A_174 : vector<256x1xf32> to vector<1x256x1xf32>
    %reduce_sum3A_176 = arith.constant dense<0.000000e+00> : vector<1xf32>
    %reduce_sum3A_177 = vector.multi_reduction <add>, %reduce_sum3A_175, %reduce_sum3A_176 [1, 2] : vector<1x256x1xf32> to vector<1xf32>
    %reduce_sum3A_178 = vector.shape_cast %reduce_sum3A_177 : vector<1xf32> to vector<1x1x1xf32>
    %reduce_sum3A_179 = vector.extract %reduce_sum3A_178[0, 0, 0] : f32 from vector<1x1x1xf32>
    %div3A_180 = arith.constant 2.560000e+02 : f32
    %div3A_181 = arith.divf %reduce_sum3A_179, %div3A_180 : f32
    %broadcast_in_dim3A_182 = vector.broadcast %div3A_181 : f32 to vector<1x1x128xf32>
    %swap3A_183 = arith.constant 2 : index
    %swap3A_184 = arith.constant 0 : index
    %swap3A_185 = arith.constant 0 : index
    %swap3A_186 = vector.load %arg4[%swap3A_183, %swap3A_184, %swap3A_185] : memref<16x1x128xf32, #tpu.memory_space<vmem>>, vector<1x1x128xf32>
    tpu.vector_store %arg4[%swap3A_183, %swap3A_184, %swap3A_185], %broadcast_in_dim3A_182 {strides = array<i32>} : memref<16x1x128xf32, #tpu.memory_space<vmem>>, vector<1x1x128xf32>,
    %get3A_187 = arith.constant 768 : index
    %get3A_188 = arith.constant 0 : index
    %get3A_189 = vector.load %arg1[%get3A_187, %get3A_188] : memref<4096x256xi32, #tpu.memory_space<vmem>>, vector<256x256xi32>
    %and3A_190 = arith.constant 65535 : i32
    %and3A_191 = vector.broadcast %and3A_190 : i32 to vector<256x256xi32>
    %and3A_192 = arith.andi %get3A_189, %and3A_191 : vector<256x256xi32>
    %convert_element_type3A_193 = arith.trunci %and3A_192 : vector<256x256xi32> to vector<256x256xi16>
    %bitcast_convert_type3A_194 = tpu.bitcast %convert_element_type3A_193 : vector<256x256xi16> -> vector<256x256xbf16>
    %shift_right_logical3A_195 = arith.constant 16 : i32
    %shift_right_logical3A_196 = vector.broadcast %shift_right_logical3A_195 : i32 to vector<256x256xi32>
    %shift_right_logical3A_197 = arith.shrui %get3A_189, %shift_right_logical3A_196 : vector<256x256xi32>
    %convert_element_type3A_198 = arith.trunci %shift_right_logical3A_197 : vector<256x256xi32> to vector<256x256xi16>
    %bitcast_convert_type3A_199 = tpu.bitcast %convert_element_type3A_198 : vector<256x256xi16> -> vector<256x256xbf16>
    %dot_general3A_200 = arith.constant dense<0.000000e+00> : vector<256x256xf32>
    %dot_general3A_201 = tpu.matmul %bitcast_convert_type3A_194, %bitcast_convert_type3A_194, %dot_general3A_200 {dimension_numbers = #tpu.dot_dimension_numbers<[1], [1], [0], [0], [0, 0, 1, 0], [], []>, transpose_lhs_hint = false} : vector<256x256xbf16>, vector<256x256xbf16>, vector<256x256xf32> -> vector<256x256xf32>
    %dot_general3A_202 = arith.constant dense<0.000000e+00> : vector<256x256xf32>
    %dot_general3A_203 = tpu.matmul %bitcast_convert_type3A_199, %bitcast_convert_type3A_199, %dot_general3A_202 {dimension_numbers = #tpu.dot_dimension_numbers<[1], [1], [0], [0], [0, 0, 1, 0], [], []>, transpose_lhs_hint = false} : vector<256x256xbf16>, vector<256x256xbf16>, vector<256x256xf32> -> vector<256x256xf32>
    %add3A_204 = arith.addf %dot_general3A_201, %dot_general3A_203 : vector<256x256xf32>
    %get3A_205 = arith.constant 3 : index
    %get3A_206 = arith.constant 0 : index
    %get3A_207 = arith.constant 0 : index
    %get3A_208 = vector.load %arg3[%get3A_205, %get3A_206, %get3A_207] : memref<16x256x256xf32, #tpu.memory_space<vmem>>, vector<1x256x256xf32>
    %get3A_209 = vector.shape_cast %get3A_208 : vector<1x256x256xf32> to vector<256x256xf32>
    %add3A_210 = arith.constant 9.99999971E-10 : f32
    %add3A_211 = vector.broadcast %add3A_210 : f32 to vector<256x256xf32>
    %add3A_212 = arith.addf %get3A_209, %add3A_211 : vector<256x256xf32>
    %log3A_213 = math.log %add3A_212 : vector<256x256xf32>
    %neg3A_214 = arith.constant 0.000000e+00 : f32
    %neg3A_215 = vector.broadcast %neg3A_214 : f32 to vector<256x256xf32>
    %neg3A_216 = arith.subf %neg3A_215, %log3A_213 : vector<256x256xf32>
    %add3A_217 = arith.constant 9.99999971E-10 : f32
    %add3A_218 = vector.broadcast %add3A_217 : f32 to vector<256x256xf32>
    %add3A_219 = arith.addf %neg3A_216, %add3A_218 : vector<256x256xf32>
    %log3A_220 = math.log %add3A_219 : vector<256x256xf32>
    %neg3A_221 = arith.constant 0.000000e+00 : f32
    %neg3A_222 = vector.broadcast %neg3A_221 : f32 to vector<256x256xf32>
    %neg3A_223 = arith.subf %neg3A_222, %log3A_220 : vector<256x256xf32>
    %sub3A_224 = arith.constant 1.000000e-01 : f32
    %sub3A_225 = vector.broadcast %sub3A_224 : f32 to vector<256x256xf32>
    %sub3A_226 = arith.subf %add3A_204, %sub3A_225 : vector<256x256xf32>
    %add3A_227 = arith.addf %sub3A_226, %neg3A_223 : vector<256x256xf32>
    %exp3A_228 = math.exp %add3A_227 : vector<256x256xf32>
    %reduce_sum3A_229 = arith.constant dense<0.000000e+00> : vector<256xf32>
    %reduce_sum3A_230 = vector.multi_reduction <add>, %exp3A_228, %reduce_sum3A_229 [1] : vector<256x256xf32> to vector<256xf32>
    %broadcast_in_dim3A_231 = vector.shape_cast %reduce_sum3A_230 : vector<256xf32> to vector<256x1xf32>
    %div3A_232 = vector.broadcast %broadcast_in_dim3A_231 : vector<256x1xf32> to vector<256x256xf32>
    %div3A_233 = arith.divf %exp3A_228, %div3A_232 : vector<256x256xf32>
    %get3A_234 = arith.constant 768 : index
    %get3A_235 = arith.constant 0 : index
    %get3A_236 = vector.load %arg2[%get3A_234, %get3A_235] : memref<4096x256xf32, #tpu.memory_space<vmem>>, vector<256x256xf32>
    %sub3A_237 = arith.subf %get3A_236, %div3A_233 : vector<256x256xf32>
    %mul3A_238 = arith.mulf %sub3A_237, %sub3A_237 : vector<256x256xf32>
    %reduce_sum3A_239 = arith.constant dense<0.000000e+00> : vector<256xf32>
    %reduce_sum3A_240 = vector.multi_reduction <add>, %mul3A_238, %reduce_sum3A_239 [1] : vector<256x256xf32> to vector<256xf32>
    %broadcast_in_dim3A_241 = vector.shape_cast %reduce_sum3A_240 : vector<256xf32> to vector<256x1xf32>
    %sqrt3A_242 = math.sqrt %broadcast_in_dim3A_241 : vector<256x1xf32>
    %reduce_sum3A_243 = vector.shape_cast %sqrt3A_242 : vector<256x1xf32> to vector<1x256x1xf32>
    %reduce_sum3A_244 = arith.constant dense<0.000000e+00> : vector<1xf32>
    %reduce_sum3A_245 = vector.multi_reduction <add>, %reduce_sum3A_243, %reduce_sum3A_244 [1, 2] : vector<1x256x1xf32> to vector<1xf32>
    %reduce_sum3A_246 = vector.shape_cast %reduce_sum3A_245 : vector<1xf32> to vector<1x1x1xf32>
    %reduce_sum3A_247 = vector.extract %reduce_sum3A_246[0, 0, 0] : f32 from vector<1x1x1xf32>
    %div3A_248 = arith.constant 2.560000e+02 : f32
    %div3A_249 = arith.divf %reduce_sum3A_247, %div3A_248 : f32
    %broadcast_in_dim3A_250 = vector.broadcast %div3A_249 : f32 to vector<1x1x128xf32>
    %swap3A_251 = arith.constant 3 : index
    %swap3A_252 = arith.constant 0 : index
    %swap3A_253 = arith.constant 0 : index
    %swap3A_254 = vector.load %arg4[%swap3A_251, %swap3A_252, %swap3A_253] : memref<16x1x128xf32, #tpu.memory_space<vmem>>, vector<1x1x128xf32>
    tpu.vector_store %arg4[%swap3A_251, %swap3A_252, %swap3A_253], %broadcast_in_dim3A_250 {strides = array<i32>} : memref<16x1x128xf32, #tpu.memory_space<vmem>>, vector<1x1x128xf32>,
    %get3A_255 = arith.constant 1024 : index
    %get3A_256 = arith.constant 0 : index
    %get3A_257 = vector.load %arg1[%get3A_255, %get3A_256] : memref<4096x256xi32, #tpu.memory_space<vmem>>, vector<256x256xi32>
    %and3A_258 = arith.constant 65535 : i32
    %and3A_259 = vector.broadcast %and3A_258 : i32 to vector<256x256xi32>
    %and3A_260 = arith.andi %get3A_257, %and3A_259 : vector<256x256xi32>
    %convert_element_type3A_261 = arith.trunci %and3A_260 : vector<256x256xi32> to vector<256x256xi16>
    %bitcast_convert_type3A_262 = tpu.bitcast %convert_element_type3A_261 : vector<256x256xi16> -> vector<256x256xbf16>
    %shift_right_logical3A_263 = arith.constant 16 : i32
    %shift_right_logical3A_264 = vector.broadcast %shift_right_logical3A_263 : i32 to vector<256x256xi32>
    %shift_right_logical3A_265 = arith.shrui %get3A_257, %shift_right_logical3A_264 : vector<256x256xi32>
    %convert_element_type3A_266 = arith.trunci %shift_right_logical3A_265 : vector<256x256xi32> to vector<256x256xi16>
    %bitcast_convert_type3A_267 = tpu.bitcast %convert_element_type3A_266 : vector<256x256xi16> -> vector<256x256xbf16>
    %dot_general3A_268 = arith.constant dense<0.000000e+00> : vector<256x256xf32>
    %dot_general3A_269 = tpu.matmul %bitcast_convert_type3A_262, %bitcast_convert_type3A_262, %dot_general3A_268 {dimension_numbers = #tpu.dot_dimension_numbers<[1], [1], [0], [0], [0, 0, 1, 0], [], []>, transpose_lhs_hint = false} : vector<256x256xbf16>, vector<256x256xbf16>, vector<256x256xf32> -> vector<256x256xf32>
    %dot_general3A_270 = arith.constant dense<0.000000e+00> : vector<256x256xf32>
    %dot_general3A_271 = tpu.matmul %bitcast_convert_type3A_267, %bitcast_convert_type3A_267, %dot_general3A_270 {dimension_numbers = #tpu.dot_dimension_numbers<[1], [1], [0], [0], [0, 0, 1, 0], [], []>, transpose_lhs_hint = false} : vector<256x256xbf16>, vector<256x256xbf16>, vector<256x256xf32> -> vector<256x256xf32>
    %add3A_272 = arith.addf %dot_general3A_269, %dot_general3A_271 : vector<256x256xf32>
    %get3A_273 = arith.constant 4 : index
    %get3A_274 = arith.constant 0 : index
    %get3A_275 = arith.constant 0 : index
    %get3A_276 = vector.load %arg3[%get3A_273, %get3A_274, %get3A_275] : memref<16x256x256xf32, #tpu.memory_space<vmem>>, vector<1x256x256xf32>
    %get3A_277 = vector.shape_cast %get3A_276 : vector<1x256x256xf32> to vector<256x256xf32>
    %add3A_278 = arith.constant 9.99999971E-10 : f32
    %add3A_279 = vector.broadcast %add3A_278 : f32 to vector<256x256xf32>
    %add3A_280 = arith.addf %get3A_277, %add3A_279 : vector<256x256xf32>
    %log3A_281 = math.log %add3A_280 : vector<256x256xf32>
    %neg3A_282 = arith.constant 0.000000e+00 : f32
    %neg3A_283 = vector.broadcast %neg3A_282 : f32 to vector<256x256xf32>
    %neg3A_284 = arith.subf %neg3A_283, %log3A_281 : vector<256x256xf32>
    %add3A_285 = arith.constant 9.99999971E-10 : f32
    %add3A_286 = vector.broadcast %add3A_285 : f32 to vector<256x256xf32>
    %add3A_287 = arith.addf %neg3A_284, %add3A_286 : vector<256x256xf32>
    %log3A_288 = math.log %add3A_287 : vector<256x256xf32>
    %neg3A_289 = arith.constant 0.000000e+00 : f32
    %neg3A_290 = vector.broadcast %neg3A_289 : f32 to vector<256x256xf32>
    %neg3A_291 = arith.subf %neg3A_290, %log3A_288 : vector<256x256xf32>
    %sub3A_292 = arith.constant 1.000000e-01 : f32
    %sub3A_293 = vector.broadcast %sub3A_292 : f32 to vector<256x256xf32>
    %sub3A_294 = arith.subf %add3A_272, %sub3A_293 : vector<256x256xf32>
    %add3A_295 = arith.addf %sub3A_294, %neg3A_291 : vector<256x256xf32>
    %exp3A_296 = math.exp %add3A_295 : vector<256x256xf32>
    %reduce_sum3A_297 = arith.constant dense<0.000000e+00> : vector<256xf32>
    %reduce_sum3A_298 = vector.multi_reduction <add>, %exp3A_296, %reduce_sum3A_297 [1] : vector<256x256xf32> to vector<256xf32>
    %broadcast_in_dim3A_299 = vector.shape_cast %reduce_sum3A_298 : vector<256xf32> to vector<256x1xf32>
    %div3A_300 = vector.broadcast %broadcast_in_dim3A_299 : vector<256x1xf32> to vector<256x256xf32>
    %div3A_301 = arith.divf %exp3A_296, %div3A_300 : vector<256x256xf32>
    %get3A_302 = arith.constant 1024 : index
    %get3A_303 = arith.constant 0 : index
    %get3A_304 = vector.load %arg2[%get3A_302, %get3A_303] : memref<4096x256xf32, #tpu.memory_space<vmem>>, vector<256x256xf32>
    %sub3A_305 = arith.subf %get3A_304, %div3A_301 : vector<256x256xf32>
    %mul3A_306 = arith.mulf %sub3A_305, %sub3A_305 : vector<256x256xf32>
    %reduce_sum3A_307 = arith.constant dense<0.000000e+00> : vector<256xf32>
    %reduce_sum3A_308 = vector.multi_reduction <add>, %mul3A_306, %reduce_sum3A_307 [1] : vector<256x256xf32> to vector<256xf32>
    %broadcast_in_dim3A_309 = vector.shape_cast %reduce_sum3A_308 : vector<256xf32> to vector<256x1xf32>
    %sqrt3A_310 = math.sqrt %broadcast_in_dim3A_309 : vector<256x1xf32>
    %reduce_sum3A_311 = vector.shape_cast %sqrt3A_310 : vector<256x1xf32> to vector<1x256x1xf32>
    %reduce_sum3A_312 = arith.constant dense<0.000000e+00> : vector<1xf32>
    %reduce_sum3A_313 = vector.multi_reduction <add>, %reduce_sum3A_311, %reduce_sum3A_312 [1, 2] : vector<1x256x1xf32> to vector<1xf32>
    %reduce_sum3A_314 = vector.shape_cast %reduce_sum3A_313 : vector<1xf32> to vector<1x1x1xf32>
    %reduce_sum3A_315 = vector.extract %reduce_sum3A_314[0, 0, 0] : f32 from vector<1x1x1xf32>
    %div3A_316 = arith.constant 2.560000e+02 : f32
    %div3A_317 = arith.divf %reduce_sum3A_315, %div3A_316 : f32
    %broadcast_in_dim3A_318 = vector.broadcast %div3A_317 : f32 to vector<1x1x128xf32>
    %swap3A_319 = arith.constant 4 : index
    %swap3A_320 = arith.constant 0 : index
    %swap3A_321 = arith.constant 0 : index
    %swap3A_322 = vector.load %arg4[%swap3A_319, %swap3A_320, %swap3A_321] : memref<16x1x128xf32, #tpu.memory_space<vmem>>, vector<1x1x128xf32>
    tpu.vector_store %arg4[%swap3A_319, %swap3A_320, %swap3A_321], %broadcast_in_dim3A_318 {strides = array<i32>} : memref<16x1x128xf32, #tpu.memory_space<vmem>>, vector<1x1x128xf32>,
    %get3A_323 = arith.constant 1280 : index
    %get3A_324 = arith.constant 0 : index
    %get3A_325 = vector.load %arg1[%get3A_323, %get3A_324] : memref<4096x256xi32, #tpu.memory_space<vmem>>, vector<256x256xi32>
    %and3A_326 = arith.constant 65535 : i32
    %and3A_327 = vector.broadcast %and3A_326 : i32 to vector<256x256xi32>
    %and3A_328 = arith.andi %get3A_325, %and3A_327 : vector<256x256xi32>
    %convert_element_type3A_329 = arith.trunci %and3A_328 : vector<256x256xi32> to vector<256x256xi16>
    %bitcast_convert_type3A_330 = tpu.bitcast %convert_element_type3A_329 : vector<256x256xi16> -> vector<256x256xbf16>
    %shift_right_logical3A_331 = arith.constant 16 : i32
    %shift_right_logical3A_332 = vector.broadcast %shift_right_logical3A_331 : i32 to vector<256x256xi32>
    %shift_right_logical3A_333 = arith.shrui %get3A_325, %shift_right_logical3A_332 : vector<256x256xi32>
    %convert_element_type3A_334 = arith.trunci %shift_right_logical3A_333 : vector<256x256xi32> to vector<256x256xi16>
    %bitcast_convert_type3A_335 = tpu.bitcast %convert_element_type3A_334 : vector<256x256xi16> -> vector<256x256xbf16>
    %dot_general3A_336 = arith.constant dense<0.000000e+00> : vector<256x256xf32>
    %dot_general3A_337 = tpu.matmul %bitcast_convert_type3A_330, %bitcast_convert_type3A_330, %dot_general3A_336 {dimension_numbers = #tpu.dot_dimension_numbers<[1], [1], [0], [0], [0, 0, 1, 0], [], []>, transpose_lhs_hint = false} : vector<256x256xbf16>, vector<256x256xbf16>, vector<256x256xf32> -> vector<256x256xf32>
    %dot_general3A_338 = arith.constant dense<0.000000e+00> : vector<256x256xf32>
    %dot_general3A_339 = tpu.matmul %bitcast_convert_type3A_335, %bitcast_convert_type3A_335, %dot_general3A_338 {dimension_numbers = #tpu.dot_dimension_numbers<[1], [1], [0], [0], [0, 0, 1, 0], [], []>, transpose_lhs_hint = false} : vector<256x256xbf16>, vector<256x256xbf16>, vector<256x256xf32> -> vector<256x256xf32>
    %add3A_340 = arith.addf %dot_general3A_337, %dot_general3A_339 : vector<256x256xf32>
    %get3A_341 = arith.constant 5 : index
    %get3A_342 = arith.constant 0 : index
    %get3A_343 = arith.constant 0 : index
    %get3A_344 = vector.load %arg3[%get3A_341, %get3A_342, %get3A_343] : memref<16x256x256xf32, #tpu.memory_space<vmem>>, vector<1x256x256xf32>
    %get3A_345 = vector.shape_cast %get3A_344 : vector<1x256x256xf32> to vector<256x256xf32>
    %add3A_346 = arith.constant 9.99999971E-10 : f32
    %add3A_347 = vector.broadcast %add3A_346 : f32 to vector<256x256xf32>
    %add3A_348 = arith.addf %get3A_345, %add3A_347 : vector<256x256xf32>
    %log3A_349 = math.log %add3A_348 : vector<256x256xf32>
    %neg3A_350 = arith.constant 0.000000e+00 : f32
    %neg3A_351 = vector.broadcast %neg3A_350 : f32 to vector<256x256xf32>
    %neg3A_352 = arith.subf %neg3A_351, %log3A_349 : vector<256x256xf32>
    %add3A_353 = arith.constant 9.99999971E-10 : f32
    %add3A_354 = vector.broadcast %add3A_353 : f32 to vector<256x256xf32>
    %add3A_355 = arith.addf %neg3A_352, %add3A_354 : vector<256x256xf32>
    %log3A_356 = math.log %add3A_355 : vector<256x256xf32>
    %neg3A_357 = arith.constant 0.000000e+00 : f32
    %neg3A_358 = vector.broadcast %neg3A_357 : f32 to vector<256x256xf32>
    %neg3A_359 = arith.subf %neg3A_358, %log3A_356 : vector<256x256xf32>
    %sub3A_360 = arith.constant 1.000000e-01 : f32
    %sub3A_361 = vector.broadcast %sub3A_360 : f32 to vector<256x256xf32>
    %sub3A_362 = arith.subf %add3A_340, %sub3A_361 : vector<256x256xf32>
    %add3A_363 = arith.addf %sub3A_362, %neg3A_359 : vector<256x256xf32>
    %exp3A_364 = math.exp %add3A_363 : vector<256x256xf32>
    %reduce_sum3A_365 = arith.constant dense<0.000000e+00> : vector<256xf32>
    %reduce_sum3A_366 = vector.multi_reduction <add>, %exp3A_364, %reduce_sum3A_365 [1] : vector<256x256xf32> to vector<256xf32>
    %broadcast_in_dim3A_367 = vector.shape_cast %reduce_sum3A_366 : vector<256xf32> to vector<256x1xf32>
    %div3A_368 = vector.broadcast %broadcast_in_dim3A_367 : vector<256x1xf32> to vector<256x256xf32>
    %div3A_369 = arith.divf %exp3A_364, %div3A_368 : vector<256x256xf32>
    %get3A_370 = arith.constant 1280 : index
    %get3A_371 = arith.constant 0 : index
    %get3A_372 = vector.load %arg2[%get3A_370, %get3A_371] : memref<4096x256xf32, #tpu.memory_space<vmem>>, vector<256x256xf32>
    %sub3A_373 = arith.subf %get3A_372, %div3A_369 : vector<256x256xf32>
    %mul3A_374 = arith.mulf %sub3A_373, %sub3A_373 : vector<256x256xf32>
    %reduce_sum3A_375 = arith.constant dense<0.000000e+00> : vector<256xf32>
    %reduce_sum3A_376 = vector.multi_reduction <add>, %mul3A_374, %reduce_sum3A_375 [1] : vector<256x256xf32> to vector<256xf32>
    %broadcast_in_dim3A_377 = vector.shape_cast %reduce_sum3A_376 : vector<256xf32> to vector<256x1xf32>
    %sqrt3A_378 = math.sqrt %broadcast_in_dim3A_377 : vector<256x1xf32>
    %reduce_sum3A_379 = vector.shape_cast %sqrt3A_378 : vector<256x1xf32> to vector<1x256x1xf32>
    %reduce_sum3A_380 = arith.constant dense<0.000000e+00> : vector<1xf32>
    %reduce_sum3A_381 = vector.multi_reduction <add>, %reduce_sum3A_379, %reduce_sum3A_380 [1, 2] : vector<1x256x1xf32> to vector<1xf32>
    %reduce_sum3A_382 = vector.shape_cast %reduce_sum3A_381 : vector<1xf32> to vector<1x1x1xf32>
    %reduce_sum3A_383 = vector.extract %reduce_sum3A_382[0, 0, 0] : f32 from vector<1x1x1xf32>
    %div3A_384 = arith.constant 2.560000e+02 : f32
    %div3A_385 = arith.divf %reduce_sum3A_383, %div3A_384 : f32
    %broadcast_in_dim3A_386 = vector.broadcast %div3A_385 : f32 to vector<1x1x128xf32>
    %swap3A_387 = arith.constant 5 : index
    %swap3A_388 = arith.constant 0 : index
    %swap3A_389 = arith.constant 0 : index
    %swap3A_390 = vector.load %arg4[%swap3A_387, %swap3A_388, %swap3A_389] : memref<16x1x128xf32, #tpu.memory_space<vmem>>, vector<1x1x128xf32>
    tpu.vector_store %arg4[%swap3A_387, %swap3A_388, %swap3A_389], %broadcast_in_dim3A_386 {strides = array<i32>} : memref<16x1x128xf32, #tpu.memory_space<vmem>>, vector<1x1x128xf32>,
    %get3A_391 = arith.constant 1536 : index
    %get3A_392 = arith.constant 0 : index
    %get3A_393 = vector.load %arg1[%get3A_391, %get3A_392] : memref<4096x256xi32, #tpu.memory_space<vmem>>, vector<256x256xi32>
    %and3A_394 = arith.constant 65535 : i32
    %and3A_395 = vector.broadcast %and3A_394 : i32 to vector<256x256xi32>
    %and3A_396 = arith.andi %get3A_393, %and3A_395 : vector<256x256xi32>
    %convert_element_type3A_397 = arith.trunci %and3A_396 : vector<256x256xi32> to vector<256x256xi16>
    %bitcast_convert_type3A_398 = tpu.bitcast %convert_element_type3A_397 : vector<256x256xi16> -> vector<256x256xbf16>
    %shift_right_logical3A_399 = arith.constant 16 : i32
    %shift_right_logical3A_400 = vector.broadcast %shift_right_logical3A_399 : i32 to vector<256x256xi32>
    %shift_right_logical3A_401 = arith.shrui %get3A_393, %shift_right_logical3A_400 : vector<256x256xi32>
    %convert_element_type3A_402 = arith.trunci %shift_right_logical3A_401 : vector<256x256xi32> to vector<256x256xi16>
    %bitcast_convert_type3A_403 = tpu.bitcast %convert_element_type3A_402 : vector<256x256xi16> -> vector<256x256xbf16>
    %dot_general3A_404 = arith.constant dense<0.000000e+00> : vector<256x256xf32>
    %dot_general3A_405 = tpu.matmul %bitcast_convert_type3A_398, %bitcast_convert_type3A_398, %dot_general3A_404 {dimension_numbers = #tpu.dot_dimension_numbers<[1], [1], [0], [0], [0, 0, 1, 0], [], []>, transpose_lhs_hint = false} : vector<256x256xbf16>, vector<256x256xbf16>, vector<256x256xf32> -> vector<256x256xf32>
    %dot_general3A_406 = arith.constant dense<0.000000e+00> : vector<256x256xf32>
    %dot_general3A_407 = tpu.matmul %bitcast_convert_type3A_403, %bitcast_convert_type3A_403, %dot_general3A_406 {dimension_numbers = #tpu.dot_dimension_numbers<[1], [1], [0], [0], [0, 0, 1, 0], [], []>, transpose_lhs_hint = false} : vector<256x256xbf16>, vector<256x256xbf16>, vector<256x256xf32> -> vector<256x256xf32>
    %add3A_408 = arith.addf %dot_general3A_405, %dot_general3A_407 : vector<256x256xf32>
    %get3A_409 = arith.constant 6 : index
    %get3A_410 = arith.constant 0 : index
    %get3A_411 = arith.constant 0 : index
    %get3A_412 = vector.load %arg3[%get3A_409, %get3A_410, %get3A_411] : memref<16x256x256xf32, #tpu.memory_space<vmem>>, vector<1x256x256xf32>
    %get3A_413 = vector.shape_cast %get3A_412 : vector<1x256x256xf32> to vector<256x256xf32>
    %add3A_414 = arith.constant 9.99999971E-10 : f32
    %add3A_415 = vector.broadcast %add3A_414 : f32 to vector<256x256xf32>
    %add3A_416 = arith.addf %get3A_413, %add3A_415 : vector<256x256xf32>
    %log3A_417 = math.log %add3A_416 : vector<256x256xf32>
    %neg3A_418 = arith.constant 0.000000e+00 : f32
    %neg3A_419 = vector.broadcast %neg3A_418 : f32 to vector<256x256xf32>
    %neg3A_420 = arith.subf %neg3A_419, %log3A_417 : vector<256x256xf32>
    %add3A_421 = arith.constant 9.99999971E-10 : f32
    %add3A_422 = vector.broadcast %add3A_421 : f32 to vector<256x256xf32>
    %add3A_423 = arith.addf %neg3A_420, %add3A_422 : vector<256x256xf32>
    %log3A_424 = math.log %add3A_423 : vector<256x256xf32>
    %neg3A_425 = arith.constant 0.000000e+00 : f32
    %neg3A_426 = vector.broadcast %neg3A_425 : f32 to vector<256x256xf32>
    %neg3A_427 = arith.subf %neg3A_426, %log3A_424 : vector<256x256xf32>
    %sub3A_428 = arith.constant 1.000000e-01 : f32
    %sub3A_429 = vector.broadcast %sub3A_428 : f32 to vector<256x256xf32>
    %sub3A_430 = arith.subf %add3A_408, %sub3A_429 : vector<256x256xf32>
    %add3A_431 = arith.addf %sub3A_430, %neg3A_427 : vector<256x256xf32>
    %exp3A_432 = math.exp %add3A_431 : vector<256x256xf32>
    %reduce_sum3A_433 = arith.constant dense<0.000000e+00> : vector<256xf32>
    %reduce_sum3A_434 = vector.multi_reduction <add>, %exp3A_432, %reduce_sum3A_433 [1] : vector<256x256xf32> to vector<256xf32>
    %broadcast_in_dim3A_435 = vector.shape_cast %reduce_sum3A_434 : vector<256xf32> to vector<256x1xf32>
    %div3A_436 = vector.broadcast %broadcast_in_dim3A_435 : vector<256x1xf32> to vector<256x256xf32>
    %div3A_437 = arith.divf %exp3A_432, %div3A_436 : vector<256x256xf32>
    %get3A_438 = arith.constant 1536 : index
    %get3A_439 = arith.constant 0 : index
    %get3A_440 = vector.load %arg2[%get3A_438, %get3A_439] : memref<4096x256xf32, #tpu.memory_space<vmem>>, vector<256x256xf32>
    %sub3A_441 = arith.subf %get3A_440, %div3A_437 : vector<256x256xf32>
    %mul3A_442 = arith.mulf %sub3A_441, %sub3A_441 : vector<256x256xf32>
    %reduce_sum3A_443 = arith.constant dense<0.000000e+00> : vector<256xf32>
    %reduce_sum3A_444 = vector.multi_reduction <add>, %mul3A_442, %reduce_sum3A_443 [1] : vector<256x256xf32> to vector<256xf32>
    %broadcast_in_dim3A_445 = vector.shape_cast %reduce_sum3A_444 : vector<256xf32> to vector<256x1xf32>
    %sqrt3A_446 = math.sqrt %broadcast_in_dim3A_445 : vector<256x1xf32>
    %reduce_sum3A_447 = vector.shape_cast %sqrt3A_446 : vector<256x1xf32> to vector<1x256x1xf32>
    %reduce_sum3A_448 = arith.constant dense<0.000000e+00> : vector<1xf32>
    %reduce_sum3A_449 = vector.multi_reduction <add>, %reduce_sum3A_447, %reduce_sum3A_448 [1, 2] : vector<1x256x1xf32> to vector<1xf32>
    %reduce_sum3A_450 = vector.shape_cast %reduce_sum3A_449 : vector<1xf32> to vector<1x1x1xf32>
    %reduce_sum3A_451 = vector.extract %reduce_sum3A_450[0, 0, 0] : f32 from vector<1x1x1xf32>
    %div3A_452 = arith.constant 2.560000e+02 : f32
    %div3A_453 = arith.divf %reduce_sum3A_451, %div3A_452 : f32
    %broadcast_in_dim3A_454 = vector.broadcast %div3A_453 : f32 to vector<1x1x128xf32>
    %swap3A_455 = arith.constant 6 : index
    %swap3A_456 = arith.constant 0 : index
    %swap3A_457 = arith.constant 0 : index
    %swap3A_458 = vector.load %arg4[%swap3A_455, %swap3A_456, %swap3A_457] : memref<16x1x128xf32, #tpu.memory_space<vmem>>, vector<1x1x128xf32>
    tpu.vector_store %arg4[%swap3A_455, %swap3A_456, %swap3A_457], %broadcast_in_dim3A_454 {strides = array<i32>} : memref<16x1x128xf32, #tpu.memory_space<vmem>>, vector<1x1x128xf32>,
    %get3A_459 = arith.constant 1792 : index
    %get3A_460 = arith.constant 0 : index
    %get3A_461 = vector.load %arg1[%get3A_459, %get3A_460] : memref<4096x256xi32, #tpu.memory_space<vmem>>, vector<256x256xi32>
    %and3A_462 = arith.constant 65535 : i32
    %and3A_463 = vector.broadcast %and3A_462 : i32 to vector<256x256xi32>
    %and3A_464 = arith.andi %get3A_461, %and3A_463 : vector<256x256xi32>
    %convert_element_type3A_465 = arith.trunci %and3A_464 : vector<256x256xi32> to vector<256x256xi16>
    %bitcast_convert_type3A_466 = tpu.bitcast %convert_element_type3A_465 : vector<256x256xi16> -> vector<256x256xbf16>
    %shift_right_logical3A_467 = arith.constant 16 : i32
    %shift_right_logical3A_468 = vector.broadcast %shift_right_logical3A_467 : i32 to vector<256x256xi32>
    %shift_right_logical3A_469 = arith.shrui %get3A_461, %shift_right_logical3A_468 : vector<256x256xi32>
    %convert_element_type3A_470 = arith.trunci %shift_right_logical3A_469 : vector<256x256xi32> to vector<256x256xi16>
    %bitcast_convert_type3A_471 = tpu.bitcast %convert_element_type3A_470 : vector<256x256xi16> -> vector<256x256xbf16>
    %dot_general3A_472 = arith.constant dense<0.000000e+00> : vector<256x256xf32>
    %dot_general3A_473 = tpu.matmul %bitcast_convert_type3A_466, %bitcast_convert_type3A_466, %dot_general3A_472 {dimension_numbers = #tpu.dot_dimension_numbers<[1], [1], [0], [0], [0, 0, 1, 0], [], []>, transpose_lhs_hint = false} : vector<256x256xbf16>, vector<256x256xbf16>, vector<256x256xf32> -> vector<256x256xf32>
    %dot_general3A_474 = arith.constant dense<0.000000e+00> : vector<256x256xf32>
    %dot_general3A_475 = tpu.matmul %bitcast_convert_type3A_471, %bitcast_convert_type3A_471, %dot_general3A_474 {dimension_numbers = #tpu.dot_dimension_numbers<[1], [1], [0], [0], [0, 0, 1, 0], [], []>, transpose_lhs_hint = false} : vector<256x256xbf16>, vector<256x256xbf16>, vector<256x256xf32> -> vector<256x256xf32>
    %add3A_476 = arith.addf %dot_general3A_473, %dot_general3A_475 : vector<256x256xf32>
    %get3A_477 = arith.constant 7 : index
    %get3A_478 = arith.constant 0 : index
    %get3A_479 = arith.constant 0 : index
    %get3A_480 = vector.load %arg3[%get3A_477, %get3A_478, %get3A_479] : memref<16x256x256xf32, #tpu.memory_space<vmem>>, vector<1x256x256xf32>
    %get3A_481 = vector.shape_cast %get3A_480 : vector<1x256x256xf32> to vector<256x256xf32>
    %add3A_482 = arith.constant 9.99999971E-10 : f32
    %add3A_483 = vector.broadcast %add3A_482 : f32 to vector<256x256xf32>
    %add3A_484 = arith.addf %get3A_481, %add3A_483 : vector<256x256xf32>
    %log3A_485 = math.log %add3A_484 : vector<256x256xf32>
    %neg3A_486 = arith.constant 0.000000e+00 : f32
    %neg3A_487 = vector.broadcast %neg3A_486 : f32 to vector<256x256xf32>
    %neg3A_488 = arith.subf %neg3A_487, %log3A_485 : vector<256x256xf32>
    %add3A_489 = arith.constant 9.99999971E-10 : f32
    %add3A_490 = vector.broadcast %add3A_489 : f32 to vector<256x256xf32>
    %add3A_491 = arith.addf %neg3A_488, %add3A_490 : vector<256x256xf32>
    %log3A_492 = math.log %add3A_491 : vector<256x256xf32>
    %neg3A_493 = arith.constant 0.000000e+00 : f32
    %neg3A_494 = vector.broadcast %neg3A_493 : f32 to vector<256x256xf32>
    %neg3A_495 = arith.subf %neg3A_494, %log3A_492 : vector<256x256xf32>
    %sub3A_496 = arith.constant 1.000000e-01 : f32
    %sub3A_497 = vector.broadcast %sub3A_496 : f32 to vector<256x256xf32>
    %sub3A_498 = arith.subf %add3A_476, %sub3A_497 : vector<256x256xf32>
    %add3A_499 = arith.addf %sub3A_498, %neg3A_495 : vector<256x256xf32>
    %exp3A_500 = math.exp %add3A_499 : vector<256x256xf32>
    %reduce_sum3A_501 = arith.constant dense<0.000000e+00> : vector<256xf32>
    %reduce_sum3A_502 = vector.multi_reduction <add>, %exp3A_500, %reduce_sum3A_501 [1] : vector<256x256xf32> to vector<256xf32>
    %broadcast_in_dim3A_503 = vector.shape_cast %reduce_sum3A_502 : vector<256xf32> to vector<256x1xf32>
    %div3A_504 = vector.broadcast %broadcast_in_dim3A_503 : vector<256x1xf32> to vector<256x256xf32>
    %div3A_505 = arith.divf %exp3A_500, %div3A_504 : vector<256x256xf32>
    %get3A_506 = arith.constant 1792 : index
    %get3A_507 = arith.constant 0 : index
    %get3A_508 = vector.load %arg2[%get3A_506, %get3A_507] : memref<4096x256xf32, #tpu.memory_space<vmem>>, vector<256x256xf32>
    %sub3A_509 = arith.subf %get3A_508, %div3A_505 : vector<256x256xf32>
    %mul3A_510 = arith.mulf %sub3A_509, %sub3A_509 : vector<256x256xf32>
    %reduce_sum3A_511 = arith.constant dense<0.000000e+00> : vector<256xf32>
    %reduce_sum3A_512 = vector.multi_reduction <add>, %mul3A_510, %reduce_sum3A_511 [1] : vector<256x256xf32> to vector<256xf32>
    %broadcast_in_dim3A_513 = vector.shape_cast %reduce_sum3A_512 : vector<256xf32> to vector<256x1xf32>
    %sqrt3A_514 = math.sqrt %broadcast_in_dim3A_513 : vector<256x1xf32>
    %reduce_sum3A_515 = vector.shape_cast %sqrt3A_514 : vector<256x1xf32> to vector<1x256x1xf32>
    %reduce_sum3A_516 = arith.constant dense<0.000000e+00> : vector<1xf32>
    %reduce_sum3A_517 = vector.multi_reduction <add>, %reduce_sum3A_515, %reduce_sum3A_516 [1, 2] : vector<1x256x1xf32> to vector<1xf32>
    %reduce_sum3A_518 = vector.shape_cast %reduce_sum3A_517 : vector<1xf32> to vector<1x1x1xf32>
    %reduce_sum3A_519 = vector.extract %reduce_sum3A_518[0, 0, 0] : f32 from vector<1x1x1xf32>
    %div3A_520 = arith.constant 2.560000e+02 : f32
    %div3A_521 = arith.divf %reduce_sum3A_519, %div3A_520 : f32
    %broadcast_in_dim3A_522 = vector.broadcast %div3A_521 : f32 to vector<1x1x128xf32>
    %swap3A_523 = arith.constant 7 : index
    %swap3A_524 = arith.constant 0 : index
    %swap3A_525 = arith.constant 0 : index
    %swap3A_526 = vector.load %arg4[%swap3A_523, %swap3A_524, %swap3A_525] : memref<16x1x128xf32, #tpu.memory_space<vmem>>, vector<1x1x128xf32>
    tpu.vector_store %arg4[%swap3A_523, %swap3A_524, %swap3A_525], %broadcast_in_dim3A_522 {strides = array<i32>} : memref<16x1x128xf32, #tpu.memory_space<vmem>>, vector<1x1x128xf32>,
    %get3A_527 = arith.constant 2048 : index
    %get3A_528 = arith.constant 0 : index
    %get3A_529 = vector.load %arg1[%get3A_527, %get3A_528] : memref<4096x256xi32, #tpu.memory_space<vmem>>, vector<256x256xi32>
    %and3A_530 = arith.constant 65535 : i32
    %and3A_531 = vector.broadcast %and3A_530 : i32 to vector<256x256xi32>
    %and3A_532 = arith.andi %get3A_529, %and3A_531 : vector<256x256xi32>
    %convert_element_type3A_533 = arith.trunci %and3A_532 : vector<256x256xi32> to vector<256x256xi16>
    %bitcast_convert_type3A_534 = tpu.bitcast %convert_element_type3A_533 : vector<256x256xi16> -> vector<256x256xbf16>
    %shift_right_logical3A_535 = arith.constant 16 : i32
    %shift_right_logical3A_536 = vector.broadcast %shift_right_logical3A_535 : i32 to vector<256x256xi32>
    %shift_right_logical3A_537 = arith.shrui %get3A_529, %shift_right_logical3A_536 : vector<256x256xi32>
    %convert_element_type3A_538 = arith.trunci %shift_right_logical3A_537 : vector<256x256xi32> to vector<256x256xi16>
    %bitcast_convert_type3A_539 = tpu.bitcast %convert_element_type3A_538 : vector<256x256xi16> -> vector<256x256xbf16>
    %dot_general3A_540 = arith.constant dense<0.000000e+00> : vector<256x256xf32>
    %dot_general3A_541 = tpu.matmul %bitcast_convert_type3A_534, %bitcast_convert_type3A_534, %dot_general3A_540 {dimension_numbers = #tpu.dot_dimension_numbers<[1], [1], [0], [0], [0, 0, 1, 0], [], []>, transpose_lhs_hint = false} : vector<256x256xbf16>, vector<256x256xbf16>, vector<256x256xf32> -> vector<256x256xf32>
    %dot_general3A_542 = arith.constant dense<0.000000e+00> : vector<256x256xf32>
    %dot_general3A_543 = tpu.matmul %bitcast_convert_type3A_539, %bitcast_convert_type3A_539, %dot_general3A_542 {dimension_numbers = #tpu.dot_dimension_numbers<[1], [1], [0], [0], [0, 0, 1, 0], [], []>, transpose_lhs_hint = false} : vector<256x256xbf16>, vector<256x256xbf16>, vector<256x256xf32> -> vector<256x256xf32>
    %add3A_544 = arith.addf %dot_general3A_541, %dot_general3A_543 : vector<256x256xf32>
    %get3A_545 = arith.constant 8 : index
    %get3A_546 = arith.constant 0 : index
    %get3A_547 = arith.constant 0 : index
    %get3A_548 = vector.load %arg3[%get3A_545, %get3A_546, %get3A_547] : memref<16x256x256xf32, #tpu.memory_space<vmem>>, vector<1x256x256xf32>
    %get3A_549 = vector.shape_cast %get3A_548 : vector<1x256x256xf32> to vector<256x256xf32>
    %add3A_550 = arith.constant 9.99999971E-10 : f32
    %add3A_551 = vector.broadcast %add3A_550 : f32 to vector<256x256xf32>
    %add3A_552 = arith.addf %get3A_549, %add3A_551 : vector<256x256xf32>
    %log3A_553 = math.log %add3A_552 : vector<256x256xf32>
    %neg3A_554 = arith.constant 0.000000e+00 : f32
    %neg3A_555 = vector.broadcast %neg3A_554 : f32 to vector<256x256xf32>
    %neg3A_556 = arith.subf %neg3A_555, %log3A_553 : vector<256x256xf32>
    %add3A_557 = arith.constant 9.99999971E-10 : f32
    %add3A_558 = vector.broadcast %add3A_557 : f32 to vector<256x256xf32>
    %add3A_559 = arith.addf %neg3A_556, %add3A_558 : vector<256x256xf32>
    %log3A_560 = math.log %add3A_559 : vector<256x256xf32>
    %neg3A_561 = arith.constant 0.000000e+00 : f32
    %neg3A_562 = vector.broadcast %neg3A_561 : f32 to vector<256x256xf32>
    %neg3A_563 = arith.subf %neg3A_562, %log3A_560 : vector<256x256xf32>
    %sub3A_564 = arith.constant 1.000000e-01 : f32
    %sub3A_565 = vector.broadcast %sub3A_564 : f32 to vector<256x256xf32>
    %sub3A_566 = arith.subf %add3A_544, %sub3A_565 : vector<256x256xf32>
    %add3A_567 = arith.addf %sub3A_566, %neg3A_563 : vector<256x256xf32>
    %exp3A_568 = math.exp %add3A_567 : vector<256x256xf32>
    %reduce_sum3A_569 = arith.constant dense<0.000000e+00> : vector<256xf32>
    %reduce_sum3A_570 = vector.multi_reduction <add>, %exp3A_568, %reduce_sum3A_569 [1] : vector<256x256xf32> to vector<256xf32>
    %broadcast_in_dim3A_571 = vector.shape_cast %reduce_sum3A_570 : vector<256xf32> to vector<256x1xf32>
    %div3A_572 = vector.broadcast %broadcast_in_dim3A_571 : vector<256x1xf32> to vector<256x256xf32>
    %div3A_573 = arith.divf %exp3A_568, %div3A_572 : vector<256x256xf32>
    %get3A_574 = arith.constant 2048 : index
    %get3A_575 = arith.constant 0 : index
    %get3A_576 = vector.load %arg2[%get3A_574, %get3A_575] : memref<4096x256xf32, #tpu.memory_space<vmem>>, vector<256x256xf32>
    %sub3A_577 = arith.subf %get3A_576, %div3A_573 : vector<256x256xf32>
    %mul3A_578 = arith.mulf %sub3A_577, %sub3A_577 : vector<256x256xf32>
    %reduce_sum3A_579 = arith.constant dense<0.000000e+00> : vector<256xf32>
    %reduce_sum3A_580 = vector.multi_reduction <add>, %mul3A_578, %reduce_sum3A_579 [1] : vector<256x256xf32> to vector<256xf32>
    %broadcast_in_dim3A_581 = vector.shape_cast %reduce_sum3A_580 : vector<256xf32> to vector<256x1xf32>
    %sqrt3A_582 = math.sqrt %broadcast_in_dim3A_581 : vector<256x1xf32>
    %reduce_sum3A_583 = vector.shape_cast %sqrt3A_582 : vector<256x1xf32> to vector<1x256x1xf32>
    %reduce_sum3A_584 = arith.constant dense<0.000000e+00> : vector<1xf32>
    %reduce_sum3A_585 = vector.multi_reduction <add>, %reduce_sum3A_583, %reduce_sum3A_584 [1, 2] : vector<1x256x1xf32> to vector<1xf32>
    %reduce_sum3A_586 = vector.shape_cast %reduce_sum3A_585 : vector<1xf32> to vector<1x1x1xf32>
    %reduce_sum3A_587 = vector.extract %reduce_sum3A_586[0, 0, 0] : f32 from vector<1x1x1xf32>
    %div3A_588 = arith.constant 2.560000e+02 : f32
    %div3A_589 = arith.divf %reduce_sum3A_587, %div3A_588 : f32
    %broadcast_in_dim3A_590 = vector.broadcast %div3A_589 : f32 to vector<1x1x128xf32>
    %swap3A_591 = arith.constant 8 : index
    %swap3A_592 = arith.constant 0 : index
    %swap3A_593 = arith.constant 0 : index
    %swap3A_594 = vector.load %arg4[%swap3A_591, %swap3A_592, %swap3A_593] : memref<16x1x128xf32, #tpu.memory_space<vmem>>, vector<1x1x128xf32>
    tpu.vector_store %arg4[%swap3A_591, %swap3A_592, %swap3A_593], %broadcast_in_dim3A_590 {strides = array<i32>} : memref<16x1x128xf32, #tpu.memory_space<vmem>>, vector<1x1x128xf32>,
    %get3A_595 = arith.constant 2304 : index
    %get3A_596 = arith.constant 0 : index
    %get3A_597 = vector.load %arg1[%get3A_595, %get3A_596] : memref<4096x256xi32, #tpu.memory_space<vmem>>, vector<256x256xi32>
    %and3A_598 = arith.constant 65535 : i32
    %and3A_599 = vector.broadcast %and3A_598 : i32 to vector<256x256xi32>
    %and3A_600 = arith.andi %get3A_597, %and3A_599 : vector<256x256xi32>
    %convert_element_type3A_601 = arith.trunci %and3A_600 : vector<256x256xi32> to vector<256x256xi16>
    %bitcast_convert_type3A_602 = tpu.bitcast %convert_element_type3A_601 : vector<256x256xi16> -> vector<256x256xbf16>
    %shift_right_logical3A_603 = arith.constant 16 : i32
    %shift_right_logical3A_604 = vector.broadcast %shift_right_logical3A_603 : i32 to vector<256x256xi32>
    %shift_right_logical3A_605 = arith.shrui %get3A_597, %shift_right_logical3A_604 : vector<256x256xi32>
    %convert_element_type3A_606 = arith.trunci %shift_right_logical3A_605 : vector<256x256xi32> to vector<256x256xi16>
    %bitcast_convert_type3A_607 = tpu.bitcast %convert_element_type3A_606 : vector<256x256xi16> -> vector<256x256xbf16>
    %dot_general3A_608 = arith.constant dense<0.000000e+00> : vector<256x256xf32>
    %dot_general3A_609 = tpu.matmul %bitcast_convert_type3A_602, %bitcast_convert_type3A_602, %dot_general3A_608 {dimension_numbers = #tpu.dot_dimension_numbers<[1], [1], [0], [0], [0, 0, 1, 0], [], []>, transpose_lhs_hint = false} : vector<256x256xbf16>, vector<256x256xbf16>, vector<256x256xf32> -> vector<256x256xf32>
    %dot_general3A_610 = arith.constant dense<0.000000e+00> : vector<256x256xf32>
    %dot_general3A_611 = tpu.matmul %bitcast_convert_type3A_607, %bitcast_convert_type3A_607, %dot_general3A_610 {dimension_numbers = #tpu.dot_dimension_numbers<[1], [1], [0], [0], [0, 0, 1, 0], [], []>, transpose_lhs_hint = false} : vector<256x256xbf16>, vector<256x256xbf16>, vector<256x256xf32> -> vector<256x256xf32>
    %add3A_612 = arith.addf %dot_general3A_609, %dot_general3A_611 : vector<256x256xf32>
    %get3A_613 = arith.constant 9 : index
    %get3A_614 = arith.constant 0 : index
    %get3A_615 = arith.constant 0 : index
    %get3A_616 = vector.load %arg3[%get3A_613, %get3A_614, %get3A_615] : memref<16x256x256xf32, #tpu.memory_space<vmem>>, vector<1x256x256xf32>
    %get3A_617 = vector.shape_cast %get3A_616 : vector<1x256x256xf32> to vector<256x256xf32>
    %add3A_618 = arith.constant 9.99999971E-10 : f32
    %add3A_619 = vector.broadcast %add3A_618 : f32 to vector<256x256xf32>
    %add3A_620 = arith.addf %get3A_617, %add3A_619 : vector<256x256xf32>
    %log3A_621 = math.log %add3A_620 : vector<256x256xf32>
    %neg3A_622 = arith.constant 0.000000e+00 : f32
    %neg3A_623 = vector.broadcast %neg3A_622 : f32 to vector<256x256xf32>
    %neg3A_624 = arith.subf %neg3A_623, %log3A_621 : vector<256x256xf32>
    %add3A_625 = arith.constant 9.99999971E-10 : f32
    %add3A_626 = vector.broadcast %add3A_625 : f32 to vector<256x256xf32>
    %add3A_627 = arith.addf %neg3A_624, %add3A_626 : vector<256x256xf32>
    %log3A_628 = math.log %add3A_627 : vector<256x256xf32>
    %neg3A_629 = arith.constant 0.000000e+00 : f32
    %neg3A_630 = vector.broadcast %neg3A_629 : f32 to vector<256x256xf32>
    %neg3A_631 = arith.subf %neg3A_630, %log3A_628 : vector<256x256xf32>
    %sub3A_632 = arith.constant 1.000000e-01 : f32
    %sub3A_633 = vector.broadcast %sub3A_632 : f32 to vector<256x256xf32>
    %sub3A_634 = arith.subf %add3A_612, %sub3A_633 : vector<256x256xf32>
    %add3A_635 = arith.addf %sub3A_634, %neg3A_631 : vector<256x256xf32>
    %exp3A_636 = math.exp %add3A_635 : vector<256x256xf32>
    %reduce_sum3A_637 = arith.constant dense<0.000000e+00> : vector<256xf32>
    %reduce_sum3A_638 = vector.multi_reduction <add>, %exp3A_636, %reduce_sum3A_637 [1] : vector<256x256xf32> to vector<256xf32>
    %broadcast_in_dim3A_639 = vector.shape_cast %reduce_sum3A_638 : vector<256xf32> to vector<256x1xf32>
    %div3A_640 = vector.broadcast %broadcast_in_dim3A_639 : vector<256x1xf32> to vector<256x256xf32>
    %div3A_641 = arith.divf %exp3A_636, %div3A_640 : vector<256x256xf32>
    %get3A_642 = arith.constant 2304 : index
    %get3A_643 = arith.constant 0 : index
    %get3A_644 = vector.load %arg2[%get3A_642, %get3A_643] : memref<4096x256xf32, #tpu.memory_space<vmem>>, vector<256x256xf32>
    %sub3A_645 = arith.subf %get3A_644, %div3A_641 : vector<256x256xf32>
    %mul3A_646 = arith.mulf %sub3A_645, %sub3A_645 : vector<256x256xf32>
    %reduce_sum3A_647 = arith.constant dense<0.000000e+00> : vector<256xf32>
    %reduce_sum3A_648 = vector.multi_reduction <add>, %mul3A_646, %reduce_sum3A_647 [1] : vector<256x256xf32> to vector<256xf32>
    %broadcast_in_dim3A_649 = vector.shape_cast %reduce_sum3A_648 : vector<256xf32> to vector<256x1xf32>
    %sqrt3A_650 = math.sqrt %broadcast_in_dim3A_649 : vector<256x1xf32>
    %reduce_sum3A_651 = vector.shape_cast %sqrt3A_650 : vector<256x1xf32> to vector<1x256x1xf32>
    %reduce_sum3A_652 = arith.constant dense<0.000000e+00> : vector<1xf32>
    %reduce_sum3A_653 = vector.multi_reduction <add>, %reduce_sum3A_651, %reduce_sum3A_652 [1, 2] : vector<1x256x1xf32> to vector<1xf32>
    %reduce_sum3A_654 = vector.shape_cast %reduce_sum3A_653 : vector<1xf32> to vector<1x1x1xf32>
    %reduce_sum3A_655 = vector.extract %reduce_sum3A_654[0, 0, 0] : f32 from vector<1x1x1xf32>
    %div3A_656 = arith.constant 2.560000e+02 : f32
    %div3A_657 = arith.divf %reduce_sum3A_655, %div3A_656 : f32
    %broadcast_in_dim3A_658 = vector.broadcast %div3A_657 : f32 to vector<1x1x128xf32>
    %swap3A_659 = arith.constant 9 : index
    %swap3A_660 = arith.constant 0 : index
    %swap3A_661 = arith.constant 0 : index
    %swap3A_662 = vector.load %arg4[%swap3A_659, %swap3A_660, %swap3A_661] : memref<16x1x128xf32, #tpu.memory_space<vmem>>, vector<1x1x128xf32>
    tpu.vector_store %arg4[%swap3A_659, %swap3A_660, %swap3A_661], %broadcast_in_dim3A_658 {strides = array<i32>} : memref<16x1x128xf32, #tpu.memory_space<vmem>>, vector<1x1x128xf32>,
    %get3A_663 = arith.constant 2560 : index
    %get3A_664 = arith.constant 0 : index
    %get3A_665 = vector.load %arg1[%get3A_663, %get3A_664] : memref<4096x256xi32, #tpu.memory_space<vmem>>, vector<256x256xi32>
    %and3A_666 = arith.constant 65535 : i32
    %and3A_667 = vector.broadcast %and3A_666 : i32 to vector<256x256xi32>
    %and3A_668 = arith.andi %get3A_665, %and3A_667 : vector<256x256xi32>
    %convert_element_type3A_669 = arith.trunci %and3A_668 : vector<256x256xi32> to vector<256x256xi16>
    %bitcast_convert_type3A_670 = tpu.bitcast %convert_element_type3A_669 : vector<256x256xi16> -> vector<256x256xbf16>
    %shift_right_logical3A_671 = arith.constant 16 : i32
    %shift_right_logical3A_672 = vector.broadcast %shift_right_logical3A_671 : i32 to vector<256x256xi32>
    %shift_right_logical3A_673 = arith.shrui %get3A_665, %shift_right_logical3A_672 : vector<256x256xi32>
    %convert_element_type3A_674 = arith.trunci %shift_right_logical3A_673 : vector<256x256xi32> to vector<256x256xi16>
    %bitcast_convert_type3A_675 = tpu.bitcast %convert_element_type3A_674 : vector<256x256xi16> -> vector<256x256xbf16>
    %dot_general3A_676 = arith.constant dense<0.000000e+00> : vector<256x256xf32>
    %dot_general3A_677 = tpu.matmul %bitcast_convert_type3A_670, %bitcast_convert_type3A_670, %dot_general3A_676 {dimension_numbers = #tpu.dot_dimension_numbers<[1], [1], [0], [0], [0, 0, 1, 0], [], []>, transpose_lhs_hint = false} : vector<256x256xbf16>, vector<256x256xbf16>, vector<256x256xf32> -> vector<256x256xf32>
    %dot_general3A_678 = arith.constant dense<0.000000e+00> : vector<256x256xf32>
    %dot_general3A_679 = tpu.matmul %bitcast_convert_type3A_675, %bitcast_convert_type3A_675, %dot_general3A_678 {dimension_numbers = #tpu.dot_dimension_numbers<[1], [1], [0], [0], [0, 0, 1, 0], [], []>, transpose_lhs_hint = false} : vector<256x256xbf16>, vector<256x256xbf16>, vector<256x256xf32> -> vector<256x256xf32>
    %add3A_680 = arith.addf %dot_general3A_677, %dot_general3A_679 : vector<256x256xf32>
    %get3A_681 = arith.constant 10 : index
    %get3A_682 = arith.constant 0 : index
    %get3A_683 = arith.constant 0 : index
    %get3A_684 = vector.load %arg3[%get3A_681, %get3A_682, %get3A_683] : memref<16x256x256xf32, #tpu.memory_space<vmem>>, vector<1x256x256xf32>
    %get3A_685 = vector.shape_cast %get3A_684 : vector<1x256x256xf32> to vector<256x256xf32>
    %add3A_686 = arith.constant 9.99999971E-10 : f32
    %add3A_687 = vector.broadcast %add3A_686 : f32 to vector<256x256xf32>
    %add3A_688 = arith.addf %get3A_685, %add3A_687 : vector<256x256xf32>
    %log3A_689 = math.log %add3A_688 : vector<256x256xf32>
    %neg3A_690 = arith.constant 0.000000e+00 : f32
    %neg3A_691 = vector.broadcast %neg3A_690 : f32 to vector<256x256xf32>
    %neg3A_692 = arith.subf %neg3A_691, %log3A_689 : vector<256x256xf32>
    %add3A_693 = arith.constant 9.99999971E-10 : f32
    %add3A_694 = vector.broadcast %add3A_693 : f32 to vector<256x256xf32>
    %add3A_695 = arith.addf %neg3A_692, %add3A_694 : vector<256x256xf32>
    %log3A_696 = math.log %add3A_695 : vector<256x256xf32>
    %neg3A_697 = arith.constant 0.000000e+00 : f32
    %neg3A_698 = vector.broadcast %neg3A_697 : f32 to vector<256x256xf32>
    %neg3A_699 = arith.subf %neg3A_698, %log3A_696 : vector<256x256xf32>
    %sub3A_700 = arith.constant 1.000000e-01 : f32
    %sub3A_701 = vector.broadcast %sub3A_700 : f32 to vector<256x256xf32>
    %sub3A_702 = arith.subf %add3A_680, %sub3A_701 : vector<256x256xf32>
    %add3A_703 = arith.addf %sub3A_702, %neg3A_699 : vector<256x256xf32>
    %exp3A_704 = math.exp %add3A_703 : vector<256x256xf32>
    %reduce_sum3A_705 = arith.constant dense<0.000000e+00> : vector<256xf32>
    %reduce_sum3A_706 = vector.multi_reduction <add>, %exp3A_704, %reduce_sum3A_705 [1] : vector<256x256xf32> to vector<256xf32>
    %broadcast_in_dim3A_707 = vector.shape_cast %reduce_sum3A_706 : vector<256xf32> to vector<256x1xf32>
    %div3A_708 = vector.broadcast %broadcast_in_dim3A_707 : vector<256x1xf32> to vector<256x256xf32>
    %div3A_709 = arith.divf %exp3A_704, %div3A_708 : vector<256x256xf32>
    %get3A_710 = arith.constant 2560 : index
    %get3A_711 = arith.constant 0 : index
    %get3A_712 = vector.load %arg2[%get3A_710, %get3A_711] : memref<4096x256xf32, #tpu.memory_space<vmem>>, vector<256x256xf32>
    %sub3A_713 = arith.subf %get3A_712, %div3A_709 : vector<256x256xf32>
    %mul3A_714 = arith.mulf %sub3A_713, %sub3A_713 : vector<256x256xf32>
    %reduce_sum3A_715 = arith.constant dense<0.000000e+00> : vector<256xf32>
    %reduce_sum3A_716 = vector.multi_reduction <add>, %mul3A_714, %reduce_sum3A_715 [1] : vector<256x256xf32> to vector<256xf32>
    %broadcast_in_dim3A_717 = vector.shape_cast %reduce_sum3A_716 : vector<256xf32> to vector<256x1xf32>
    %sqrt3A_718 = math.sqrt %broadcast_in_dim3A_717 : vector<256x1xf32>
    %reduce_sum3A_719 = vector.shape_cast %sqrt3A_718 : vector<256x1xf32> to vector<1x256x1xf32>
    %reduce_sum3A_720 = arith.constant dense<0.000000e+00> : vector<1xf32>
    %reduce_sum3A_721 = vector.multi_reduction <add>, %reduce_sum3A_719, %reduce_sum3A_720 [1, 2] : vector<1x256x1xf32> to vector<1xf32>
    %reduce_sum3A_722 = vector.shape_cast %reduce_sum3A_721 : vector<1xf32> to vector<1x1x1xf32>
    %reduce_sum3A_723 = vector.extract %reduce_sum3A_722[0, 0, 0] : f32 from vector<1x1x1xf32>
    %div3A_724 = arith.constant 2.560000e+02 : f32
    %div3A_725 = arith.divf %reduce_sum3A_723, %div3A_724 : f32
    %broadcast_in_dim3A_726 = vector.broadcast %div3A_725 : f32 to vector<1x1x128xf32>
    %swap3A_727 = arith.constant 10 : index
    %swap3A_728 = arith.constant 0 : index
    %swap3A_729 = arith.constant 0 : index
    %swap3A_730 = vector.load %arg4[%swap3A_727, %swap3A_728, %swap3A_729] : memref<16x1x128xf32, #tpu.memory_space<vmem>>, vector<1x1x128xf32>
    tpu.vector_store %arg4[%swap3A_727, %swap3A_728, %swap3A_729], %broadcast_in_dim3A_726 {strides = array<i32>} : memref<16x1x128xf32, #tpu.memory_space<vmem>>, vector<1x1x128xf32>,
    %get3A_731 = arith.constant 2816 : index
    %get3A_732 = arith.constant 0 : index
    %get3A_733 = vector.load %arg1[%get3A_731, %get3A_732] : memref<4096x256xi32, #tpu.memory_space<vmem>>, vector<256x256xi32>
    %and3A_734 = arith.constant 65535 : i32
    %and3A_735 = vector.broadcast %and3A_734 : i32 to vector<256x256xi32>
    %and3A_736 = arith.andi %get3A_733, %and3A_735 : vector<256x256xi32>
    %convert_element_type3A_737 = arith.trunci %and3A_736 : vector<256x256xi32> to vector<256x256xi16>
    %bitcast_convert_type3A_738 = tpu.bitcast %convert_element_type3A_737 : vector<256x256xi16> -> vector<256x256xbf16>
    %shift_right_logical3A_739 = arith.constant 16 : i32
    %shift_right_logical3A_740 = vector.broadcast %shift_right_logical3A_739 : i32 to vector<256x256xi32>
    %shift_right_logical3A_741 = arith.shrui %get3A_733, %shift_right_logical3A_740 : vector<256x256xi32>
    %convert_element_type3A_742 = arith.trunci %shift_right_logical3A_741 : vector<256x256xi32> to vector<256x256xi16>
    %bitcast_convert_type3A_743 = tpu.bitcast %convert_element_type3A_742 : vector<256x256xi16> -> vector<256x256xbf16>
    %dot_general3A_744 = arith.constant dense<0.000000e+00> : vector<256x256xf32>
    %dot_general3A_745 = tpu.matmul %bitcast_convert_type3A_738, %bitcast_convert_type3A_738, %dot_general3A_744 {dimension_numbers = #tpu.dot_dimension_numbers<[1], [1], [0], [0], [0, 0, 1, 0], [], []>, transpose_lhs_hint = false} : vector<256x256xbf16>, vector<256x256xbf16>, vector<256x256xf32> -> vector<256x256xf32>
    %dot_general3A_746 = arith.constant dense<0.000000e+00> : vector<256x256xf32>
    %dot_general3A_747 = tpu.matmul %bitcast_convert_type3A_743, %bitcast_convert_type3A_743, %dot_general3A_746 {dimension_numbers = #tpu.dot_dimension_numbers<[1], [1], [0], [0], [0, 0, 1, 0], [], []>, transpose_lhs_hint = false} : vector<256x256xbf16>, vector<256x256xbf16>, vector<256x256xf32> -> vector<256x256xf32>
    %add3A_748 = arith.addf %dot_general3A_745, %dot_general3A_747 : vector<256x256xf32>
    %get3A_749 = arith.constant 11 : index
    %get3A_750 = arith.constant 0 : index
    %get3A_751 = arith.constant 0 : index
    %get3A_752 = vector.load %arg3[%get3A_749, %get3A_750, %get3A_751] : memref<16x256x256xf32, #tpu.memory_space<vmem>>, vector<1x256x256xf32>
    %get3A_753 = vector.shape_cast %get3A_752 : vector<1x256x256xf32> to vector<256x256xf32>
    %add3A_754 = arith.constant 9.99999971E-10 : f32
    %add3A_755 = vector.broadcast %add3A_754 : f32 to vector<256x256xf32>
    %add3A_756 = arith.addf %get3A_753, %add3A_755 : vector<256x256xf32>
    %log3A_757 = math.log %add3A_756 : vector<256x256xf32>
    %neg3A_758 = arith.constant 0.000000e+00 : f32
    %neg3A_759 = vector.broadcast %neg3A_758 : f32 to vector<256x256xf32>
    %neg3A_760 = arith.subf %neg3A_759, %log3A_757 : vector<256x256xf32>
    %add3A_761 = arith.constant 9.99999971E-10 : f32
    %add3A_762 = vector.broadcast %add3A_761 : f32 to vector<256x256xf32>
    %add3A_763 = arith.addf %neg3A_760, %add3A_762 : vector<256x256xf32>
    %log3A_764 = math.log %add3A_763 : vector<256x256xf32>
    %neg3A_765 = arith.constant 0.000000e+00 : f32
    %neg3A_766 = vector.broadcast %neg3A_765 : f32 to vector<256x256xf32>
    %neg3A_767 = arith.subf %neg3A_766, %log3A_764 : vector<256x256xf32>
    %sub3A_768 = arith.constant 1.000000e-01 : f32
    %sub3A_769 = vector.broadcast %sub3A_768 : f32 to vector<256x256xf32>
    %sub3A_770 = arith.subf %add3A_748, %sub3A_769 : vector<256x256xf32>
    %add3A_771 = arith.addf %sub3A_770, %neg3A_767 : vector<256x256xf32>
    %exp3A_772 = math.exp %add3A_771 : vector<256x256xf32>
    %reduce_sum3A_773 = arith.constant dense<0.000000e+00> : vector<256xf32>
    %reduce_sum3A_774 = vector.multi_reduction <add>, %exp3A_772, %reduce_sum3A_773 [1] : vector<256x256xf32> to vector<256xf32>
    %broadcast_in_dim3A_775 = vector.shape_cast %reduce_sum3A_774 : vector<256xf32> to vector<256x1xf32>
    %div3A_776 = vector.broadcast %broadcast_in_dim3A_775 : vector<256x1xf32> to vector<256x256xf32>
    %div3A_777 = arith.divf %exp3A_772, %div3A_776 : vector<256x256xf32>
    %get3A_778 = arith.constant 2816 : index
    %get3A_779 = arith.constant 0 : index
    %get3A_780 = vector.load %arg2[%get3A_778, %get3A_779] : memref<4096x256xf32, #tpu.memory_space<vmem>>, vector<256x256xf32>
    %sub3A_781 = arith.subf %get3A_780, %div3A_777 : vector<256x256xf32>
    %mul3A_782 = arith.mulf %sub3A_781, %sub3A_781 : vector<256x256xf32>
    %reduce_sum3A_783 = arith.constant dense<0.000000e+00> : vector<256xf32>
    %reduce_sum3A_784 = vector.multi_reduction <add>, %mul3A_782, %reduce_sum3A_783 [1] : vector<256x256xf32> to vector<256xf32>
    %broadcast_in_dim3A_785 = vector.shape_cast %reduce_sum3A_784 : vector<256xf32> to vector<256x1xf32>
    %sqrt3A_786 = math.sqrt %broadcast_in_dim3A_785 : vector<256x1xf32>
    %reduce_sum3A_787 = vector.shape_cast %sqrt3A_786 : vector<256x1xf32> to vector<1x256x1xf32>
    %reduce_sum3A_788 = arith.constant dense<0.000000e+00> : vector<1xf32>
    %reduce_sum3A_789 = vector.multi_reduction <add>, %reduce_sum3A_787, %reduce_sum3A_788 [1, 2] : vector<1x256x1xf32> to vector<1xf32>
    %reduce_sum3A_790 = vector.shape_cast %reduce_sum3A_789 : vector<1xf32> to vector<1x1x1xf32>
    %reduce_sum3A_791 = vector.extract %reduce_sum3A_790[0, 0, 0] : f32 from vector<1x1x1xf32>
    %div3A_792 = arith.constant 2.560000e+02 : f32
    %div3A_793 = arith.divf %reduce_sum3A_791, %div3A_792 : f32
    %broadcast_in_dim3A_794 = vector.broadcast %div3A_793 : f32 to vector<1x1x128xf32>
    %swap3A_795 = arith.constant 11 : index
    %swap3A_796 = arith.constant 0 : index
    %swap3A_797 = arith.constant 0 : index
    %swap3A_798 = vector.load %arg4[%swap3A_795, %swap3A_796, %swap3A_797] : memref<16x1x128xf32, #tpu.memory_space<vmem>>, vector<1x1x128xf32>
    tpu.vector_store %arg4[%swap3A_795, %swap3A_796, %swap3A_797], %broadcast_in_dim3A_794 {strides = array<i32>} : memref<16x1x128xf32, #tpu.memory_space<vmem>>, vector<1x1x128xf32>,
    %get3A_799 = arith.constant 3072 : index
    %get3A_800 = arith.constant 0 : index
    %get3A_801 = vector.load %arg1[%get3A_799, %get3A_800] : memref<4096x256xi32, #tpu.memory_space<vmem>>, vector<256x256xi32>
    %and3A_802 = arith.constant 65535 : i32
    %and3A_803 = vector.broadcast %and3A_802 : i32 to vector<256x256xi32>
    %and3A_804 = arith.andi %get3A_801, %and3A_803 : vector<256x256xi32>
    %convert_element_type3A_805 = arith.trunci %and3A_804 : vector<256x256xi32> to vector<256x256xi16>
    %bitcast_convert_type3A_806 = tpu.bitcast %convert_element_type3A_805 : vector<256x256xi16> -> vector<256x256xbf16>
    %shift_right_logical3A_807 = arith.constant 16 : i32
    %shift_right_logical3A_808 = vector.broadcast %shift_right_logical3A_807 : i32 to vector<256x256xi32>
    %shift_right_logical3A_809 = arith.shrui %get3A_801, %shift_right_logical3A_808 : vector<256x256xi32>
    %convert_element_type3A_810 = arith.trunci %shift_right_logical3A_809 : vector<256x256xi32> to vector<256x256xi16>
    %bitcast_convert_type3A_811 = tpu.bitcast %convert_element_type3A_810 : vector<256x256xi16> -> vector<256x256xbf16>
    %dot_general3A_812 = arith.constant dense<0.000000e+00> : vector<256x256xf32>
    %dot_general3A_813 = tpu.matmul %bitcast_convert_type3A_806, %bitcast_convert_type3A_806, %dot_general3A_812 {dimension_numbers = #tpu.dot_dimension_numbers<[1], [1], [0], [0], [0, 0, 1, 0], [], []>, transpose_lhs_hint = false} : vector<256x256xbf16>, vector<256x256xbf16>, vector<256x256xf32> -> vector<256x256xf32>
    %dot_general3A_814 = arith.constant dense<0.000000e+00> : vector<256x256xf32>
    %dot_general3A_815 = tpu.matmul %bitcast_convert_type3A_811, %bitcast_convert_type3A_811, %dot_general3A_814 {dimension_numbers = #tpu.dot_dimension_numbers<[1], [1], [0], [0], [0, 0, 1, 0], [], []>, transpose_lhs_hint = false} : vector<256x256xbf16>, vector<256x256xbf16>, vector<256x256xf32> -> vector<256x256xf32>
    %add3A_816 = arith.addf %dot_general3A_813, %dot_general3A_815 : vector<256x256xf32>
    %get3A_817 = arith.constant 12 : index
    %get3A_818 = arith.constant 0 : index
    %get3A_819 = arith.constant 0 : index
    %get3A_820 = vector.load %arg3[%get3A_817, %get3A_818, %get3A_819] : memref<16x256x256xf32, #tpu.memory_space<vmem>>, vector<1x256x256xf32>
    %get3A_821 = vector.shape_cast %get3A_820 : vector<1x256x256xf32> to vector<256x256xf32>
    %add3A_822 = arith.constant 9.99999971E-10 : f32
    %add3A_823 = vector.broadcast %add3A_822 : f32 to vector<256x256xf32>
    %add3A_824 = arith.addf %get3A_821, %add3A_823 : vector<256x256xf32>
    %log3A_825 = math.log %add3A_824 : vector<256x256xf32>
    %neg3A_826 = arith.constant 0.000000e+00 : f32
    %neg3A_827 = vector.broadcast %neg3A_826 : f32 to vector<256x256xf32>
    %neg3A_828 = arith.subf %neg3A_827, %log3A_825 : vector<256x256xf32>
    %add3A_829 = arith.constant 9.99999971E-10 : f32
    %add3A_830 = vector.broadcast %add3A_829 : f32 to vector<256x256xf32>
    %add3A_831 = arith.addf %neg3A_828, %add3A_830 : vector<256x256xf32>
    %log3A_832 = math.log %add3A_831 : vector<256x256xf32>
    %neg3A_833 = arith.constant 0.000000e+00 : f32
    %neg3A_834 = vector.broadcast %neg3A_833 : f32 to vector<256x256xf32>
    %neg3A_835 = arith.subf %neg3A_834, %log3A_832 : vector<256x256xf32>
    %sub3A_836 = arith.constant 1.000000e-01 : f32
    %sub3A_837 = vector.broadcast %sub3A_836 : f32 to vector<256x256xf32>
    %sub3A_838 = arith.subf %add3A_816, %sub3A_837 : vector<256x256xf32>
    %add3A_839 = arith.addf %sub3A_838, %neg3A_835 : vector<256x256xf32>
    %exp3A_840 = math.exp %add3A_839 : vector<256x256xf32>
    %reduce_sum3A_841 = arith.constant dense<0.000000e+00> : vector<256xf32>
    %reduce_sum3A_842 = vector.multi_reduction <add>, %exp3A_840, %reduce_sum3A_841 [1] : vector<256x256xf32> to vector<256xf32>
    %broadcast_in_dim3A_843 = vector.shape_cast %reduce_sum3A_842 : vector<256xf32> to vector<256x1xf32>
    %div3A_844 = vector.broadcast %broadcast_in_dim3A_843 : vector<256x1xf32> to vector<256x256xf32>
    %div3A_845 = arith.divf %exp3A_840, %div3A_844 : vector<256x256xf32>
    %get3A_846 = arith.constant 3072 : index
    %get3A_847 = arith.constant 0 : index
    %get3A_848 = vector.load %arg2[%get3A_846, %get3A_847] : memref<4096x256xf32, #tpu.memory_space<vmem>>, vector<256x256xf32>
    %sub3A_849 = arith.subf %get3A_848, %div3A_845 : vector<256x256xf32>
    %mul3A_850 = arith.mulf %sub3A_849, %sub3A_849 : vector<256x256xf32>
    %reduce_sum3A_851 = arith.constant dense<0.000000e+00> : vector<256xf32>
    %reduce_sum3A_852 = vector.multi_reduction <add>, %mul3A_850, %reduce_sum3A_851 [1] : vector<256x256xf32> to vector<256xf32>
    %broadcast_in_dim3A_853 = vector.shape_cast %reduce_sum3A_852 : vector<256xf32> to vector<256x1xf32>
    %sqrt3A_854 = math.sqrt %broadcast_in_dim3A_853 : vector<256x1xf32>
    %reduce_sum3A_855 = vector.shape_cast %sqrt3A_854 : vector<256x1xf32> to vector<1x256x1xf32>
    %reduce_sum3A_856 = arith.constant dense<0.000000e+00> : vector<1xf32>
    %reduce_sum3A_857 = vector.multi_reduction <add>, %reduce_sum3A_855, %reduce_sum3A_856 [1, 2] : vector<1x256x1xf32> to vector<1xf32>
    %reduce_sum3A_858 = vector.shape_cast %reduce_sum3A_857 : vector<1xf32> to vector<1x1x1xf32>
    %reduce_sum3A_859 = vector.extract %reduce_sum3A_858[0, 0, 0] : f32 from vector<1x1x1xf32>
    %div3A_860 = arith.constant 2.560000e+02 : f32
    %div3A_861 = arith.divf %reduce_sum3A_859, %div3A_860 : f32
    %broadcast_in_dim3A_862 = vector.broadcast %div3A_861 : f32 to vector<1x1x128xf32>
    %swap3A_863 = arith.constant 12 : index
    %swap3A_864 = arith.constant 0 : index
    %swap3A_865 = arith.constant 0 : index
    %swap3A_866 = vector.load %arg4[%swap3A_863, %swap3A_864, %swap3A_865] : memref<16x1x128xf32, #tpu.memory_space<vmem>>, vector<1x1x128xf32>
    tpu.vector_store %arg4[%swap3A_863, %swap3A_864, %swap3A_865], %broadcast_in_dim3A_862 {strides = array<i32>} : memref<16x1x128xf32, #tpu.memory_space<vmem>>, vector<1x1x128xf32>,
    %get3A_867 = arith.constant 3328 : index
    %get3A_868 = arith.constant 0 : index
    %get3A_869 = vector.load %arg1[%get3A_867, %get3A_868] : memref<4096x256xi32, #tpu.memory_space<vmem>>, vector<256x256xi32>
    %and3A_870 = arith.constant 65535 : i32
    %and3A_871 = vector.broadcast %and3A_870 : i32 to vector<256x256xi32>
    %and3A_872 = arith.andi %get3A_869, %and3A_871 : vector<256x256xi32>
    %convert_element_type3A_873 = arith.trunci %and3A_872 : vector<256x256xi32> to vector<256x256xi16>
    %bitcast_convert_type3A_874 = tpu.bitcast %convert_element_type3A_873 : vector<256x256xi16> -> vector<256x256xbf16>
    %shift_right_logical3A_875 = arith.constant 16 : i32
    %shift_right_logical3A_876 = vector.broadcast %shift_right_logical3A_875 : i32 to vector<256x256xi32>
    %shift_right_logical3A_877 = arith.shrui %get3A_869, %shift_right_logical3A_876 : vector<256x256xi32>
    %convert_element_type3A_878 = arith.trunci %shift_right_logical3A_877 : vector<256x256xi32> to vector<256x256xi16>
    %bitcast_convert_type3A_879 = tpu.bitcast %convert_element_type3A_878 : vector<256x256xi16> -> vector<256x256xbf16>
    %dot_general3A_880 = arith.constant dense<0.000000e+00> : vector<256x256xf32>
    %dot_general3A_881 = tpu.matmul %bitcast_convert_type3A_874, %bitcast_convert_type3A_874, %dot_general3A_880 {dimension_numbers = #tpu.dot_dimension_numbers<[1], [1], [0], [0], [0, 0, 1, 0], [], []>, transpose_lhs_hint = false} : vector<256x256xbf16>, vector<256x256xbf16>, vector<256x256xf32> -> vector<256x256xf32>
    %dot_general3A_882 = arith.constant dense<0.000000e+00> : vector<256x256xf32>
    %dot_general3A_883 = tpu.matmul %bitcast_convert_type3A_879, %bitcast_convert_type3A_879, %dot_general3A_882 {dimension_numbers = #tpu.dot_dimension_numbers<[1], [1], [0], [0], [0, 0, 1, 0], [], []>, transpose_lhs_hint = false} : vector<256x256xbf16>, vector<256x256xbf16>, vector<256x256xf32> -> vector<256x256xf32>
    %add3A_884 = arith.addf %dot_general3A_881, %dot_general3A_883 : vector<256x256xf32>
    %get3A_885 = arith.constant 13 : index
    %get3A_886 = arith.constant 0 : index
    %get3A_887 = arith.constant 0 : index
    %get3A_888 = vector.load %arg3[%get3A_885, %get3A_886, %get3A_887] : memref<16x256x256xf32, #tpu.memory_space<vmem>>, vector<1x256x256xf32>
    %get3A_889 = vector.shape_cast %get3A_888 : vector<1x256x256xf32> to vector<256x256xf32>
    %add3A_890 = arith.constant 9.99999971E-10 : f32
    %add3A_891 = vector.broadcast %add3A_890 : f32 to vector<256x256xf32>
    %add3A_892 = arith.addf %get3A_889, %add3A_891 : vector<256x256xf32>
    %log3A_893 = math.log %add3A_892 : vector<256x256xf32>
    %neg3A_894 = arith.constant 0.000000e+00 : f32
    %neg3A_895 = vector.broadcast %neg3A_894 : f32 to vector<256x256xf32>
    %neg3A_896 = arith.subf %neg3A_895, %log3A_893 : vector<256x256xf32>
    %add3A_897 = arith.constant 9.99999971E-10 : f32
    %add3A_898 = vector.broadcast %add3A_897 : f32 to vector<256x256xf32>
    %add3A_899 = arith.addf %neg3A_896, %add3A_898 : vector<256x256xf32>
    %log3A_900 = math.log %add3A_899 : vector<256x256xf32>
    %neg3A_901 = arith.constant 0.000000e+00 : f32
    %neg3A_902 = vector.broadcast %neg3A_901 : f32 to vector<256x256xf32>
    %neg3A_903 = arith.subf %neg3A_902, %log3A_900 : vector<256x256xf32>
    %sub3A_904 = arith.constant 1.000000e-01 : f32
    %sub3A_905 = vector.broadcast %sub3A_904 : f32 to vector<256x256xf32>
    %sub3A_906 = arith.subf %add3A_884, %sub3A_905 : vector<256x256xf32>
    %add3A_907 = arith.addf %sub3A_906, %neg3A_903 : vector<256x256xf32>
    %exp3A_908 = math.exp %add3A_907 : vector<256x256xf32>
    %reduce_sum3A_909 = arith.constant dense<0.000000e+00> : vector<256xf32>
    %reduce_sum3A_910 = vector.multi_reduction <add>, %exp3A_908, %reduce_sum3A_909 [1] : vector<256x256xf32> to vector<256xf32>
    %broadcast_in_dim3A_911 = vector.shape_cast %reduce_sum3A_910 : vector<256xf32> to vector<256x1xf32>
    %div3A_912 = vector.broadcast %broadcast_in_dim3A_911 : vector<256x1xf32> to vector<256x256xf32>
    %div3A_913 = arith.divf %exp3A_908, %div3A_912 : vector<256x256xf32>
    %get3A_914 = arith.constant 3328 : index
    %get3A_915 = arith.constant 0 : index
    %get3A_916 = vector.load %arg2[%get3A_914, %get3A_915] : memref<4096x256xf32, #tpu.memory_space<vmem>>, vector<256x256xf32>
    %sub3A_917 = arith.subf %get3A_916, %div3A_913 : vector<256x256xf32>
    %mul3A_918 = arith.mulf %sub3A_917, %sub3A_917 : vector<256x256xf32>
    %reduce_sum3A_919 = arith.constant dense<0.000000e+00> : vector<256xf32>
    %reduce_sum3A_920 = vector.multi_reduction <add>, %mul3A_918, %reduce_sum3A_919 [1] : vector<256x256xf32> to vector<256xf32>
    %broadcast_in_dim3A_921 = vector.shape_cast %reduce_sum3A_920 : vector<256xf32> to vector<256x1xf32>
    %sqrt3A_922 = math.sqrt %broadcast_in_dim3A_921 : vector<256x1xf32>
    %reduce_sum3A_923 = vector.shape_cast %sqrt3A_922 : vector<256x1xf32> to vector<1x256x1xf32>
    %reduce_sum3A_924 = arith.constant dense<0.000000e+00> : vector<1xf32>
    %reduce_sum3A_925 = vector.multi_reduction <add>, %reduce_sum3A_923, %reduce_sum3A_924 [1, 2] : vector<1x256x1xf32> to vector<1xf32>
    %reduce_sum3A_926 = vector.shape_cast %reduce_sum3A_925 : vector<1xf32> to vector<1x1x1xf32>
    %reduce_sum3A_927 = vector.extract %reduce_sum3A_926[0, 0, 0] : f32 from vector<1x1x1xf32>
    %div3A_928 = arith.constant 2.560000e+02 : f32
    %div3A_929 = arith.divf %reduce_sum3A_927, %div3A_928 : f32
    %broadcast_in_dim3A_930 = vector.broadcast %div3A_929 : f32 to vector<1x1x128xf32>
    %swap3A_931 = arith.constant 13 : index
    %swap3A_932 = arith.constant 0 : index
    %swap3A_933 = arith.constant 0 : index
    %swap3A_934 = vector.load %arg4[%swap3A_931, %swap3A_932, %swap3A_933] : memref<16x1x128xf32, #tpu.memory_space<vmem>>, vector<1x1x128xf32>
    tpu.vector_store %arg4[%swap3A_931, %swap3A_932, %swap3A_933], %broadcast_in_dim3A_930 {strides = array<i32>} : memref<16x1x128xf32, #tpu.memory_space<vmem>>, vector<1x1x128xf32>,
    %get3A_935 = arith.constant 3584 : index
    %get3A_936 = arith.constant 0 : index
    %get3A_937 = vector.load %arg1[%get3A_935, %get3A_936] : memref<4096x256xi32, #tpu.memory_space<vmem>>, vector<256x256xi32>
    %and3A_938 = arith.constant 65535 : i32
    %and3A_939 = vector.broadcast %and3A_938 : i32 to vector<256x256xi32>
    %and3A_940 = arith.andi %get3A_937, %and3A_939 : vector<256x256xi32>
    %convert_element_type3A_941 = arith.trunci %and3A_940 : vector<256x256xi32> to vector<256x256xi16>
    %bitcast_convert_type3A_942 = tpu.bitcast %convert_element_type3A_941 : vector<256x256xi16> -> vector<256x256xbf16>
    %shift_right_logical3A_943 = arith.constant 16 : i32
    %shift_right_logical3A_944 = vector.broadcast %shift_right_logical3A_943 : i32 to vector<256x256xi32>
    %shift_right_logical3A_945 = arith.shrui %get3A_937, %shift_right_logical3A_944 : vector<256x256xi32>
    %convert_element_type3A_946 = arith.trunci %shift_right_logical3A_945 : vector<256x256xi32> to vector<256x256xi16>
    %bitcast_convert_type3A_947 = tpu.bitcast %convert_element_type3A_946 : vector<256x256xi16> -> vector<256x256xbf16>
    %dot_general3A_948 = arith.constant dense<0.000000e+00> : vector<256x256xf32>
    %dot_general3A_949 = tpu.matmul %bitcast_convert_type3A_942, %bitcast_convert_type3A_942, %dot_general3A_948 {dimension_numbers = #tpu.dot_dimension_numbers<[1], [1], [0], [0], [0, 0, 1, 0], [], []>, transpose_lhs_hint = false} : vector<256x256xbf16>, vector<256x256xbf16>, vector<256x256xf32> -> vector<256x256xf32>
    %dot_general3A_950 = arith.constant dense<0.000000e+00> : vector<256x256xf32>
    %dot_general3A_951 = tpu.matmul %bitcast_convert_type3A_947, %bitcast_convert_type3A_947, %dot_general3A_950 {dimension_numbers = #tpu.dot_dimension_numbers<[1], [1], [0], [0], [0, 0, 1, 0], [], []>, transpose_lhs_hint = false} : vector<256x256xbf16>, vector<256x256xbf16>, vector<256x256xf32> -> vector<256x256xf32>
    %add3A_952 = arith.addf %dot_general3A_949, %dot_general3A_951 : vector<256x256xf32>
    %get3A_953 = arith.constant 14 : index
    %get3A_954 = arith.constant 0 : index
    %get3A_955 = arith.constant 0 : index
    %get3A_956 = vector.load %arg3[%get3A_953, %get3A_954, %get3A_955] : memref<16x256x256xf32, #tpu.memory_space<vmem>>, vector<1x256x256xf32>
    %get3A_957 = vector.shape_cast %get3A_956 : vector<1x256x256xf32> to vector<256x256xf32>
    %add3A_958 = arith.constant 9.99999971E-10 : f32
    %add3A_959 = vector.broadcast %add3A_958 : f32 to vector<256x256xf32>
    %add3A_960 = arith.addf %get3A_957, %add3A_959 : vector<256x256xf32>
    %log3A_961 = math.log %add3A_960 : vector<256x256xf32>
    %neg3A_962 = arith.constant 0.000000e+00 : f32
    %neg3A_963 = vector.broadcast %neg3A_962 : f32 to vector<256x256xf32>
    %neg3A_964 = arith.subf %neg3A_963, %log3A_961 : vector<256x256xf32>
    %add3A_965 = arith.constant 9.99999971E-10 : f32
    %add3A_966 = vector.broadcast %add3A_965 : f32 to vector<256x256xf32>
    %add3A_967 = arith.addf %neg3A_964, %add3A_966 : vector<256x256xf32>
    %log3A_968 = math.log %add3A_967 : vector<256x256xf32>
    %neg3A_969 = arith.constant 0.000000e+00 : f32
    %neg3A_970 = vector.broadcast %neg3A_969 : f32 to vector<256x256xf32>
    %neg3A_971 = arith.subf %neg3A_970, %log3A_968 : vector<256x256xf32>
    %sub3A_972 = arith.constant 1.000000e-01 : f32
    %sub3A_973 = vector.broadcast %sub3A_972 : f32 to vector<256x256xf32>
    %sub3A_974 = arith.subf %add3A_952, %sub3A_973 : vector<256x256xf32>
    %add3A_975 = arith.addf %sub3A_974, %neg3A_971 : vector<256x256xf32>
    %exp3A_976 = math.exp %add3A_975 : vector<256x256xf32>
    %reduce_sum3A_977 = arith.constant dense<0.000000e+00> : vector<256xf32>
    %reduce_sum3A_978 = vector.multi_reduction <add>, %exp3A_976, %reduce_sum3A_977 [1] : vector<256x256xf32> to vector<256xf32>
    %broadcast_in_dim3A_979 = vector.shape_cast %reduce_sum3A_978 : vector<256xf32> to vector<256x1xf32>
    %div3A_980 = vector.broadcast %broadcast_in_dim3A_979 : vector<256x1xf32> to vector<256x256xf32>
    %div3A_981 = arith.divf %exp3A_976, %div3A_980 : vector<256x256xf32>
    %get3A_982 = arith.constant 3584 : index
    %get3A_983 = arith.constant 0 : index
    %get3A_984 = vector.load %arg2[%get3A_982, %get3A_983] : memref<4096x256xf32, #tpu.memory_space<vmem>>, vector<256x256xf32>
    %sub3A_985 = arith.subf %get3A_984, %div3A_981 : vector<256x256xf32>
    %mul3A_986 = arith.mulf %sub3A_985, %sub3A_985 : vector<256x256xf32>
    %reduce_sum3A_987 = arith.constant dense<0.000000e+00> : vector<256xf32>
    %reduce_sum3A_988 = vector.multi_reduction <add>, %mul3A_986, %reduce_sum3A_987 [1] : vector<256x256xf32> to vector<256xf32>
    %broadcast_in_dim3A_989 = vector.shape_cast %reduce_sum3A_988 : vector<256xf32> to vector<256x1xf32>
    %sqrt3A_990 = math.sqrt %broadcast_in_dim3A_989 : vector<256x1xf32>
    %reduce_sum3A_991 = vector.shape_cast %sqrt3A_990 : vector<256x1xf32> to vector<1x256x1xf32>
    %reduce_sum3A_992 = arith.constant dense<0.000000e+00> : vector<1xf32>
    %reduce_sum3A_993 = vector.multi_reduction <add>, %reduce_sum3A_991, %reduce_sum3A_992 [1, 2] : vector<1x256x1xf32> to vector<1xf32>
    %reduce_sum3A_994 = vector.shape_cast %reduce_sum3A_993 : vector<1xf32> to vector<1x1x1xf32>
    %reduce_sum3A_995 = vector.extract %reduce_sum3A_994[0, 0, 0] : f32 from vector<1x1x1xf32>
    %div3A_996 = arith.constant 2.560000e+02 : f32
    %div3A_997 = arith.divf %reduce_sum3A_995, %div3A_996 : f32
    %broadcast_in_dim3A_998 = vector.broadcast %div3A_997 : f32 to vector<1x1x128xf32>
    %swap3A_999 = arith.constant 14 : index
    %swap3A_1000 = arith.constant 0 : index
    %swap3A_1001 = arith.constant 0 : index
    %swap3A_1002 = vector.load %arg4[%swap3A_999, %swap3A_1000, %swap3A_1001] : memref<16x1x128xf32, #tpu.memory_space<vmem>>, vector<1x1x128xf32>
    tpu.vector_store %arg4[%swap3A_999, %swap3A_1000, %swap3A_1001], %broadcast_in_dim3A_998 {strides = array<i32>} : memref<16x1x128xf32, #tpu.memory_space<vmem>>, vector<1x1x128xf32>,
    %get3A_1003 = arith.constant 3840 : index
    %get3A_1004 = arith.constant 0 : index
    %get3A_1005 = vector.load %arg1[%get3A_1003, %get3A_1004] : memref<4096x256xi32, #tpu.memory_space<vmem>>, vector<256x256xi32>
    %and3A_1006 = arith.constant 65535 : i32
    %and3A_1007 = vector.broadcast %and3A_1006 : i32 to vector<256x256xi32>
    %and3A_1008 = arith.andi %get3A_1005, %and3A_1007 : vector<256x256xi32>
    %convert_element_type3A_1009 = arith.trunci %and3A_1008 : vector<256x256xi32> to vector<256x256xi16>
    %bitcast_convert_type3A_1010 = tpu.bitcast %convert_element_type3A_1009 : vector<256x256xi16> -> vector<256x256xbf16>
    %shift_right_logical3A_1011 = arith.constant 16 : i32
    %shift_right_logical3A_1012 = vector.broadcast %shift_right_logical3A_1011 : i32 to vector<256x256xi32>
    %shift_right_logical3A_1013 = arith.shrui %get3A_1005, %shift_right_logical3A_1012 : vector<256x256xi32>
    %convert_element_type3A_1014 = arith.trunci %shift_right_logical3A_1013 : vector<256x256xi32> to vector<256x256xi16>
    %bitcast_convert_type3A_1015 = tpu.bitcast %convert_element_type3A_1014 : vector<256x256xi16> -> vector<256x256xbf16>
    %dot_general3A_1016 = arith.constant dense<0.000000e+00> : vector<256x256xf32>
    %dot_general3A_1017 = tpu.matmul %bitcast_convert_type3A_1010, %bitcast_convert_type3A_1010, %dot_general3A_1016 {dimension_numbers = #tpu.dot_dimension_numbers<[1], [1], [0], [0], [0, 0, 1, 0], [], []>, transpose_lhs_hint = false} : vector<256x256xbf16>, vector<256x256xbf16>, vector<256x256xf32> -> vector<256x256xf32>
    %dot_general3A_1018 = arith.constant dense<0.000000e+00> : vector<256x256xf32>
    %dot_general3A_1019 = tpu.matmul %bitcast_convert_type3A_1015, %bitcast_convert_type3A_1015, %dot_general3A_1018 {dimension_numbers = #tpu.dot_dimension_numbers<[1], [1], [0], [0], [0, 0, 1, 0], [], []>, transpose_lhs_hint = false} : vector<256x256xbf16>, vector<256x256xbf16>, vector<256x256xf32> -> vector<256x256xf32>
    %add3A_1020 = arith.addf %dot_general3A_1017, %dot_general3A_1019 : vector<256x256xf32>
    %get3A_1021 = arith.constant 15 : index
    %get3A_1022 = arith.constant 0 : index
    %get3A_1023 = arith.constant 0 : index
    %get3A_1024 = vector.load %arg3[%get3A_1021, %get3A_1022, %get3A_1023] : memref<16x256x256xf32, #tpu.memory_space<vmem>>, vector<1x256x256xf32>
    %get3A_1025 = vector.shape_cast %get3A_1024 : vector<1x256x256xf32> to vector<256x256xf32>
    %add3A_1026 = arith.constant 9.99999971E-10 : f32
    %add3A_1027 = vector.broadcast %add3A_1026 : f32 to vector<256x256xf32>
    %add3A_1028 = arith.addf %get3A_1025, %add3A_1027 : vector<256x256xf32>
    %log3A_1029 = math.log %add3A_1028 : vector<256x256xf32>
    %neg3A_1030 = arith.constant 0.000000e+00 : f32
    %neg3A_1031 = vector.broadcast %neg3A_1030 : f32 to vector<256x256xf32>
    %neg3A_1032 = arith.subf %neg3A_1031, %log3A_1029 : vector<256x256xf32>
    %add3A_1033 = arith.constant 9.99999971E-10 : f32
    %add3A_1034 = vector.broadcast %add3A_1033 : f32 to vector<256x256xf32>
    %add3A_1035 = arith.addf %neg3A_1032, %add3A_1034 : vector<256x256xf32>
    %log3A_1036 = math.log %add3A_1035 : vector<256x256xf32>
    %neg3A_1037 = arith.constant 0.000000e+00 : f32
    %neg3A_1038 = vector.broadcast %neg3A_1037 : f32 to vector<256x256xf32>
    %neg3A_1039 = arith.subf %neg3A_1038, %log3A_1036 : vector<256x256xf32>
    %sub3A_1040 = arith.constant 1.000000e-01 : f32
    %sub3A_1041 = vector.broadcast %sub3A_1040 : f32 to vector<256x256xf32>
    %sub3A_1042 = arith.subf %add3A_1020, %sub3A_1041 : vector<256x256xf32>
    %add3A_1043 = arith.addf %sub3A_1042, %neg3A_1039 : vector<256x256xf32>
    %exp3A_1044 = math.exp %add3A_1043 : vector<256x256xf32>
    %reduce_sum3A_1045 = arith.constant dense<0.000000e+00> : vector<256xf32>
    %reduce_sum3A_1046 = vector.multi_reduction <add>, %exp3A_1044, %reduce_sum3A_1045 [1] : vector<256x256xf32> to vector<256xf32>
    %broadcast_in_dim3A_1047 = vector.shape_cast %reduce_sum3A_1046 : vector<256xf32> to vector<256x1xf32>
    %div3A_1048 = vector.broadcast %broadcast_in_dim3A_1047 : vector<256x1xf32> to vector<256x256xf32>
    %div3A_1049 = arith.divf %exp3A_1044, %div3A_1048 : vector<256x256xf32>
    %get3A_1050 = arith.constant 3840 : index
    %get3A_1051 = arith.constant 0 : index
    %get3A_1052 = vector.load %arg2[%get3A_1050, %get3A_1051] : memref<4096x256xf32, #tpu.memory_space<vmem>>, vector<256x256xf32>
    %sub3A_1053 = arith.subf %get3A_1052, %div3A_1049 : vector<256x256xf32>
    %mul3A_1054 = arith.mulf %sub3A_1053, %sub3A_1053 : vector<256x256xf32>
    %reduce_sum3A_1055 = arith.constant dense<0.000000e+00> : vector<256xf32>
    %reduce_sum3A_1056 = vector.multi_reduction <add>, %mul3A_1054, %reduce_sum3A_1055 [1] : vector<256x256xf32> to vector<256xf32>
    %broadcast_in_dim3A_1057 = vector.shape_cast %reduce_sum3A_1056 : vector<256xf32> to vector<256x1xf32>
    %sqrt3A_1058 = math.sqrt %broadcast_in_dim3A_1057 : vector<256x1xf32>
    %reduce_sum3A_1059 = vector.shape_cast %sqrt3A_1058 : vector<256x1xf32> to vector<1x256x1xf32>
    %reduce_sum3A_1060 = arith.constant dense<0.000000e+00> : vector<1xf32>
    %reduce_sum3A_1061 = vector.multi_reduction <add>, %reduce_sum3A_1059, %reduce_sum3A_1060 [1, 2] : vector<1x256x1xf32> to vector<1xf32>
    %reduce_sum3A_1062 = vector.shape_cast %reduce_sum3A_1061 : vector<1xf32> to vector<1x1x1xf32>
    %reduce_sum3A_1063 = vector.extract %reduce_sum3A_1062[0, 0, 0] : f32 from vector<1x1x1xf32>
    %div3A_1064 = arith.constant 2.560000e+02 : f32
    %div3A_1065 = arith.divf %reduce_sum3A_1063, %div3A_1064 : f32
    %broadcast_in_dim3A_1066 = vector.broadcast %div3A_1065 : f32 to vector<1x1x128xf32>
    %swap3A_1067 = arith.constant 15 : index
    %swap3A_1068 = arith.constant 0 : index
    %swap3A_1069 = arith.constant 0 : index
    %swap3A_1070 = vector.load %arg4[%swap3A_1067, %swap3A_1068, %swap3A_1069] : memref<16x1x128xf32, #tpu.memory_space<vmem>>, vector<1x1x128xf32>
    tpu.vector_store %arg4[%swap3A_1067, %swap3A_1068, %swap3A_1069], %broadcast_in_dim3A_1066 {strides = array<i32>} : memref<16x1x128xf32, #tpu.memory_space<vmem>>, vector<1x1x128xf32>,
    return
  }
  func.func @transform_0(%arg0: i32) -> (i32, i32) {
    %c0_i32 = arith.constant 0 : i32
    %c0_i32_0 = arith.constant 0 : i32
    return %arg0, %c0_i32 : i32, i32
  }
  func.func @transform_1(%arg0: i32) -> (i32, i32) {
    %c0_i32 = arith.constant 0 : i32
    %c0_i32_0 = arith.constant 0 : i32
    return %arg0, %c0_i32 : i32, i32
  }
  func.func @transform_2(%arg0: i32) -> (i32, i32, i32) {
    %c0_i32 = arith.constant 0 : i32
    %c0_i32_0 = arith.constant 0 : i32
    %c0_i32_1 = arith.constant 0 : i32
    return %arg0, %c0_i32, %c0_i32_0 : i32, i32, i32
  }
  func.func @transform_3(%arg0: i32) -> (i32, i32, i32) {
    %c0_i32 = arith.constant 0 : i32
    %c0_i32_0 = arith.constant 0 : i32
    %c0_i32_1 = arith.constant 0 : i32
    return %arg0, %c0_i32, %c0_i32_0 : i32, i32, i32
  }
}

module attributes {stable_mosaic.version = 14 : i64} {
  func.func @_final_body(%arg0: memref<256x128xf32, #tpu.memory_space<vmem>>, %arg1: memref<256x128xf32, #tpu.memory_space<vmem>>, %arg2: memref<256x128xf32, #tpu.memory_space<vmem>>, %arg3: memref<256x128xf32, #tpu.memory_space<vmem>>, %arg4: memref<8x128xf32, #tpu.memory_space<vmem>>) attributes {dimension_semantics = [], scalar_prefetch = 0 : i64, scratch_operands = 0 : i64, tpu.core_type = #tpu.core_type<tc>} {
    %get3A = arith.constant 0 : index
    %get3A_0 = arith.constant 0 : index
    %get3A_1 = vector.load %arg0[%get3A, %get3A_0] : memref<256x128xf32, #tpu.memory_space<vmem>>, vector<256x128xf32>
    %get3A_2 = arith.constant 0 : index
    %get3A_3 = arith.constant 0 : index
    %get3A_4 = vector.load %arg1[%get3A_2, %get3A_3] : memref<256x128xf32, #tpu.memory_space<vmem>>, vector<256x128xf32>
    %add3A = arith.addf %get3A_1, %get3A_4 : vector<256x128xf32>
    %reduce_min3A = vector.shape_cast %add3A : vector<256x128xf32> to vector<1x256x128xf32>
    %reduce_min3A_5 = arith.constant dense<0x7F800000> : vector<1xf32>
    %reduce_min3A_6 = vector.multi_reduction <minimumf>, %reduce_min3A, %reduce_min3A_5 [1, 2] : vector<1x256x128xf32> to vector<1xf32>
    %reduce_min3A_7 = vector.shape_cast %reduce_min3A_6 : vector<1xf32> to vector<1x1x1xf32>
    %reduce_min3A_8 = vector.extract %reduce_min3A_7[0, 0, 0] : f32 from vector<1x1x1xf32>
    %reduce_max3A = vector.shape_cast %add3A : vector<256x128xf32> to vector<1x256x128xf32>
    %reduce_max3A_9 = arith.constant dense<0xFF800000> : vector<1xf32>
    %reduce_max3A_10 = vector.multi_reduction <maximumf>, %reduce_max3A, %reduce_max3A_9 [1, 2] : vector<1x256x128xf32> to vector<1xf32>
    %reduce_max3A_11 = vector.shape_cast %reduce_max3A_10 : vector<1xf32> to vector<1x1x1xf32>
    %reduce_max3A_12 = vector.extract %reduce_max3A_11[0, 0, 0] : f32 from vector<1x1x1xf32>
    %sub3A = vector.broadcast %reduce_min3A_8 : f32 to vector<256x128xf32>
    %sub3A_13 = arith.subf %add3A, %sub3A : vector<256x128xf32>
    %sub3A_14 = arith.subf %reduce_max3A_12, %reduce_min3A_8 : f32
    %div3A = vector.broadcast %sub3A_14 : f32 to vector<256x128xf32>
    %div3A_15 = arith.divf %sub3A_13, %div3A : vector<256x128xf32>
    %get3A_16 = arith.constant 0 : index
    %get3A_17 = arith.constant 0 : index
    %get3A_18 = vector.load %arg2[%get3A_16, %get3A_17] : memref<256x128xf32, #tpu.memory_space<vmem>>, vector<256x128xf32>
    %log3A = math.log %div3A_15 : vector<256x128xf32>
    %max3A = arith.constant -1.000000e+02 : f32
    %max3A_19 = vector.broadcast %max3A : f32 to vector<256x128xf32>
    %max3A_20 = arith.maximumf %log3A, %max3A_19 : vector<256x128xf32>
    %sub3A_21 = arith.constant 1.000000e+00 : f32
    %sub3A_22 = vector.broadcast %sub3A_21 : f32 to vector<256x128xf32>
    %sub3A_23 = arith.subf %sub3A_22, %div3A_15 : vector<256x128xf32>
    %log3A_24 = math.log %sub3A_23 : vector<256x128xf32>
    %max3A_25 = arith.constant -1.000000e+02 : f32
    %max3A_26 = vector.broadcast %max3A_25 : f32 to vector<256x128xf32>
    %max3A_27 = arith.maximumf %log3A_24, %max3A_26 : vector<256x128xf32>
    %mul3A = arith.mulf %get3A_18, %max3A_20 : vector<256x128xf32>
    %sub3A_28 = arith.constant 1.000000e+00 : f32
    %sub3A_29 = vector.broadcast %sub3A_28 : f32 to vector<256x128xf32>
    %sub3A_30 = arith.subf %sub3A_29, %get3A_18 : vector<256x128xf32>
    %mul3A_31 = arith.mulf %sub3A_30, %max3A_27 : vector<256x128xf32>
    %add3A_32 = arith.addf %mul3A, %mul3A_31 : vector<256x128xf32>
    %reduce_sum3A = vector.shape_cast %add3A_32 : vector<256x128xf32> to vector<1x256x128xf32>
    %reduce_sum3A_33 = arith.constant dense<0.000000e+00> : vector<1xf32>
    %reduce_sum3A_34 = vector.multi_reduction <add>, %reduce_sum3A, %reduce_sum3A_33 [1, 2] : vector<1x256x128xf32> to vector<1xf32>
    %reduce_sum3A_35 = vector.shape_cast %reduce_sum3A_34 : vector<1xf32> to vector<1x1x1xf32>
    %reduce_sum3A_36 = vector.extract %reduce_sum3A_35[0, 0, 0] : f32 from vector<1x1x1xf32>
    %div3A_37 = arith.constant 3.276800e+04 : f32
    %div3A_38 = arith.divf %reduce_sum3A_36, %div3A_37 : f32
    %neg3A = arith.constant 0.000000e+00 : f32
    %neg3A_39 = arith.subf %neg3A, %div3A_38 : f32
    %swap3A = arith.constant 0 : index
    %swap3A_40 = arith.constant 0 : index
    %swap3A_41 = vector.load %arg3[%swap3A, %swap3A_40] : memref<256x128xf32, #tpu.memory_space<vmem>>, vector<256x128xf32>
    tpu.vector_store %arg3[%swap3A, %swap3A_40], %div3A_15 {strides = array<i32>} : memref<256x128xf32, #tpu.memory_space<vmem>>, vector<256x128xf32>,
    %div3A_42 = arith.constant 2.560000e+02 : f32
    %div3A_43 = arith.divf %neg3A_39, %div3A_42 : f32
    %broadcast_in_dim3A = vector.broadcast %div3A_43 : f32 to vector<8x128xf32>
    %swap3A_44 = arith.constant 0 : index
    %swap3A_45 = arith.constant 0 : index
    %swap3A_46 = vector.load %arg4[%swap3A_44, %swap3A_45] : memref<8x128xf32, #tpu.memory_space<vmem>>, vector<8x128xf32>
    tpu.vector_store %arg4[%swap3A_44, %swap3A_45], %broadcast_in_dim3A {strides = array<i32>} : memref<8x128xf32, #tpu.memory_space<vmem>>, vector<8x128xf32>,
    return
  }
}

</mosaic_0001>

<sc_bundles>
// kernel: kernel.7.cloned.1.call-start
scs
__scs_entry_jumppad:
0x0: {  	(pc) =	sbr.rel $0x88, $3  }
0x1: {  	(tag) =	ssettag $0x0;
	lr =	simm.s32 $0x1  }
0x2: {  	[smem:$0x3F9A] =	sst lr;
	_ =	strace $0xD0000000  }
0x3: {  	_ = 	snop  }
0x4: {  	_ = 	snop  }
0x5: {  	_ = 	snop  }
0x6: {  	_ = 	snop  }
0x7: {  	_ = 	snop  }
__scs_overlays_trampoline_lowered:
0x8: {  	[smem:$0x3FA9] =	sst s0  }
0x9: {  	[smem:$0x3FAA] =	sst s1  }
0xa: {  	[smem:$0x3FAB] =	sst s2  }
0xb: {  	[smem:$0x3FAC] =	sst s3  }
0xc: {  	[smem:$0x3FAD] =	sst s4  }
0xd: {  	[smem:$0x3FAE] =	sst s5  }
0xe: {  	[smem:$0x3FAF] =	sst s6  }
0xf: {  	[smem:$0x3FB0] =	sst s7  }
0x10: {  	[smem:$0x3FB1] =	sst s8  }
0x11: {  	[smem:$0x3FB2] =	sst s9;
	s0 =	simm.s32 @!p0 $0x0  }
0x12: {  	s1 =	sld [smem:$0x3F98];
	s0 =	simm.s32 @p0 $0x1  }
0x13: {  	[smem:$0x3FB3] =	sst s0;
	s0 =	simm.s32 @!p1 $0x0  }
0x14: {  	s2 =	sld [smem:$0x3F97];
	s0 =	simm.s32 @p1 $0x1  }
0x15: {  	[smem:$0x3FB4] =	sst s0;
	s0 =	simm.s32 @!p2 $0x0  }
0x16: {  	s3 =	sld [smem:$0x3FDB];
	s0 =	simm.s32 @p2 $0x1  }
0x17: {  	s4 =	simm.s32 $0x1BF5;
	[smem:$0x3FB6] =	sst s0  }
0x18: {  	s0 =	sld [smem:$0x3F99];
	_ =	swait.ge [sflag:s4], $0x0  }
0x19: {  	s7 =	sld [smem:$0x3F9A]  }
0x1a: {  	s8 =	sadd.s32 $0xFFFFE003, lr  }
0x1b: {  	s9 =	sadd.s32 $0xFFFFFEF7, lr;
	s5 =	simm.s32 $0xFFFFFFFF;
	p2 =	slt.u32 s8, $0xFFFFF086  }
0x1c: {  	p1 =	slt.u32 s9, $0xF7A;
	s5 =	simm.s32 @!p2 $0x0  }
0x1d: {  	s5 =	simm.s32 @p1 $0x1;
	p0 =	seq.s32 s7, s2  }
0x1e: {  	s7 =	smul.u32 @!p0 $0xF7A, s2;
	p2 =	seq.s32 @!p0 s5, $0x0  }
0x1f: {  	s9 =	smul.u32 $0xF7A, s1;
	s8 =	simm.s32 @!p0 $0x1BF5;
	p2 =	por !p2, p0  }
0x20: {  	[sflag:s8] =	ssyncset.s32 @!p0 $0xFFFFF086;
	s6 =	sadd.s32 @!p0 s3, s7;
	s7 =	simm.s32 @!p0 $0x108  }
0x21: {  	s3 =	sadd.s32 s3, s9;
	s6 =	sadd.s32 @!p0 $0x88, s6;
	s7 =	simm.s32 @p2 $0x1082  }
0x22: {  	[simem:s7], [sflag:s8] =	dma.local @!p0 [hbm:s6], $0xF7A  }
0x23: {  	s9 =	sor.u32 $0xD0000000, s2;
	s6 =	simm.s32 $0x108;
	_ =	swait.ge @!p0 [sflag:s8], $0x0  }
0x24: {  	s3 =	sadd.s32 $0x88, s3;
	s6 =	simm.s32 @!p1 $0x1082;
	[sflag:s4] =	ssyncset.s32 $0xFFFFF086  }
0x25: {  	[simem:s6], [sflag:s4] =	dma.local [hbm:s3], $0xF7A  }
0x26: {  	[smem:$0x3F9A] =	sst s1;
	(tag) =	ssettag s2;
	_ =	strace s9  }
0x27: {  	s1 =	sld [smem:$0x3FAA]  }
0x28: {  	s2 =	sld [smem:$0x3FAB]  }
0x29: {  	s4 =	sld [smem:$0x3FAD]  }
0x2a: {  	p0 =	seq.s32 s5, $0x0;
	s5 =	sld [smem:$0x3FAE]  }
0x2b: {  	s6 =	sld [smem:$0x3FAF]  }
0x2c: {  	s7 =	sld [smem:$0x3FB0]  }
0x2d: {  	s3 =	simm.s32 $0x108;
	s8 =	sld [smem:$0x3FB1]  }
0x2e: {  	s3 =	simm.s32 @!p0 $0x1082;
	s9 =	sld [smem:$0x3FB2]  }
0x2f: {  	lr =	sadd.s32 s0, s3;
	s0 =	sld [smem:$0x3FA9]  }
0x30: {  	s3 =	sld [smem:$0x3FAC]  }
0x31: {  	[smem:$0x3FB5] =	sst s10  }
0x32: {  	s10 =	sld [smem:$0x3FB3];
	_ =	sdelay $0x3  }
0x33: {  	p0 =	seq.s32 s10, $0x1;
	s10 =	sld [smem:$0x3FB5];
	_ =	sdelay $0x3  }
0x34: {  	[smem:$0x3FB5] =	sst s10  }
0x35: {  	s10 =	sld [smem:$0x3FB4];
	_ =	sdelay $0x3  }
0x36: {  	p1 =	seq.s32 s10, $0x1;
	s10 =	sld [smem:$0x3FB5];
	_ =	sdelay $0x3  }
0x37: {  	[smem:$0x3FB5] =	sst s10  }
0x38: {  	s10 =	sld [smem:$0x3FB6]  }
0x39: {  	_ = 	snop;
	(pc) =	sbr.ind lr, $3  }
0x3a: {  	_ = 	snop  }
0x3b: {  	_ = 	snop  }
0x3c: {  	p2 =	seq.s32 s10, $0x1;
	s10 =	sld [smem:$0x3FB5]  }
0x3d: {  	_ =	shalt  }
0x3e: {  	_ =	shalt  }
0x3f: {  	_ =	shalt  }
0x40: {  	_ =	shalt  }
0x41: {  	_ =	shalt  }
0x42: {  	_ =	shalt  }
0x43: {  	_ =	shalt  }
0x44: {  	_ =	shalt  }
0x45: {  	_ =	shalt  }
0x46: {  	_ =	shalt  }
0x47: {  	_ =	shalt  }
0x48: {  	_ =	shalt  }
0x49: {  	_ =	shalt  }
0x4a: {  	_ =	shalt  }
0x4b: {  	_ =	shalt  }
0x4c: {  	_ =	shalt  }
0x4d: {  	_ =	shalt  }
0x4e: {  	_ =	shalt  }
0x4f: {  	_ =	shalt  }
0x50: {  	_ =	shalt  }
0x51: {  	_ =	shalt  }
0x52: {  	_ =	shalt  }
0x53: {  	_ =	shalt  }
0x54: {  	_ =	shalt  }
0x55: {  	_ =	shalt  }
0x56: {  	_ =	shalt  }
0x57: {  	_ =	shalt  }
0x58: {  	_ =	shalt  }
0x59: {  	_ =	shalt  }
0x5a: {  	_ =	shalt  }
0x5b: {  	_ =	shalt  }
0x5c: {  	_ =	shalt  }
0x5d: {  	_ =	shalt  }
0x5e: {  	_ =	shalt  }
0x5f: {  	_ =	shalt  }
0x60: {  	_ =	shalt  }
0x61: {  	_ =	shalt  }
0x62: {  	_ =	shalt  }
0x63: {  	_ =	shalt  }
0x64: {  	_ =	shalt  }
0x65: {  	_ =	shalt  }
0x66: {  	_ =	shalt  }
0x67: {  	_ =	shalt  }
0x68: {  	_ =	shalt  }
0x69: {  	_ =	shalt  }
0x6a: {  	_ =	shalt  }
0x6b: {  	_ =	shalt  }
0x6c: {  	_ =	shalt  }
0x6d: {  	_ =	shalt  }
0x6e: {  	_ =	shalt  }
0x6f: {  	_ =	shalt  }
0x70: {  	_ =	shalt  }
0x71: {  	_ =	shalt  }
0x72: {  	_ =	shalt  }
0x73: {  	_ =	shalt  }
0x74: {  	_ =	shalt  }
0x75: {  	_ =	shalt  }
0x76: {  	_ =	shalt  }
0x77: {  	_ =	shalt  }
0x78: {  	_ =	shalt  }
0x79: {  	_ =	shalt  }
0x7a: {  	_ =	shalt  }
0x7b: {  	_ =	shalt  }
0x7c: {  	_ =	shalt  }
0x7d: {  	_ =	shalt  }
0x7e: {  	_ =	shalt  }
0x7f: {  	_ =	shalt  }
0x80: {  	_ =	shalt  }
0x81: {  	_ =	shalt  }
0x82: {  	_ =	shalt  }
0x83: {  	_ =	shalt  }
0x84: {  	_ =	shalt  }
0x85: {  	_ =	shalt  }
0x86: {  	_ =	shalt  }
0x87: {  	_ =	shalt  }
.Lfunc_end0:
.L_simem_size_0:
called_computation_lowered:
.L_overlay_start_0:
0x88: {  	s2 =	sld [smem:$0x3FD9]  }
0x89: {  	s3 =	sld [smem:$0x3FFE];
	_ =	sdelay $0x1  }
0x8a: {  	s1 =	srdreg.scid  }
0x8b: {  	s0 =	sand.u32 $0x1, s1  }
0x8c: {  	s16 =	sshll.u32 s0, $0xA;
	s2 =	sadd.s32 s3, s2  }
0x8d: {  	s2 =	sadd.s32 s2, s16  }
0x8e: {  	[smem:$0x3FC1] =	sst s2  }
0x8f: {  	_ = 	snop  }
0x90: {  	(tm) =	ssettm $0x1  }
0x91: {  	s17 =	sld [smem:$0x3FFB];
	_ =	sdelay $0x3  }
0x92: {  	_ =	strace s17  }
0x93: {  	s2 =	sld [smem:$0x3FFC];
	_ =	sdelay $0x3  }
0x94: {  	_ =	strace s2  }
0x95: {  	s2 =	sld [smem:$0x3FFD];
	_ =	sdelay $0x3  }
0x96: {  	_ =	strace s2  }
0x97: {  	_ =	strace $0x8FFFFFFF  }
0x98: {  	s18 =	sld [smem:$0x3FDB];
	_ =	sdelay $0x1  }
0x99: {  	s19 =	simm.s32 $_scs_section_size  }
0x9a: {  	s4 =	simm.s32 $_size__tile_overlayer_lowered;
	s5 =	simm.s32 $_tile_overlayer_lowered  }
0x9b: {  	s22 =	simm.s32 $0x1BFF;
	s21 =	sshll.u32 s5, $0x1;
	s2 =	sadd.s32 s19, s18  }
0x9c: {  	s6 =	simm.s32 $0x0;
	s20 =	sshll.u32 s4, $0x1;
	s4 =	sadd.s32 s21, s2  }
0x9d: {  	[timem:s6], [sflag:s22] =	dma.local [hbm:s4], s20  }
0x9e: {  	_ =	swait.ge [sflag:s22], s20  }
0x9f: {  	s3 =	ssub.s32 $0x0, s20;
	[sflag:s22] =	ssyncset.done $0x0  }
0xa0: {  	[sflag:s22] =	ssyncadd.s32 s3;
	_ =	sdelay $0x1  }
0xa1: {  	s23 =	simm.s32 $0x1B8B  }
0xa2: {  	_ =	swait.ge [sflag:s23], $0x1  }
0xa3: {  	[sflag:s23] =	ssyncset.done $0x0  }
0xa4: {  	s25 =	simm.s32 $0x1B8E;
	s24 =	sld [smem:$0x3FFE];
	[sflag:s23] =	ssyncadd.s32 $0xFFFFFFFF  }
0xa5: {  	s26 =	simm.s32 $execute0_lowered;
	[smem:$0x3FD2] =	sst s25  }
0xa6: {  	s4 =	sshll.u32 s26, $0x1;
	_ =	strace $0x80000046;
	[dreg:$0x1] =	wrdreg $0xFFFFFFFF  }
0xa7: {  	s28 =	simm.s32 $_size_execute0_lowered;
	s2 =	sadd.s32 s2, s4;
	[dreg:$0x0] =	wrdreg $0x0  }
0xa8: {  	s4 =	sshll.u32 s28, $0x1;
	[dreg:$0x2] =	wrdreg s2  }
0xa9: {  	[dreg:$0x3] =	wrdreg s4  }
0xaa: {  	[dreg:$0x4] =	wrdreg $0xC0  }
0xab: {  	_ =	task [dreg:s6], $0x5FFFF  }
0xac: {  	[dreg:$0x1] =	wrdreg $0xFFFFFFFF  }
0xad: {  	[dreg:$0x0] =	wrdreg $0x60  }
0xae: {  	[dreg:$0x2] =	wrdreg s24  }
0xaf: {  	[dreg:$0x3] =	wrdreg $0x9  }
0xb0: {  	_ =	task.clear_ibuf [dreg:s6], $0x4FFFF;
	_ =	strace $0x90000046  }
0xb1: {  	s29 =	simm.s32 $0x9;
	_ =	strace $0x80000048  }
0xb2: {  	_ =	swait.ge [sflag:s29], $0x1  }
0xb3: {  	[sflag:s29] =	ssyncadd.s32 $0xFFFFFFFF  }
0xb4: {  	_ =	strace $0x90000048  }
0xb5: {  	_ =	sfence  }
0xb6: {  	s30 =	sld [smem:$0x0];
	_ =	sdelay $0x2  }
0xb7: {  	s31 =	sshll.u32 s1, $0xD;
	s1 =	sshrl.u32 s1, $0x2  }
0xb8: {  	s3 =	sand.u32 $0x4000, s31;
	s1 =	sadd.s32 s1, s30  }
0xb9: {  	s0 =	sor.u32 s3, s0;
	s1 =	sshll.u32 s1, $0x11  }
0xba: {  	s0 =	sor.u32 s1, s0  }
0xbb: {  	s0 =	sadd.s32 $0x8F2B, s0  }
0xbc: {  	[sflag:s0] =	ssyncadd.remote.s32 $0x1  }
0xbd: {  	_ =	sfence.sel $0xFFFF  }
0xbe: {  	[dreg:$0x0] =	wrdreg $0xFFFFFFFF;
	(pc) =	sbr.abs _section_cstart, $3  }
0xbf: {  	[dreg:$0x1] =	wrdreg $0xFFFFFFFF  }
0xc0: {  	_ =	task.clear_ibuf [dreg:s6], $0x2FFFF;
	_ =	strace $0x9FFFFFFF  }
0xc1: {  	(tm) =	ssettm $0x7FFFFFFF  }
tec
execute0_lowered:
.L_overlay_start_1:
0x0: {  	(tag) =	ssettag $0x1  }
0x1: {  	s0 =	rddreg [dreg:$0x0]  }
0x2: {  	s1 =	simm.s32 $0x0;
	s19 =	srdreg.scid;
	s5 =	stileid.u32  }
0x3: {  	s16 =	simm.s32 $0x3;
	s28 =	simm.s32 $0x3980;
	s29 =	simm.s32 $0x1  }
0x4: {  	s30 =	simm.s32 $0x4180;
	s31 =	simm.s32 $0x4980;
	s7 =	simm.s32 $0x5980  }
0x5: {  	v0 =	vimm.f32 $1.500000000e+01;
	vm0 =	vcmask $0x300;
	s14 =	simm.s32 $0x6980;
	[smem:$0x7FF] =	sst s1;
	s17 =	sadd.s32 $0x20E00, s0  }
0x6: {  	s18 =	sadd.s32 $0xE00, s0;
	v0 =	vsel vm0, $0x0, v0;
	vm0 =	vcmask $0x704;
	_ =	strace $0x80000047;
	[dreg:$0x2] =	wrdreg s17  }
0x7: {  	s15 =	simm.s32 $0x7180;
	s3 =	sadd.s32 $0x161000, s0;
	[dreg:$0x3] =	wrdreg s18;
	v0 =	vsel vm0, $0x3F800000, v0;
	vm0 =	vcmask $0xB08  }
0x8: {  	s6 =	simm.s32 $0x0;
	s20 =	sadd.s32 $0x361000, s0;
	[dreg:$0x4] =	wrdreg s3;
	v0 =	vsel vm0, $0x40000000, v0;
	vm0 =	vcmask $0xF0C  }
0x9: {  	s2 =	sadd.s32 $0xC2E00, s0;
	s21 =	sadd.s32 $0x111000, s0;
	[dreg:$0x5] =	wrdreg s20;
	v0 =	vsel vm0, $0x40400000, v0;
	vm0 =	vcmask $0x1310  }
0xa: {  	s1 =	sand.u32 $0x1, s19;
	s23 =	sadd.s32 $0x161800, s0;
	[dreg:$0x6] =	wrdreg s21;
	v0 =	vsel vm0, $0x40800000, v0;
	vm0 =	vcmask $0x1714  }
0xb: {  	s5 =	sshll.u32 s5, $0x4;
	s24 =	sadd.s32 $0xF00, s0;
	[dreg:$0x8] =	wrdreg s23;
	v1 =	vsel vm0, $0x40A00000, v0;
	vm0 =	vcmask $0x1B18  }
0xc: {  	v6 =	vlaneseq.u32;
	s25 =	sadd.s32 $0x162000, s0;
	s0 =	sadd.s32 $0x162800, s0;
	[dreg:$0x9] =	wrdreg s24;
	v2 =	vsel vm0, $0x40C00000, v1;
	vm0 =	vcmask $0x1F1C  }
0xd: {  	vm1 =	vcmask $0x3B38;
	s19 =	simm.s32 $0x9180;
	s22 =	ssub.s32 $0x2, s1;
	[dreg:$0xa] =	wrdreg s25;
	v3 =	vsel vm0, $0x40E00000, v2;
	vm0 =	vcmask $0x2320  }
0xe: {  	v7 =	vshrl.u32 v6, $0x3;
	s1 =	sshll.u32 s1, $0x3;
	[dreg:$0xb] =	wrdreg s0;
	s20 =	simm.s32 $0x180;
	v4 =	vsel vm0, $0x41000000, v3;
	vm0 =	vcmask $0x2724  }
0xf: {  	s21 =	simm.s32 $0x980;
	s23 =	simm.s32 $0x1980;
	s24 =	simm.s32 $0x2180;
	v0 =	vimm.f32 $0.0e+00;
	v4 =	vsel vm0, $0x41100000, v4;
	vm0 =	vcmask $0x2B28  }
0x10: {  	s25 =	simm.s32 $0x2980;
	s0 =	simm.s32 $0x5180;
	s17 =	simm.s32 $0x7980;
	v1 =	vimm.s32 $0xFFFFFFFF;
	v5 =	vsel vm0, $0x41200000, v4;
	vm0 =	vcmask $0x2F2C  }
0x11: {  	s18 =	simm.s32 $0x1B980;
	s4 =	sshrl.u32 s22, $0x1;
	s1 =	sor.u32 s1, s5;
	v2 =	vimm.s32 $0x40000000;
	v5 =	vsel vm0, $0x41300000, v5;
	vm0 =	vcmask $0x3330  }
0x12: {  	s3 =	ssub.s32 s22, s4;
	[dreg:$0x7] =	wrdreg s1;
	s22 =	simm.s32 $0x1180;
	v3 =	vimm.f32 $1.000000000e+00;
	v8 =	vsel vm0, $0x41400000, v5;
	vm0 =	vcmask $0x3734  }
0x13: {  	s1 =	simm.s32 $0x6180;
	s4 =	simm.s32 $0x2;
	s26 =	smax.u32 s3, $0x1;
	v4 =	vand.u32 $0x7, v6;
	v5 =	vmul.u32 $0x8, v7;
	v7 =	vsel vm0, $0x41500000, v8  }
0x14: {  	s3 =	simm.s32 $0x19180;
	[dreg:$0xc] =	wrdreg s26;
	s26 =	simm.s32 $0x3180;
	v6 =	vor.u32 $0x8, v6;
	vm0 =	vmmov $0xffff;
	v7 =	vsel vm1, $0x41600000, v7  }
.LBB2_1:
0x15: {  	s13 =	simm.s32 $0x0  }
0x16: {  	[dreg:$0xd] =	wrdreg s6;
	s5 =	sand.u32 $0xF800, s13;
	s6 =	sand.u32 $0x380, s13  }
0x17: {  	s5 =	sor.u32 s6, s5  }
0x18: {  	[tilespmem:s5+$0x95F0] =	vst v0  }
0x19: {  	[tilespmem:s5+$0x9180] =	vst v0  }
0x1a: {  	[tilespmem:s5+$0x9190] =	vst v0  }
0x1b: {  	[tilespmem:s5+$0x91A0] =	vst v0  }
0x1c: {  	[tilespmem:s5+$0x91B0] =	vst v0  }
0x1d: {  	[tilespmem:s5+$0x91C0] =	vst v0  }
0x1e: {  	[tilespmem:s5+$0x91D0] =	vst v0  }
0x1f: {  	[tilespmem:s5+$0x91E0] =	vst v0  }
0x20: {  	[tilespmem:s5+$0x91F0] =	vst v0  }
0x21: {  	[tilespmem:s5+$0x9580] =	vst v0  }
0x22: {  	[tilespmem:s5+$0x9590] =	vst v0  }
0x23: {  	[tilespmem:s5+$0x95A0] =	vst v0  }
0x24: {  	[tilespmem:s5+$0x95B0] =	vst v0  }
0x25: {  	s8 =	simm.s32 $0x100;
	s6 =	simm.s32 $0x80;
	[tilespmem:s5+$0x95C0] =	vst v0  }
0x26: {  	s9 =	sand.u32 $0xF800, s8;
	s8 =	simm.s32 $0x200;
	s10 =	sand.u32 $0x380, s6;
	[tilespmem:s5+$0x95D0] =	vst v0  }
.LBB2_2:
0x27: {  	p0 =	sne.s32 s8, $0xFF00;
	[tilespmem:s5+$0x95E0] =	vst v0;
	s5 =	sor.u32 s10, s9  }
0x28: {  	[tilespmem:s5+$0x95F0] =	vst v0  }
0x29: {  	[tilespmem:s5+$0x9180] =	vst v0  }
0x2a: {  	[tilespmem:s5+$0x9190] =	vst v0  }
0x2b: {  	[tilespmem:s5+$0x91A0] =	vst v0  }
0x2c: {  	[tilespmem:s5+$0x91B0] =	vst v0  }
0x2d: {  	[tilespmem:s5+$0x91C0] =	vst v0  }
0x2e: {  	[tilespmem:s5+$0x91D0] =	vst v0  }
0x2f: {  	[tilespmem:s5+$0x91E0] =	vst v0  }
0x30: {  	[tilespmem:s5+$0x91F0] =	vst v0  }
0x31: {  	[tilespmem:s5+$0x9580] =	vst v0  }
.Ltmp0:
0x32: {  	[tilespmem:s5+$0x9590] =	vst v0;
	(pc) =	sbr.rel @p0 .LBB2_2-.Ltmp0, $4  }
0x33: {  	[tilespmem:s5+$0x95A0] =	vst v0  }
0x34: {  	[tilespmem:s5+$0x95B0] =	vst v0  }
0x35: {  	s6 =	sadd.s32 $0x80, s6;
	[tilespmem:s5+$0x95C0] =	vst v0  }
0x36: {  	s9 =	sand.u32 $0xF800, s8;
	s8 =	sadd.s32 $0x100, s8;
	s10 =	sand.u32 $0x380, s6;
	[tilespmem:s5+$0x95D0] =	vst v0  }
0x37: {  	s6 =	sor.u32 s10, s9;
	[tilespmem:s5+$0x95E0] =	vst v0  }
0x38: {  	[tilespmem:s6+$0x95F0] =	vst v0  }
0x39: {  	[tilespmem:s6+$0x9180] =	vst v0  }
0x3a: {  	[tilespmem:s6+$0x9190] =	vst v0  }
0x3b: {  	[tilespmem:s6+$0x91A0] =	vst v0  }
0x3c: {  	[tilespmem:s6+$0x91B0] =	vst v0  }
0x3d: {  	[tilespmem:s6+$0x91C0] =	vst v0  }
0x3e: {  	[tilespmem:s6+$0x91D0] =	vst v0  }
0x3f: {  	[tilespmem:s6+$0x91E0] =	vst v0  }
0x40: {  	[tilespmem:s6+$0x91F0] =	vst v0  }
0x41: {  	[tilespmem:s6+$0x9580] =	vst v0  }
0x42: {  	p0 =	por $0x1, $0x1;
	[tilespmem:s6+$0x9590] =	vst v0  }
.Ltmp1:
0x43: {  	[tilespmem:s6+$0x95A0] =	vst v0;
	(pc) =	sbr.rel @!p0 .LBB2_5-.Ltmp1, $4  }
0x44: {  	[tilespmem:s6+$0x95B0] =	vst v0  }
0x45: {  	[tilespmem:s6+$0x95C0] =	vst v0  }
0x46: {  	[tilespmem:s6+$0x95D0] =	vst v0  }
0x47: {  	s5 =	simm.s32 $0x0;
	s8 =	simm.s32 $0x0;
	[tilespmem:s6+$0x95E0] =	vst v0;
	s6 =	simm.s32 $0x40  }
.LBB2_4:
0x48: {  	p0 =	sne.s32 s6, $0x9FC0;
	[tilespmem:s8+$0x19180] =	vst v0;
	s9 =	smov.u32 s6;
	s6 =	sadd.s32 $0x40, s6  }
.Ltmp2:
0x49: {  	[tilespmem:s8+$0x1B980] =	vst v0;
	(pc) =	sbr.rel @p0 .LBB2_4-.Ltmp2, $2  }
0x4a: {  	_ =	sdelay $0x2  }
0x4b: {  	s8 =	sshra.s32 s9, $0x2  }
.LBB2_5:
0x4c: {  	[tilespmem:s8+$0x19180] =	vst v0  }
0x4d: {  	[tilespmem:s8+$0x1B980] =	vst v0  }
.LBB2_6:
0x4e: {  	s6 =	rddreg [dreg:$0x7]  }
0x4f: {  	s6 =	sadd.s32 s6, s5  }
0x50: {  	[tilespmem:$0x0] =	vst v1;
	s9 =	rddreg [dreg:$0x2];
	s8 =	sshll.u32 s6, $0x5  }
0x51: {  	[tilespmem:$0x110] =	vst v2;
	s10 =	simm.s32 $0x10;
	s8 =	sadd.s32 s9, s8;
	s9 =	simm.s32 $0x0  }
0x52: {  	[tilespmem:s10], [sflag:$0x3] =	stream.linear.gather [hbm4b:s8+s9], $0x100, $0x38;
	[tilespmem:$0x1E180] =	vst v63  }
0x53: {  	_ =	swait.ge [sflag:s16], $0x100  }
0x54: {  	s13 =	sshll.u32 s6, $0x9;
	[sflag:s16] =	ssyncset.done $0x0;
	s11 =	rddreg [dreg:$0x3]  }
0x55: {  	[sflag:s16] =	ssyncadd.s32 $0xFFFFFF00;
	s10 =	sadd.s32 s11, s13;
	s11 =	simm.s32 $0x8180  }
0x56: {  	[tilespmem:s11], [sflag:$0x3] =	stream.linear.gather [hbm4b:s10+s9], $0x800, $0x38;
	[tilespmem:$0x1E180] =	vst v63  }
0x57: {  	_ =	swait.ge [sflag:s16], $0x800  }
0x58: {  	[sflag:s16] =	ssyncset.done $0x0;
	s12 =	rddreg [dreg:$0x9]  }
0x59: {  	[sflag:s16] =	ssyncadd.s32 $0xFFFFF800;
	s8 =	sadd.s32 s13, s12;
	s13 =	simm.s32 $0x8980  }
0x5a: {  	[tilespmem:s13], [sflag:$0x3] =	stream.linear.gather [hbm4b:s8+s9], $0x800, $0x38;
	[tilespmem:$0x1E180] =	vst v63  }
0x5b: {  	_ =	swait.ge [sflag:s16], $0x800  }
0x5c: {  	[sflag:s16] =	ssyncset.done $0x0  }
0x5d: {  	s9 =	simm.s32 $0x0;
	[sflag:s16] =	ssyncadd.s32 $0xFFFFF800  }
0x5e: {  	s8 =	simm.s32 $0x40;
	v8 =	vld [tilespmem:s9+$0x8980]  }
.LBB2_7:
0x5f: {  	p0 =	sne.s32 s8, $0x1FC0;
	v9 =	vld [tilespmem:s9+$0x8180];
	_ =	sdelay $0x4  }
0x60: {  	v11 =	vshll.u32 v8, $0x3;
	v10 =	vshll.u32 v9, $0x8  }
0x61: {  	v11 =	vand.u32 $0xFFFFFC00, v11;
	v9 =	vshll.u32 v9, $0x7;
	v10 =	vand.u32 $0xFFFFF800, v10  }
0x62: {  	v9 =	vand.u32 $0x380, v9;
	v10 =	vadd.s32 v10, v11  }
0x63: {  	v8 =	vand.u32 $0x7F, v8;
	v9 =	vor.u32 v9, v10  }
0x64: {  	v8 =	vor.u32 v8, v9;
	_ =	sdelay $0x1  }
.Ltmp3:
0x65: {  	(pc) =	sbr.rel @p0 .LBB2_7-.Ltmp3, $3  }
0x66: {  	_ =	sdelay $0x1  }
0x67: {  	s9 =	sshra.s32 s8, $0x2;
	[tilespmem:v8+s19+$0x0] =	vst.idx.msk $0xffff, v3  }
0x68: {  	s8 =	sadd.s32 $0x40, s8;
	v8 =	vld [tilespmem:s9+$0x8980]  }
0x69: {  	v9 =	vld [tilespmem:s9+$0x8180];
	_ =	sdelay $0x4  }
0x6a: {  	v11 =	vshll.u32 v8, $0x3;
	v10 =	vshll.u32 v9, $0x8  }
0x6b: {  	v11 =	vand.u32 $0xFFFFFC00, v11;
	v9 =	vshll.u32 v9, $0x7;
	v10 =	vand.u32 $0xFFFFF800, v10  }
0x6c: {  	v9 =	vand.u32 $0x380, v9;
	v10 =	vadd.s32 v10, v11  }
0x6d: {  	v8 =	vand.u32 $0x7F, v8;
	v9 =	vor.u32 v9, v10  }
0x6e: {  	v8 =	vor.u32 v8, v9;
	_ =	sdelay $0x3  }
0x6f: {  	s9 =	sshll.u32 s6, $0xD;
	s8 =	rddreg [dreg:$0x5]  }
0x70: {  	s10 =	sadd.s32 s8, s9;
	s8 =	simm.s32 $0x0;
	[tilespmem:v8+s19+$0x0] =	vst.idx.msk $0xffff, v3  }
0x71: {  	[hbm4b:s10+s8] =	stream.linear.scatter [tilespmem:s19], [sflag:$0x2], $0x10000, $0x38;
	[tilespmem:$0x1E180] =	vst v63  }
0x72: {  	v8 =	vld [tilespmem:$0x10];
	_ =	sdelay $0x4  }
0x73: {  	v9 =	vshll.u32 v8, $0x1  }
0x74: {  	v8 =	vand.u32 $0x7, v8;
	v9 =	vand.u32 $0xFFFFFFF0, v9  }
0x75: {  	v8 =	vor.u32 v8, v9  }
0x76: {  	v9 =	vperm.xlane v8, v4;
	_ =	sdelay $0x1  }
0x77: {  	v8 =	vperm.xlane v8, v6;
	v9 =	vadd.s32 v5, v9;
	_ =	sdelay $0x1  }
0x78: {  	v8 =	vadd.s32 v5, v8;
	_ =	sdelay $0x2  }
0x79: {  	[tilespmem:s20], [sflag:$0x1] =	stream.indirect_vreg.gather [hbm4b:s2+s8], $0x80, v9, vm0, $0xb8;
	[tilespmem:$0x1E180] =	vst v63  }
0x7a: {  	_ = 	snop  }
0x7b: {  	[tilespmem:s21], [sflag:$0x1] =	stream.indirect_vreg.gather [hbm4b:s2+s8], $0x80, v8, vm0, $0xb8;
	[tilespmem:$0x1E180] =	vst v63  }
0x7c: {  	v8 =	vld [tilespmem:$0x20];
	_ =	sdelay $0x4  }
0x7d: {  	v9 =	vshll.u32 v8, $0x1  }
0x7e: {  	v8 =	vand.u32 $0x7, v8;
	v9 =	vand.u32 $0xFFFFFFF0, v9  }
0x7f: {  	v8 =	vor.u32 v8, v9  }
0x80: {  	v9 =	vperm.xlane v8, v4;
	_ =	sdelay $0x1  }
0x81: {  	v8 =	vperm.xlane v8, v6;
	v9 =	vadd.s32 v5, v9;
	_ =	sdelay $0x1  }
0x82: {  	v8 =	vadd.s32 v5, v8;
	_ =	sdelay $0x2  }
0x83: {  	[tilespmem:s22], [sflag:$0x1] =	stream.indirect_vreg.gather [hbm4b:s2+s8], $0x80, v9, vm0, $0xb8;
	[tilespmem:$0x1E180] =	vst v63  }
0x84: {  	_ = 	snop  }
0x85: {  	[tilespmem:s23], [sflag:$0x1] =	stream.indirect_vreg.gather [hbm4b:s2+s8], $0x80, v8, vm0, $0xb8;
	[tilespmem:$0x1E180] =	vst v63  }
0x86: {  	v8 =	vld [tilespmem:$0x30];
	_ =	sdelay $0x4  }
0x87: {  	v9 =	vshll.u32 v8, $0x1  }
0x88: {  	v8 =	vand.u32 $0x7, v8;
	v9 =	vand.u32 $0xFFFFFFF0, v9  }
0x89: {  	v8 =	vor.u32 v8, v9  }
0x8a: {  	v9 =	vperm.xlane v8, v4;
	_ =	sdelay $0x1  }
0x8b: {  	v8 =	vperm.xlane v8, v6;
	v9 =	vadd.s32 v5, v9;
	_ =	sdelay $0x1  }
0x8c: {  	v8 =	vadd.s32 v5, v8;
	_ =	sdelay $0x2  }
0x8d: {  	[tilespmem:s24], [sflag:$0x1] =	stream.indirect_vreg.gather [hbm4b:s2+s8], $0x80, v9, vm0, $0xb8;
	[tilespmem:$0x1E180] =	vst v63  }
0x8e: {  	_ = 	snop  }
0x8f: {  	[tilespmem:s25], [sflag:$0x1] =	stream.indirect_vreg.gather [hbm4b:s2+s8], $0x80, v8, vm0, $0xb8;
	[tilespmem:$0x1E180] =	vst v63  }
0x90: {  	v8 =	vld [tilespmem:$0x40];
	_ =	sdelay $0x4  }
0x91: {  	v9 =	vshll.u32 v8, $0x1  }
0x92: {  	v8 =	vand.u32 $0x7, v8;
	v9 =	vand.u32 $0xFFFFFFF0, v9  }
0x93: {  	v8 =	vor.u32 v8, v9  }
0x94: {  	v9 =	vperm.xlane v8, v4;
	_ =	sdelay $0x1  }
0x95: {  	v8 =	vperm.xlane v8, v6;
	v9 =	vadd.s32 v5, v9;
	_ =	sdelay $0x1  }
0x96: {  	v8 =	vadd.s32 v5, v8;
	_ =	sdelay $0x2  }
0x97: {  	[tilespmem:s26], [sflag:$0x1] =	stream.indirect_vreg.gather [hbm4b:s2+s8], $0x80, v9, vm0, $0xb8;
	[tilespmem:$0x1E180] =	vst v63  }
0x98: {  	_ = 	snop  }
0x99: {  	[tilespmem:s28], [sflag:$0x1] =	stream.indirect_vreg.gather [hbm4b:s2+s8], $0x80, v8, vm0, $0xb8;
	[tilespmem:$0x1E180] =	vst v63  }
0x9a: {  	_ =	swait.ge [sflag:s29], $0x4000  }
0x9b: {  	[sflag:s29] =	ssyncset.done $0x0  }
0x9c: {  	[sflag:s29] =	ssyncadd.s32 $0xFFFFC000  }
0x9d: {  	v8 =	vld [tilespmem:$0x50];
	_ =	sdelay $0x4  }
0x9e: {  	v9 =	vshll.u32 v8, $0x1  }
0x9f: {  	v8 =	vand.u32 $0x7, v8;
	v9 =	vand.u32 $0xFFFFFFF0, v9  }
0xa0: {  	v8 =	vor.u32 v8, v9  }
0xa1: {  	v9 =	vperm.xlane v8, v4;
	_ =	sdelay $0x1  }
0xa2: {  	v8 =	vperm.xlane v8, v6;
	v9 =	vadd.s32 v5, v9;
	_ =	sdelay $0x1  }
0xa3: {  	v8 =	vadd.s32 v5, v8;
	_ =	sdelay $0x2  }
0xa4: {  	[tilespmem:s30], [sflag:$0x1] =	stream.indirect_vreg.gather [hbm4b:s2+s8], $0x80, v9, vm0, $0xb8;
	[tilespmem:$0x1E180] =	vst v63  }
0xa5: {  	_ = 	snop  }
0xa6: {  	[tilespmem:s31], [sflag:$0x1] =	stream.indirect_vreg.gather [hbm4b:s2+s8], $0x80, v8, vm0, $0xb8;
	[tilespmem:$0x1E180] =	vst v63  }
0xa7: {  	v8 =	vld [tilespmem:$0x60];
	_ =	sdelay $0x4  }
0xa8: {  	v9 =	vshll.u32 v8, $0x1  }
0xa9: {  	v8 =	vand.u32 $0x7, v8;
	v9 =	vand.u32 $0xFFFFFFF0, v9  }
0xaa: {  	v8 =	vor.u32 v8, v9  }
0xab: {  	v9 =	vperm.xlane v8, v4;
	_ =	sdelay $0x1  }
0xac: {  	v8 =	vperm.xlane v8, v6;
	v9 =	vadd.s32 v5, v9;
	_ =	sdelay $0x1  }
0xad: {  	v8 =	vadd.s32 v5, v8;
	_ =	sdelay $0x2  }
0xae: {  	[tilespmem:s0], [sflag:$0x1] =	stream.indirect_vreg.gather [hbm4b:s2+s8], $0x80, v9, vm0, $0xb8;
	[tilespmem:$0x1E180] =	vst v63  }
0xaf: {  	_ = 	snop  }
0xb0: {  	[tilespmem:s7], [sflag:$0x1] =	stream.indirect_vreg.gather [hbm4b:s2+s8], $0x80, v8, vm0, $0xb8;
	[tilespmem:$0x1E180] =	vst v63  }
0xb1: {  	v8 =	vld [tilespmem:$0x70];
	_ =	sdelay $0x4  }
0xb2: {  	v9 =	vshll.u32 v8, $0x1  }
0xb3: {  	v8 =	vand.u32 $0x7, v8;
	v9 =	vand.u32 $0xFFFFFFF0, v9  }
0xb4: {  	v8 =	vor.u32 v8, v9  }
0xb5: {  	v9 =	vperm.xlane v8, v4;
	_ =	sdelay $0x1  }
0xb6: {  	v8 =	vperm.xlane v8, v6;
	v9 =	vadd.s32 v5, v9;
	_ =	sdelay $0x1  }
0xb7: {  	v8 =	vadd.s32 v5, v8;
	_ =	sdelay $0x2  }
0xb8: {  	[tilespmem:s1], [sflag:$0x1] =	stream.indirect_vreg.gather [hbm4b:s2+s8], $0x80, v9, vm0, $0xb8;
	[tilespmem:$0x1E180] =	vst v63  }
0xb9: {  	_ = 	snop  }
0xba: {  	[tilespmem:s14], [sflag:$0x1] =	stream.indirect_vreg.gather [hbm4b:s2+s8], $0x80, v8, vm0, $0xb8;
	[tilespmem:$0x1E180] =	vst v63  }
0xbb: {  	v8 =	vld [tilespmem:$0x80];
	_ =	sdelay $0x4  }
0xbc: {  	v9 =	vshll.u32 v8, $0x1  }
0xbd: {  	v8 =	vand.u32 $0x7, v8;
	v9 =	vand.u32 $0xFFFFFFF0, v9  }
0xbe: {  	v8 =	vor.u32 v8, v9  }
0xbf: {  	v9 =	vperm.xlane v8, v4;
	_ =	sdelay $0x1  }
0xc0: {  	v8 =	vperm.xlane v8, v6;
	v9 =	vadd.s32 v5, v9;
	_ =	sdelay $0x1  }
0xc1: {  	v8 =	vadd.s32 v5, v8;
	_ =	sdelay $0x2  }
0xc2: {  	[tilespmem:s15], [sflag:$0x1] =	stream.indirect_vreg.gather [hbm4b:s2+s8], $0x80, v9, vm0, $0xb8;
	[tilespmem:$0x1E180] =	vst v63  }
0xc3: {  	s13 =	rddreg [dreg:$0x4]  }
0xc4: {  	[tilespmem:s17], [sflag:$0x1] =	stream.indirect_vreg.gather [hbm4b:s2+s8], $0x80, v8, vm0, $0xb8;
	[tilespmem:$0x1E180] =	vst v63  }
0xc5: {  	s10 =	sadd.s32 s13, s9  }
0xc6: {  	[hbm4b:s10+s8] =	stream.linear.scatter [tilespmem:s20], [sflag:$0x3], $0x4000, $0x38;
	[tilespmem:$0x1E180] =	vst v63  }
0xc7: {  	_ =	swait.ge [sflag:s16], $0x4000  }
0xc8: {  	[sflag:s16] =	ssyncset.done $0x0  }
0xc9: {  	[sflag:s16] =	ssyncadd.s32 $0xFFFFC000  }
0xca: {  	_ =	swait.ge [sflag:s29], $0x4000  }
0xcb: {  	[sflag:s29] =	ssyncset.done $0x0  }
0xcc: {  	[sflag:s29] =	ssyncadd.s32 $0xFFFFC000  }
0xcd: {  	v8 =	vld [tilespmem:$0x90];
	_ =	sdelay $0x4  }
0xce: {  	v9 =	vshll.u32 v8, $0x1  }
0xcf: {  	v8 =	vand.u32 $0x7, v8;
	v9 =	vand.u32 $0xFFFFFFF0, v9  }
0xd0: {  	v8 =	vor.u32 v8, v9  }
0xd1: {  	v9 =	vperm.xlane v8, v4;
	_ =	sdelay $0x1  }
0xd2: {  	v8 =	vperm.xlane v8, v6;
	v9 =	vadd.s32 v5, v9;
	_ =	sdelay $0x1  }
0xd3: {  	v8 =	vadd.s32 v5, v8;
	_ =	sdelay $0x2  }
0xd4: {  	[tilespmem:s20], [sflag:$0x1] =	stream.indirect_vreg.gather [hbm4b:s2+s8], $0x80, v9, vm0, $0xb8;
	[tilespmem:$0x1E180] =	vst v63  }
0xd5: {  	_ = 	snop  }
0xd6: {  	[tilespmem:s21], [sflag:$0x1] =	stream.indirect_vreg.gather [hbm4b:s2+s8], $0x80, v8, vm0, $0xb8;
	[tilespmem:$0x1E180] =	vst v63  }
0xd7: {  	v8 =	vld [tilespmem:$0xA0];
	_ =	sdelay $0x4  }
0xd8: {  	v9 =	vshll.u32 v8, $0x1  }
0xd9: {  	v8 =	vand.u32 $0x7, v8;
	v9 =	vand.u32 $0xFFFFFFF0, v9  }
0xda: {  	v8 =	vor.u32 v8, v9  }
0xdb: {  	v9 =	vperm.xlane v8, v4;
	_ =	sdelay $0x1  }
0xdc: {  	v8 =	vperm.xlane v8, v6;
	v9 =	vadd.s32 v5, v9;
	_ =	sdelay $0x1  }
0xdd: {  	v8 =	vadd.s32 v5, v8;
	_ =	sdelay $0x2  }
0xde: {  	[tilespmem:s22], [sflag:$0x1] =	stream.indirect_vreg.gather [hbm4b:s2+s8], $0x80, v9, vm0, $0xb8;
	[tilespmem:$0x1E180] =	vst v63  }
0xdf: {  	_ = 	snop  }
0xe0: {  	[tilespmem:s23], [sflag:$0x1] =	stream.indirect_vreg.gather [hbm4b:s2+s8], $0x80, v8, vm0, $0xb8;
	[tilespmem:$0x1E180] =	vst v63  }
0xe1: {  	v8 =	vld [tilespmem:$0xB0];
	_ =	sdelay $0x4  }
0xe2: {  	v9 =	vshll.u32 v8, $0x1  }
0xe3: {  	v8 =	vand.u32 $0x7, v8;
	v9 =	vand.u32 $0xFFFFFFF0, v9  }
0xe4: {  	v8 =	vor.u32 v8, v9  }
0xe5: {  	v9 =	vperm.xlane v8, v4;
	_ =	sdelay $0x1  }
0xe6: {  	v8 =	vperm.xlane v8, v6;
	v9 =	vadd.s32 v5, v9;
	_ =	sdelay $0x1  }
0xe7: {  	v8 =	vadd.s32 v5, v8;
	_ =	sdelay $0x2  }
0xe8: {  	[tilespmem:s24], [sflag:$0x1] =	stream.indirect_vreg.gather [hbm4b:s2+s8], $0x80, v9, vm0, $0xb8;
	[tilespmem:$0x1E180] =	vst v63  }
0xe9: {  	_ = 	snop  }
0xea: {  	[tilespmem:s25], [sflag:$0x1] =	stream.indirect_vreg.gather [hbm4b:s2+s8], $0x80, v8, vm0, $0xb8;
	[tilespmem:$0x1E180] =	vst v63  }
0xeb: {  	v8 =	vld [tilespmem:$0xC0];
	_ =	sdelay $0x4  }
0xec: {  	v9 =	vshll.u32 v8, $0x1  }
0xed: {  	v8 =	vand.u32 $0x7, v8;
	v9 =	vand.u32 $0xFFFFFFF0, v9  }
0xee: {  	v8 =	vor.u32 v8, v9  }
0xef: {  	v9 =	vperm.xlane v8, v4;
	_ =	sdelay $0x1  }
0xf0: {  	v8 =	vperm.xlane v8, v6;
	v9 =	vadd.s32 v5, v9;
	_ =	sdelay $0x1  }
0xf1: {  	v8 =	vadd.s32 v5, v8;
	_ =	sdelay $0x2  }
0xf2: {  	[tilespmem:s26], [sflag:$0x1] =	stream.indirect_vreg.gather [hbm4b:s2+s8], $0x80, v9, vm0, $0xb8;
	[tilespmem:$0x1E180] =	vst v63  }
0xf3: {  	s11 =	rddreg [dreg:$0x8]  }
0xf4: {  	[tilespmem:s28], [sflag:$0x1] =	stream.indirect_vreg.gather [hbm4b:s2+s8], $0x80, v8, vm0, $0xb8;
	[tilespmem:$0x1E180] =	vst v63  }
0xf5: {  	s10 =	sadd.s32 s9, s11  }
0xf6: {  	[hbm4b:s10+s8] =	stream.linear.scatter [tilespmem:s30], [sflag:$0x3], $0x4000, $0x38;
	[tilespmem:$0x1E180] =	vst v63  }
0xf7: {  	_ =	swait.ge [sflag:s16], $0x4000  }
0xf8: {  	[sflag:s16] =	ssyncset.done $0x0  }
0xf9: {  	[sflag:s16] =	ssyncadd.s32 $0xFFFFC000  }
0xfa: {  	_ =	swait.ge [sflag:s29], $0x4000  }
0xfb: {  	[sflag:s29] =	ssyncset.done $0x0  }
0xfc: {  	[sflag:s29] =	ssyncadd.s32 $0xFFFFC000  }
0xfd: {  	v8 =	vld [tilespmem:$0xD0];
	_ =	sdelay $0x4  }
0xfe: {  	v9 =	vshll.u32 v8, $0x1  }
0xff: {  	v8 =	vand.u32 $0x7, v8;
	v9 =	vand.u32 $0xFFFFFFF0, v9  }
0x100: {  	v8 =	vor.u32 v8, v9  }
0x101: {  	v9 =	vperm.xlane v8, v4;
	_ =	sdelay $0x1  }
0x102: {  	v8 =	vperm.xlane v8, v6;
	v9 =	vadd.s32 v5, v9;
	_ =	sdelay $0x1  }
0x103: {  	v8 =	vadd.s32 v5, v8;
	_ =	sdelay $0x2  }
0x104: {  	[tilespmem:s30], [sflag:$0x1] =	stream.indirect_vreg.gather [hbm4b:s2+s8], $0x80, v9, vm0, $0xb8;
	[tilespmem:$0x1E180] =	vst v63  }
0x105: {  	_ = 	snop  }
0x106: {  	[tilespmem:s31], [sflag:$0x1] =	stream.indirect_vreg.gather [hbm4b:s2+s8], $0x80, v8, vm0, $0xb8;
	[tilespmem:$0x1E180] =	vst v63  }
0x107: {  	v8 =	vld [tilespmem:$0xE0];
	_ =	sdelay $0x4  }
0x108: {  	v9 =	vshll.u32 v8, $0x1  }
0x109: {  	v8 =	vand.u32 $0x7, v8;
	v9 =	vand.u32 $0xFFFFFFF0, v9  }
0x10a: {  	v8 =	vor.u32 v8, v9  }
0x10b: {  	v9 =	vperm.xlane v8, v4;
	_ =	sdelay $0x1  }
0x10c: {  	v8 =	vperm.xlane v8, v6;
	v9 =	vadd.s32 v5, v9;
	_ =	sdelay $0x1  }
0x10d: {  	v8 =	vadd.s32 v5, v8;
	_ =	sdelay $0x2  }
0x10e: {  	[tilespmem:s0], [sflag:$0x1] =	stream.indirect_vreg.gather [hbm4b:s2+s8], $0x80, v9, vm0, $0xb8;
	[tilespmem:$0x1E180] =	vst v63  }
0x10f: {  	_ = 	snop  }
0x110: {  	[tilespmem:s7], [sflag:$0x1] =	stream.indirect_vreg.gather [hbm4b:s2+s8], $0x80, v8, vm0, $0xb8;
	[tilespmem:$0x1E180] =	vst v63  }
0x111: {  	v8 =	vld [tilespmem:$0xF0];
	_ =	sdelay $0x4  }
0x112: {  	v9 =	vshll.u32 v8, $0x1  }
0x113: {  	v8 =	vand.u32 $0x7, v8;
	v9 =	vand.u32 $0xFFFFFFF0, v9  }
0x114: {  	v8 =	vor.u32 v8, v9  }
0x115: {  	v9 =	vperm.xlane v8, v4;
	_ =	sdelay $0x1  }
0x116: {  	v8 =	vperm.xlane v8, v6;
	v9 =	vadd.s32 v5, v9;
	_ =	sdelay $0x1  }
0x117: {  	v8 =	vadd.s32 v5, v8;
	_ =	sdelay $0x2  }
0x118: {  	[tilespmem:s1], [sflag:$0x1] =	stream.indirect_vreg.gather [hbm4b:s2+s8], $0x80, v9, vm0, $0xb8;
	[tilespmem:$0x1E180] =	vst v63  }
0x119: {  	_ = 	snop  }
0x11a: {  	[tilespmem:s14], [sflag:$0x1] =	stream.indirect_vreg.gather [hbm4b:s2+s8], $0x80, v8, vm0, $0xb8;
	[tilespmem:$0x1E180] =	vst v63  }
0x11b: {  	v8 =	vld [tilespmem:$0x100];
	_ =	sdelay $0x4  }
0x11c: {  	v9 =	vshll.u32 v8, $0x1  }
0x11d: {  	v8 =	vand.u32 $0x7, v8;
	v9 =	vand.u32 $0xFFFFFFF0, v9  }
0x11e: {  	v8 =	vor.u32 v8, v9  }
0x11f: {  	v9 =	vperm.xlane v8, v4;
	_ =	sdelay $0x1  }
0x120: {  	v8 =	vperm.xlane v8, v6;
	v9 =	vadd.s32 v5, v9;
	_ =	sdelay $0x1  }
0x121: {  	v8 =	vadd.s32 v5, v8;
	_ =	sdelay $0x2  }
0x122: {  	[tilespmem:s15], [sflag:$0x1] =	stream.indirect_vreg.gather [hbm4b:s2+s8], $0x80, v9, vm0, $0xb8;
	[tilespmem:$0x1E180] =	vst v63  }
0x123: {  	s12 =	rddreg [dreg:$0xa]  }
0x124: {  	[tilespmem:s17], [sflag:$0x1] =	stream.indirect_vreg.gather [hbm4b:s2+s8], $0x80, v8, vm0, $0xb8;
	[tilespmem:$0x1E180] =	vst v63  }
0x125: {  	s10 =	sadd.s32 s9, s12  }
0x126: {  	[hbm4b:s10+s8] =	stream.linear.scatter [tilespmem:s20], [sflag:$0x3], $0x4000, $0x38;
	[tilespmem:$0x1E180] =	vst v63  }
0x127: {  	_ =	swait.ge [sflag:s16], $0x4000  }
0x128: {  	[sflag:s16] =	ssyncset.done $0x0  }
0x129: {  	[sflag:s16] =	ssyncadd.s32 $0xFFFFC000  }
0x12a: {  	_ =	swait.ge [sflag:s29], $0x4000  }
0x12b: {  	[sflag:s29] =	ssyncset.done $0x0;
	s13 =	rddreg [dreg:$0xb]  }
0x12c: {  	[sflag:s29] =	ssyncadd.s32 $0xFFFFC000;
	s9 =	sadd.s32 s9, s13  }
0x12d: {  	[hbm4b:s9+s8] =	stream.linear.scatter [tilespmem:s30], [sflag:$0x3], $0x4000, $0x38;
	[tilespmem:$0x1E180] =	vst v63  }
0x12e: {  	_ =	swait.ge [sflag:s16], $0x4000  }
0x12f: {  	[sflag:s16] =	ssyncset.done $0x0  }
0x130: {  	s9 =	simm.s32 $0x11;
	[sflag:s16] =	ssyncadd.s32 $0xFFFFC000  }
0x131: {  	v9 =	vld [tilespmem:s9+$0xFFFFFFFE]  }
0x132: {  	v8 =	vld [tilespmem:s9+$0xFFFFFFFF]  }
0x133: {  	s11 =	simm.s32 $0x0;
	s12 =	simm.s32 $0x11;
	s10 =	simm.s32 $0x1;
	v10 =	vld [tilespmem:s9+$0x0]  }
.LBB2_9:
0x134: {  	p0 =	sne.s32 s10, $0xF;
	_ =	sdelay $0x1  }
0x135: {  	s13 =	scvt.s32.f32 s11;
	s11 =	smov.u32 s10  }
0x136: {  	vm1 =	vne.s32 v8, v9  }
0x137: {  	s13 =	smul.f32 $1.600000000e+01, s13;
	vm2 =	vne.s32 v8, v10;
	_ =	sdelay $0x1  }
0x138: {  	v9 =	vadd.f32 s13, v7;
	_ =	sdelay $0x1  }
0x139: {  	v10 =	vadd.f32 $1.000000000e+00, v9  }
.Ltmp4:
0x13a: {  	[tilespmem:v8+s18+$0x0] =	vst.idx.msk vm1, v9;
	(pc) =	sbr.rel @p0 .LBB2_9-.Ltmp4, $4  }
0x13b: {  	s12 =	sadd.s32 $0x10, s12;
	[tilespmem:v8+s3+$0x0] =	vst.idx.msk vm2, v10  }
0x13c: {  	v9 =	vld [tilespmem:s12+$0xFFFFFFFE]  }
0x13d: {  	v8 =	vld [tilespmem:s12+$0xFFFFFFFF]  }
0x13e: {  	s10 =	sadd.s32 $0x1, s10;
	v10 =	vld [tilespmem:s12+$0x0]  }
0x13f: {  	_ =	sdelay $0x1  }
0x140: {  	s10 =	scvt.s32.f32 s11  }
0x141: {  	vm1 =	vne.s32 v8, v9  }
0x142: {  	s10 =	smul.f32 $1.600000000e+01, s10;
	vm2 =	vne.s32 v8, v10;
	_ =	sdelay $0x1  }
0x143: {  	v9 =	vadd.f32 s10, v7;
	_ =	sdelay $0x1  }
0x144: {  	v10 =	vadd.f32 $1.000000000e+00, v9  }
0x145: {  	[tilespmem:v8+s18+$0x0] =	vst.idx.msk vm1, v9  }
0x146: {  	[tilespmem:v8+s3+$0x0] =	vst.idx.msk vm2, v10  }
0x147: {  	s10 =	simm.s32 $0x1;
	v8 =	vld [tilespmem:s9+$0xFFFFFFFF]  }
.LBB2_11:
0x148: {  	p0 =	sne.s32 s10, $0xF;
	_ =	sdelay $0x3  }
0x149: {  	v9 =	vld [tilespmem:s9+$0x0]  }
0x14a: {  	s11 =	scvt.s32.f32 s8;
	s8 =	smov.u32 s10;
	_ =	sdelay $0x1  }
0x14b: {  	s11 =	smul.f32 $1.600000000e+01, s11;
	v10 =	vld.idx.msk [tilespmem:v8+s18+$0x0], $0xffff;
	_ =	sdelay $0x1  }
0x14c: {  	vm1 =	vne.s32 v8, v9;
	v9 =	vadd.f32 s11, v7;
	_ =	sdelay $0x1  }
0x14d: {  	v9 =	vadd.f32 $1.000000000e+00, v9  }
.Ltmp5:
0x14e: {  	(pc) =	sbr.rel @p0 .LBB2_11-.Ltmp5, $3  }
0x14f: {  	v9 =	vsub.f32 v9, v10;
	_ =	sdelay $0x1  }
0x150: {  	s9 =	sadd.s32 $0x10, s9;
	[tilespmem:v8+s3+$0x0] =	vst.idx.msk vm1, v9  }
0x151: {  	s10 =	sadd.s32 $0x1, s10;
	v8 =	vld [tilespmem:s9+$0xFFFFFFFF]  }
0x152: {  	_ =	sdelay $0x3  }
0x153: {  	v9 =	vld [tilespmem:s9+$0x0]  }
0x154: {  	s8 =	scvt.s32.f32 s8;
	_ =	sdelay $0x1  }
0x155: {  	s8 =	smul.f32 $1.600000000e+01, s8  }
0x156: {  	v10 =	vld.idx.msk [tilespmem:v8+s18+$0x0], $0xffff  }
0x157: {  	vm1 =	vne.s32 v8, v9;
	v9 =	vadd.f32 s8, v7;
	_ =	sdelay $0x1  }
0x158: {  	v9 =	vadd.f32 $1.000000000e+00, v9;
	_ =	sdelay $0x1  }
0x159: {  	s6 =	smul.u32 $0x500, s6;
	v9 =	vsub.f32 v9, v10  }
0x15a: {  	s12 =	rddreg [dreg:$0x6]  }
0x15b: {  	s13 =	simm.s32 $0x0;
	s6 =	sadd.s32 s12, s6;
	[tilespmem:v8+s3+$0x0] =	vst.idx.msk vm1, v9  }
0x15c: {  	[hbm4b:s6+s13] =	stream.linear.scatter [tilespmem:s3], [sflag:$0x3], $0x2800, $0x38;
	[tilespmem:$0x1E180] =	vst v63  }
0x15d: {  	_ =	swait.ge [sflag:s16], $0x2800  }
0x15e: {  	[sflag:s16] =	ssyncset.done $0x0  }
0x15f: {  	[sflag:s16] =	ssyncadd.s32 $0xFFFFD800  }
0x160: {  	v8 =	vld [tilespmem:$0x10];
	_ =	sdelay $0x7  }
0x161: {  	[tilespmem:v8+s3+$0x0] =	vst.idx.msk $0xffff, v0  }
0x162: {  	[tilespmem:v8+s18+$0x0] =	vst.idx.msk $0xffff, v0  }
0x163: {  	v8 =	vld [tilespmem:$0x20];
	_ =	sdelay $0x7  }
0x164: {  	[tilespmem:v8+s3+$0x0] =	vst.idx.msk $0xffff, v0  }
0x165: {  	[tilespmem:v8+s18+$0x0] =	vst.idx.msk $0xffff, v0  }
0x166: {  	v8 =	vld [tilespmem:$0x30];
	_ =	sdelay $0x7  }
0x167: {  	[tilespmem:v8+s3+$0x0] =	vst.idx.msk $0xffff, v0  }
0x168: {  	[tilespmem:v8+s18+$0x0] =	vst.idx.msk $0xffff, v0  }
0x169: {  	v8 =	vld [tilespmem:$0x40];
	_ =	sdelay $0x7  }
0x16a: {  	[tilespmem:v8+s3+$0x0] =	vst.idx.msk $0xffff, v0  }
0x16b: {  	[tilespmem:v8+s18+$0x0] =	vst.idx.msk $0xffff, v0  }
0x16c: {  	v8 =	vld [tilespmem:$0x50];
	_ =	sdelay $0x7  }
0x16d: {  	[tilespmem:v8+s3+$0x0] =	vst.idx.msk $0xffff, v0  }
0x16e: {  	[tilespmem:v8+s18+$0x0] =	vst.idx.msk $0xffff, v0  }
0x16f: {  	v8 =	vld [tilespmem:$0x60];
	_ =	sdelay $0x7  }
0x170: {  	[tilespmem:v8+s3+$0x0] =	vst.idx.msk $0xffff, v0  }
0x171: {  	[tilespmem:v8+s18+$0x0] =	vst.idx.msk $0xffff, v0  }
0x172: {  	v8 =	vld [tilespmem:$0x70];
	_ =	sdelay $0x7  }
0x173: {  	[tilespmem:v8+s3+$0x0] =	vst.idx.msk $0xffff, v0  }
0x174: {  	[tilespmem:v8+s18+$0x0] =	vst.idx.msk $0xffff, v0  }
0x175: {  	v8 =	vld [tilespmem:$0x80];
	_ =	sdelay $0x7  }
0x176: {  	[tilespmem:v8+s3+$0x0] =	vst.idx.msk $0xffff, v0  }
0x177: {  	[tilespmem:v8+s18+$0x0] =	vst.idx.msk $0xffff, v0  }
0x178: {  	v8 =	vld [tilespmem:$0x90];
	_ =	sdelay $0x7  }
0x179: {  	[tilespmem:v8+s3+$0x0] =	vst.idx.msk $0xffff, v0  }
0x17a: {  	[tilespmem:v8+s18+$0x0] =	vst.idx.msk $0xffff, v0  }
0x17b: {  	v8 =	vld [tilespmem:$0xA0];
	_ =	sdelay $0x7  }
0x17c: {  	[tilespmem:v8+s3+$0x0] =	vst.idx.msk $0xffff, v0  }
0x17d: {  	[tilespmem:v8+s18+$0x0] =	vst.idx.msk $0xffff, v0  }
0x17e: {  	v8 =	vld [tilespmem:$0xB0];
	_ =	sdelay $0x7  }
0x17f: {  	[tilespmem:v8+s3+$0x0] =	vst.idx.msk $0xffff, v0  }
0x180: {  	[tilespmem:v8+s18+$0x0] =	vst.idx.msk $0xffff, v0  }
0x181: {  	v8 =	vld [tilespmem:$0xC0];
	_ =	sdelay $0x7  }
0x182: {  	[tilespmem:v8+s3+$0x0] =	vst.idx.msk $0xffff, v0  }
0x183: {  	[tilespmem:v8+s18+$0x0] =	vst.idx.msk $0xffff, v0  }
0x184: {  	v8 =	vld [tilespmem:$0xD0];
	_ =	sdelay $0x7  }
0x185: {  	[tilespmem:v8+s3+$0x0] =	vst.idx.msk $0xffff, v0  }
0x186: {  	[tilespmem:v8+s18+$0x0] =	vst.idx.msk $0xffff, v0  }
0x187: {  	v8 =	vld [tilespmem:$0xE0];
	_ =	sdelay $0x7  }
0x188: {  	[tilespmem:v8+s3+$0x0] =	vst.idx.msk $0xffff, v0  }
0x189: {  	[tilespmem:v8+s18+$0x0] =	vst.idx.msk $0xffff, v0  }
0x18a: {  	v8 =	vld [tilespmem:$0xF0];
	_ =	sdelay $0x7  }
0x18b: {  	[tilespmem:v8+s3+$0x0] =	vst.idx.msk $0xffff, v0  }
0x18c: {  	[tilespmem:v8+s18+$0x0] =	vst.idx.msk $0xffff, v0  }
0x18d: {  	v8 =	vld [tilespmem:$0x100];
	_ =	sdelay $0x7  }
0x18e: {  	[tilespmem:v8+s3+$0x0] =	vst.idx.msk $0xffff, v0  }
0x18f: {  	[tilespmem:v8+s18+$0x0] =	vst.idx.msk $0xffff, v0  }
0x190: {  	_ =	swait.ge [sflag:s4], $0x10000  }
0x191: {  	[sflag:s4] =	ssyncset.done $0x0  }
0x192: {  	s8 =	simm.s32 $0x0;
	[sflag:s4] =	ssyncadd.s32 $0xFFFF0000  }
0x193: {  	s6 =	simm.s32 $0x40;
	v8 =	vld [tilespmem:s8+$0x8980]  }
.LBB2_13:
0x194: {  	p0 =	sne.s32 s6, $0x1FC0;
	v9 =	vld [tilespmem:s8+$0x8180];
	_ =	sdelay $0x4  }
0x195: {  	v11 =	vshll.u32 v8, $0x3;
	v10 =	vshll.u32 v9, $0x8  }
0x196: {  	v11 =	vand.u32 $0xFFFFFC00, v11;
	v9 =	vshll.u32 v9, $0x7;
	v10 =	vand.u32 $0xFFFFF800, v10  }
0x197: {  	v9 =	vand.u32 $0x380, v9;
	v10 =	vadd.s32 v10, v11  }
0x198: {  	v8 =	vand.u32 $0x7F, v8;
	v9 =	vor.u32 v9, v10  }
0x199: {  	v8 =	vor.u32 v8, v9;
	_ =	sdelay $0x1  }
.Ltmp6:
0x19a: {  	(pc) =	sbr.rel @p0 .LBB2_13-.Ltmp6, $3  }
0x19b: {  	_ =	sdelay $0x1  }
0x19c: {  	s8 =	sshra.s32 s6, $0x2;
	[tilespmem:v8+s19+$0x0] =	vst.idx.msk $0xffff, v0  }
0x19d: {  	s6 =	sadd.s32 $0x40, s6;
	v8 =	vld [tilespmem:s8+$0x8980]  }
0x19e: {  	v9 =	vld [tilespmem:s8+$0x8180];
	_ =	sdelay $0x4  }
0x19f: {  	v11 =	vshll.u32 v8, $0x3;
	v10 =	vshll.u32 v9, $0x8  }
0x1a0: {  	v11 =	vand.u32 $0xFFFFFC00, v11;
	v9 =	vshll.u32 v9, $0x7;
	v10 =	vand.u32 $0xFFFFF800, v10  }
0x1a1: {  	v9 =	vand.u32 $0x380, v9;
	v10 =	vadd.s32 v10, v11  }
0x1a2: {  	s5 =	sadd.s32 $0x1, s5;
	v8 =	vand.u32 $0x7F, v8;
	v9 =	vor.u32 v9, v10  }
0x1a3: {  	p0 =	sne.s32 s5, $0x8;
	v8 =	vor.u32 v8, v9  }
.Ltmp7:
0x1a4: {  	_ = 	snop;
	(pc) =	sbr.rel @p0 .LBB2_6-.Ltmp7, $2  }
0x1a5: {  	_ =	sdelay $0x2  }
0x1a6: {  	[tilespmem:v8+s19+$0x0] =	vst.idx.msk $0xffff, v0  }
0x1a7: {  	s6 =	rddreg [dreg:$0xd]  }
0x1a8: {  	s5 =	rddreg [dreg:$0xc];
	s6 =	sadd.s32 $0x1, s6  }
0x1a9: {  	p0 =	sne.s32 s6, s5  }
.Ltmp8:
0x1aa: {  	_ = 	snop;
	(pc) =	sbr.rel @p0 .LBB2_1-.Ltmp8, $1  }
0x1ab: {  	_ =	sdelay $0x3  }
0x1ac: {  	_ =	sfence.sel $0x180000  }
0x1ad: {  	[bflag:$0x0] =	sbarrier.arrive $0xFFFF  }
0x1ae: {  	_ =	strace $0x90000047  }
0x1af: {  	s0 =	stileid.u32;
	[bflag:$0x2] =	sbarrier.arrive $0xFFFF  }
0x1b0: {  	p0 =	sne.s32 s0, $0x0;
	s0 =	rddreg [dreg:$0x1]  }
0x1b1: {  	s0 =	sadd.s32 @!p0 $0x100000, s0  }
0x1b2: {  	[sflag:s0] =	ssyncadd.tile.s32 @!p0 $0x1;
	_ =	shalt  }
.Lfunc_end2:
_tile_overlayer_lowered:
.L_overlay_start_2:
0x1b3: {  	(tag) =	ssettag $0x2  }
0x1b4: {  	s0 =	rddreg [dreg:$0x0];
	s2 =	stileid.u32  }
0x1b5: {  	s1 =	rddreg [dreg:$0x1];
	p0 =	sne.s32 s2, $0x0  }
0x1b6: {  	s3 =	rddreg [dreg:$0x2];
	[bflag:$0x3] =	sbarrier.arrive $0xFFFF;
	s2 =	simm.s32 @!p0 $0x1C03  }
0x1b7: {  	[timem:s3], [sflag:s2] =	dma.local @!p0 [hbm:s0], s1  }
0x1b8: {  	s0 =	simm.s32 @!p0 $0x3  }
0x1b9: {  	_ =	swait.ge @!p0 [sflag:s0], s1  }
0x1ba: {  	s1 =	ssub.s32 @!p0 $0x0, s1;
	[sflag:s0] =	ssyncset.done @!p0 $0x0  }
0x1bb: {  	[sflag:s0] =	ssyncadd.s32 @!p0 s1  }
0x1bc: {  	[bflag:$0x3] =	sbarrier.arrive $0xFFFF  }
0x1bd: {  	_ =	shalt  }

</sc_bundles>
